<compile_context>
chip_gen: v7x
topology: tpu7x:2x2x1
jax: 0.10.2.dev20260603
libtpu: 0.0.44.dev20260713+nightly
codegen_flags: <defaults>
</compile_context>

<pallas_src>
import functools

import jax
import jax.numpy as jnp
from jax import lax
from jax.experimental import pallas as pl
from jax.experimental.pallas import tpu as pltpu
from jax.experimental.pallas import tpu_sc as plsc

N = 10000
E = 320000
D = 128
H = 128
C = 10
G = 64

NSC = 2
NTILE = 16
NW = NSC * NTILE
EPW = E // NW
NP = 10240
RPT = NP // NTILE
K = 80
NCHUNK = EPW // K
DEGW = 128

_MESH = plsc.VectorSubcoreMesh(core_axis_name="c", subcore_axis_name="s")


def _fill_f32(ref, rows, width, value):
    vec = jnp.full((16,), value, jnp.float32)

    def body(r, carry):
        for j in range(width // 16):
            ref[r, pl.ds(j * 16, 16)] = vec
        return carry

    lax.fori_loop(0, rows, body, 0)


def _fill1d_f32(ref, n, value):
    vec = jnp.full((16,), value, jnp.float32)

    def body(i, carry):
        ref[pl.ds(i * 16, 16)] = vec
        return carry

    lax.fori_loop(0, n // 16, body, 0)


@functools.partial(
    pl.kernel,
    out_type=jax.ShapeDtypeStruct((NSC * NP * DEGW,), jnp.float32),
    mesh=_MESH,
    compiler_params=pltpu.CompilerParams(needs_layout_passes=False),
    scratch_types=[
        pltpu.VMEM((NCHUNK, K), jnp.int32),
        pltpu.VMEM((NP,), jnp.float32),
        pltpu.VMEM((NTILE, RPT), jnp.float32),
        pltpu.VMEM((RPT,), jnp.float32),
        pltpu.VMEM((RPT // 128, 128), jnp.int32),
        pltpu.VMEM_SHARED((NTILE, NP), jnp.float32),
        pltpu.SemaphoreType.DMA,
    ],
)
def _sc_degree(row_hbm, out_hbm, idx_v, hist_v, stage_v, red_v, oidx_v, table, sem):
    c = lax.axis_index("c")
    s = lax.axis_index("s")
    w = c * NTILE + s
    ac_idx = pltpu.async_copy(row_hbm.at[w], idx_v, sem)
    _fill1d_f32(hist_v, NP, 0.0)
    ac_idx.wait()
    ones16 = jnp.ones((16,), jnp.float32)

    def scat(r, carry):
        for j in range(K // 16):
            plsc.addupdate_scatter(hist_v, [idx_v[r, pl.ds(j * 16, 16)]], ones16)
        return carry

    lax.fori_loop(0, NCHUNK, scat, 0)
    pltpu.sync_copy(hist_v, table.at[s])
    plsc.subcore_barrier()

    pltpu.sync_copy(table.at[:, pl.ds(s * RPT, RPT)], stage_v)

    def red(g, carry):
        acc16 = stage_v[0, pl.ds(g * 16, 16)]
        for t in range(1, NTILE):
            acc16 = acc16 + stage_v[t, pl.ds(g * 16, 16)]
        red_v[pl.ds(g * 16, 16)] = acc16
        return carry

    lax.fori_loop(0, RPT // 16, red, 0)

    base = (c * NP + s * RPT) * DEGW

    def bidx(g, carry):
        ii = lax.iota(jnp.int32, 16)
        oidx_v[g // 8, pl.ds((g % 8) * 16, 16)] = base + (ii + g * 16) * DEGW
        return carry

    lax.fori_loop(0, RPT // 16, bidx, 0)
    for j in range(RPT // 128):
        pltpu.async_copy(red_v.at[pl.ds(j * 128, 128)], out_hbm.at[oidx_v.at[j]], sem)
    for j in range(RPT // 128):
        pltpu.make_async_copy(red_v.at[pl.ds(0, 128)], out_hbm.at[oidx_v.at[0]], sem).wait()


@functools.partial(
    pl.kernel,
    out_type=jax.ShapeDtypeStruct((NSC * NP, H), jnp.float32),
    mesh=_MESH,
    scratch_types=[
        pltpu.VMEM((EPW,), jnp.int32),
        pltpu.VMEM((NCHUNK, K), jnp.int32),
        pltpu.VMEM((K, H), jnp.float32),
        pltpu.VMEM((K, H), jnp.float32),
        pltpu.VMEM_SHARED((NP, H), jnp.float32),
        pltpu.SemaphoreType.DMA,
        pltpu.SemaphoreType.DMA,
    ],
)
def _sc_aggregate(hp_hbm, row_hbm, col_hbm, out_hbm, col_v, row_v, b0, b1, acc, sem0, sem1):
    c = lax.axis_index("c")
    s = lax.axis_index("s")
    w = c * NTILE + s
    ac_col = pltpu.async_copy(col_hbm.at[pl.ds(w * EPW, EPW)], col_v, sem0)
    ac_row = pltpu.async_copy(row_hbm.at[w], row_v, sem1)
    _fill_f32(b0, K, H, 0.0)
    for t in range(RPT // K):
        pltpu.sync_copy(b0, acc.at[pl.ds(s * RPT + t * K, K), :])
    ac_col.wait()
    ac_row.wait()
    plsc.subcore_barrier()

    def gather(chunk, buf, sem):
        pltpu.async_copy(hp_hbm.at[col_v.at[pl.ds(chunk * K, K)]], buf, sem)

    def drain(buf, sem):
        pltpu.make_async_copy(hp_hbm.at[col_v.at[pl.ds(0, K)]], buf, sem).wait()

    gather(0, b0, sem0)

    def pair(j, carry):
        c0 = 2 * j
        gather(c0 + 1, b1, sem1)
        drain(b0, sem0)
        pltpu.sync_copy(b0, acc.at[row_v.at[c0]], add=True)
        gather(c0 + 2, b0, sem0)
        drain(b1, sem1)
        pltpu.sync_copy(b1, acc.at[row_v.at[c0 + 1]], add=True)
        return carry

    lax.fori_loop(0, (NCHUNK - 1) // 2, pair, 0)
    drain(b0, sem0)
    pltpu.sync_copy(b0, acc.at[row_v.at[NCHUNK - 1]], add=True)
    plsc.subcore_barrier()
    pltpu.sync_copy(
        acc.at[pl.ds(s * RPT, RPT), :],
        out_hbm.at[pl.ds(c * NP + s * RPT, RPT), :],
    )



def _bn(x, g, b):
    mu = jnp.mean(x, axis=0, keepdims=True)
    xc = x - mu
    var = jnp.mean(xc * xc, axis=0, keepdims=True)
    return xc * lax.rsqrt(var + 1e-5) * g + b


def _dis(dp):
    cnt = dp[0, :N] + dp[1, :N]
    return lax.rsqrt(cnt + 1.0)


def _tck_front(x_ref, dp_ref, fg_ref, fb_ref, Wf_ref, bf_ref, g_ref, b_ref, W_ref, o_ref):
    h = _bn(x_ref[...], fg_ref[...], fb_ref[...])
    h = jnp.dot(h, Wf_ref[...], preferred_element_type=jnp.float32) + bf_ref[...]
    h = jnp.maximum(h, 0.0)
    dis = _dis(dp_ref[...])
    u = _bn(h, g_ref[...], b_ref[...])
    o_ref[...] = dis * jnp.dot(u, W_ref[...], preferred_element_type=jnp.float32)


def _tck_mid(A_ref, hp_ref, dp_ref, bprev_ref, g_ref, b_ref, W_ref, o_ref):
    dis = _dis(dp_ref[...])
    agg = A_ref[0, :N] + A_ref[1, :N] + hp_ref[...]
    hout = jnp.maximum(dis * agg + bprev_ref[...], 0.0)
    u = _bn(hout, g_ref[...], b_ref[...])
    o_ref[...] = dis * jnp.dot(u, W_ref[...], preferred_element_type=jnp.float32)


def _tck_head(A_ref, hp_ref, dp_ref, b3_ref, batch_ref, fg_ref, fb_ref,
              Wl_ref, bl_ref, hg_ref, hb_ref, Wc_ref, bc_ref, o_ref):
    dis = _dis(dp_ref[...])
    agg = A_ref[0, :N] + A_ref[1, :N] + hp_ref[...]
    h3 = jnp.maximum(dis * agg + b3_ref[...], 0.0)
    b_row = batch_ref[0:1, :]
    seg_ids = lax.broadcasted_iota(jnp.int32, (G, 1), 0)
    mask = (b_row == seg_ids).astype(jnp.float32)
    p = jnp.dot(mask, h3, preferred_element_type=jnp.float32)
    p = _bn(p, fg_ref[...], fb_ref[...])
    p = jnp.maximum(jnp.dot(p, Wl_ref[...], preferred_element_type=jnp.float32) + bl_ref[...], 0.0)
    p = _bn(p, hg_ref[...], hb_ref[...])
    logits = jnp.dot(p, Wc_ref[...], preferred_element_type=jnp.float32) + bc_ref[...]
    m = jnp.max(logits, axis=-1, keepdims=True)
    z = logits - m
    o_ref[...] = z - jnp.log(jnp.sum(jnp.exp(z), axis=-1, keepdims=True))


def _tc(body, out_shape):
    return pl.pallas_call(body, out_shape=jax.ShapeDtypeStruct(out_shape, jnp.float32))


def kernel(x, edge_index, batch, bn_feat_g, bn_feat_b, Wf, bf,
           bn1_g, bn1_b, W1, b1, bn2_g, bn2_b, W2, b2, bn3_g, bn3_b, W3, b3,
           bn_fc_g, bn_fc_b, Wl, bl, bn_h_g, bn_h_b, Wc, bc):
    row = edge_index[0].reshape(NW, NCHUNK, K)
    col = edge_index[1]
    r2 = lambda v: v.reshape(1, -1)

    degpair = _sc_degree(row).reshape(NSC, NP, DEGW)[:, :, :1]
    hp1 = _tc(_tck_front, (N, H))(x, degpair, r2(bn_feat_g), r2(bn_feat_b),
                                  Wf, r2(bf), r2(bn1_g), r2(bn1_b), W1)
    A1 = _sc_aggregate(hp1, row, col).reshape(NSC, NP, H)
    hp2 = _tc(_tck_mid, (N, H))(A1, hp1, degpair, r2(b1), r2(bn2_g), r2(bn2_b), W2)
    A2 = _sc_aggregate(hp2, row, col).reshape(NSC, NP, H)
    hp3 = _tc(_tck_mid, (N, H))(A2, hp2, degpair, r2(b2), r2(bn3_g), r2(bn3_b), W3)
    A3 = _sc_aggregate(hp3, row, col).reshape(NSC, NP, H)
    batch2d = jnp.broadcast_to(batch[None, :], (8, N))
    out = _tc(_tck_head, (G, C))(
        A3, hp3, degpair, r2(b3), batch2d, r2(bn_fc_g), r2(bn_fc_b),
        Wl, r2(bl), r2(bn_h_g), r2(bn_h_b), Wc, r2(bc))
    return out

# --- scband reference (transcript-rebuilt; emitter-appended) ---
"""Pipeline reference for scband-res-gcn-69947837383264 (READ-ONLY COPY).

The authoritative reference and input builder live on the scoring server;
editing this copy changes nothing except your own understanding.
"""

import jax, jax.numpy as jnp
import numpy as np

N = 10000
E = 320000
D = 128
H = 128
C = 10
G = 64

def _bn(x, g, b):
    mu = jnp.mean(x, axis=0)
    var = jnp.var(x, axis=0)
    return (x - mu) / jnp.sqrt(var + 1e-5) * g + b

def _gcn(x, W, b, row, col):
    # GCNConv: linear transform, add self loops, symmetric degree norm, scatter-add aggregation
    n = x.shape[0]
    h = jnp.dot(x, W)
    loop = jnp.arange(n, dtype=row.dtype)
    r = jnp.concatenate([row, loop])
    c = jnp.concatenate([col, loop])
    ew = jnp.ones(r.shape[0], dtype=h.dtype)
    deg = jnp.zeros(n, dtype=h.dtype).at[r].add(ew)
    dis = jnp.where(deg > 0, deg ** -0.5, 0.0)
    norm = dis[r] * ew * dis[c]
    msg = h[c] * norm[:, None]
    out = jnp.zeros_like(h).at[r].add(msg)
    return out + b

def _glorot(k, fan_in, fan_out):
    lim = (6.0 / (fan_in + fan_out)) ** 0.5
    return jax.random.uniform(k, (fan_in, fan_out), minval=-lim, maxval=lim, dtype=jnp.float32)

def setup_inputs(seed: int = 0):
    key = jax.random.key(seed)
    ks = jax.random.split(key, 16)
    inp = {}
    inp["x"] = jax.random.normal(ks[0], (N, D), dtype=jnp.float32)
    inp["edge_index"] = jax.random.randint(ks[1], (2, E), 0, N, dtype=jnp.int32)
    inp["batch"] = jnp.sort(jax.random.randint(ks[2], (N,), 0, G, dtype=jnp.int32))
    inp["bn_feat_g"] = jnp.ones((D,), jnp.float32)
    inp["bn_feat_b"] = jnp.full((D,), 1e-4, jnp.float32)
    inp["Wf"] = _glorot(ks[3], D, H)
    inp["bf"] = jnp.zeros((H,), jnp.float32)
    for i, kk in zip((1, 2, 3), (ks[4], ks[5], ks[6])):
        inp["bn%d_g" % i] = jnp.ones((H,), jnp.float32)
        inp["bn%d_b" % i] = jnp.full((H,), 1e-4, jnp.float32)
        inp["W%d" % i] = _glorot(kk, H, H)
        inp["b%d" % i] = jnp.zeros((H,), jnp.float32)
    inp["bn_fc_g"] = jnp.ones((H,), jnp.float32)
    inp["bn_fc_b"] = jnp.full((H,), 1e-4, jnp.float32)
    inp["Wl"] = _glorot(ks[7], H, H)
    inp["bl"] = jnp.zeros((H,), jnp.float32)
    inp["bn_h_g"] = jnp.ones((H,), jnp.float32)
    inp["bn_h_b"] = jnp.full((H,), 1e-4, jnp.float32)
    inp["Wc"] = _glorot(ks[8], H, C)
    inp["bc"] = jnp.zeros((C,), jnp.float32)
    return inp

def reference(x, edge_index, batch, bn_feat_g, bn_feat_b, Wf, bf, bn1_g, bn1_b, W1, b1, bn2_g, bn2_b, W2, b2, bn3_g, bn3_b, W3, b3, bn_fc_g, bn_fc_b, Wl, bl, bn_h_g, bn_h_b, Wc, bc):
    row, col = edge_index[0], edge_index[1]
    h = _bn(x, bn_feat_g, bn_feat_b)
    # conv_feat has gfn=True -> pure linear, no propagation
    h = jax.nn.relu(jnp.dot(h, Wf) + bf)
    for g, b, W, bb in ((bn1_g, bn1_b, W1, b1), (bn2_g, bn2_b, W2, b2), (bn3_g, bn3_b, W3, b3)):
        h = _bn(h, g, b)
        h = jax.nn.relu(_gcn(h, W, bb, row, col))
    p = jax.ops.segment_sum(h, batch, num_segments=G)
    p = _bn(p, bn_fc_g, bn_fc_b)
    p = jax.nn.relu(jnp.dot(p, Wl) + bl)
    p = _bn(p, bn_h_g, bn_h_b)
    logits = jnp.dot(p, Wc) + bc
    return jax.nn.log_softmax(logits, axis=-1)

if __name__ == "__main__":
    import jax
    _d = setup_inputs()
    print(jax.jit(kernel)(*tuple(_d.values())))

</pallas_src>

<mosaic_0001>
#map = affine_map<(d0, d1) -> (0, 0)>
#map1 = affine_map<(d0, d1) -> (0, 0, 0)>
#map2 = affine_map<(d0, d1) -> (0)>
module attributes {stable_mosaic.version = 14 : i64} {
  func.func @_sc_aggregate(%arg0: i32, %arg1: i32, %arg2: memref<10000x128xf32, #tpu.memory_space<hbm>>, %arg3: memref<32x125x80xi32, #tpu.memory_space<hbm>>, %arg4: memref<320000xi32, #tpu.memory_space<hbm>>, %arg5: memref<20480x128xf32, #tpu.memory_space<hbm>>, %arg6: memref<10000xi32, #tpu.memory_space<vmem>>, %arg7: memref<125x80xi32, #tpu.memory_space<vmem>>, %arg8: memref<80x128xf32, #tpu.memory_space<vmem>>, %arg9: memref<80x128xf32, #tpu.memory_space<vmem>>, %arg10: memref<10240x128xf32, #tpu.memory_space<vmem_shared>>, %arg11: memref<!tpu.dma_semaphore, #tpu.memory_space<semaphore_mem>>, %arg12: memref<!tpu.dma_semaphore, #tpu.memory_space<semaphore_mem>>) attributes {dimension_semantics = [#tpu.dimension_semantics<core_parallel>, #tpu.dimension_semantics<subcore_parallel>], iteration_bounds = array<i64: 2, 16>, scalar_prefetch = 0 : i64, scratch_operands = 7 : i64, tpu.core_type = #tpu.core_type<sc_vector_subcore>, window_params = [{transform_indices = #map}, {transform_indices = #map1}, {transform_indices = #map2}, {transform_indices = #map}]} {
    %mul3A = arith.constant 16 : i32
    %mul3A_0 = arith.muli %arg0, %mul3A : i32
    %add3A = arith.addi %mul3A_0, %arg1 : i32
    %mul3A_1 = arith.constant 10000 : i32
    %mul3A_2 = arith.muli %add3A, %mul3A_1 : i32
    %dma_start3A = tpu.memref_slice %arg4[%mul3A_2] : memref<320000xi32, #tpu.memory_space<hbm>> -> memref<10000xi32, #tpu.memory_space<hbm>>
    %dma_start3A_3 = tpu.memref_slice %arg4[%mul3A_2] : memref<320000xi32, #tpu.memory_space<hbm>> -> memref<10000xi32, #tpu.memory_space<hbm>>
    tpu.enqueue_dma source(%dma_start3A_3 : memref<10000xi32, #tpu.memory_space<hbm>>) target(%arg6 : memref<10000xi32, #tpu.memory_space<vmem>>) target_semaphore(%arg11 : memref<!tpu.dma_semaphore, #tpu.memory_space<semaphore_mem>>)
    %dma_start3A_4 = arith.constant 0 : i32
    %dma_start3A_5 = arith.constant 0 : i32
    %dma_start3A_6 = tpu.memref_slice %arg3[%add3A, %dma_start3A_4, %dma_start3A_5] : memref<32x125x80xi32, #tpu.memory_space<hbm>> -> memref<1x125x80xi32, #tpu.memory_space<hbm>>
    %dma_start3A_7 = tpu.memref_squeeze %dma_start3A_6 : memref<1x125x80xi32, #tpu.memory_space<hbm>> -> memref<125x80xi32, #tpu.memory_space<hbm>>
    %dma_start3A_8 = arith.constant 0 : i32
    %dma_start3A_9 = arith.constant 0 : i32
    %dma_start3A_10 = tpu.memref_slice %arg3[%add3A, %dma_start3A_8, %dma_start3A_9] : memref<32x125x80xi32, #tpu.memory_space<hbm>> -> memref<1x125x80xi32, #tpu.memory_space<hbm>>
    %dma_start3A_11 = tpu.memref_squeeze %dma_start3A_10 : memref<1x125x80xi32, #tpu.memory_space<hbm>> -> memref<125x80xi32, #tpu.memory_space<hbm>>
    tpu.enqueue_dma source(%dma_start3A_11 : memref<125x80xi32, #tpu.memory_space<hbm>>) target(%arg7 : memref<125x80xi32, #tpu.memory_space<vmem>>) target_semaphore(%arg12 : memref<!tpu.dma_semaphore, #tpu.memory_space<semaphore_mem>>)
    %broadcast_in_dim3A = arith.constant 0.000000e+00 : f32
    %broadcast_in_dim3A_12 = vector.broadcast %broadcast_in_dim3A : f32 to vector<16xf32>
    %scan3A = arith.constant 0 : i32
    %scan3A_13 = arith.constant 0 : i32
    %scan3A_14 = arith.constant 80 : i32
    %scan3A_15 = arith.addi %scan3A_13, %scan3A_14 : i32
    %scan3A_16 = arith.constant 1 : i32
    scf.for %scan3A_83 = %scan3A_13 to %scan3A_15 step %scan3A_16  : i32 {
      %swap3A = arith.index_cast %scan3A_83 : i32 to index
      %swap3A_84 = arith.constant 0 : index
      %swap3A_85 = tpu.vector_load %arg8[%swap3A, %swap3A_84] {strides = array<i32>} : memref<80x128xf32, #tpu.memory_space<vmem>>, vector<1x16xf32>,
      %swap3A_86 = vector.shape_cast %swap3A_85 : vector<1x16xf32> to vector<16xf32>
      %swap3A_87 = vector.shape_cast %broadcast_in_dim3A_12 : vector<16xf32> to vector<1x16xf32>
      tpu.vector_store %arg8[%swap3A, %swap3A_84], %swap3A_87 {strides = array<i32>} : memref<80x128xf32, #tpu.memory_space<vmem>>, vector<1x16xf32>,
      %swap3A_88 = arith.index_cast %scan3A_83 : i32 to index
      %swap3A_89 = arith.constant 16 : index
      %swap3A_90 = tpu.vector_load %arg8[%swap3A_88, %swap3A_89] {strides = array<i32>} : memref<80x128xf32, #tpu.memory_space<vmem>>, vector<1x16xf32>,
      %swap3A_91 = vector.shape_cast %swap3A_90 : vector<1x16xf32> to vector<16xf32>
      %swap3A_92 = vector.shape_cast %broadcast_in_dim3A_12 : vector<16xf32> to vector<1x16xf32>
      tpu.vector_store %arg8[%swap3A_88, %swap3A_89], %swap3A_92 {strides = array<i32>} : memref<80x128xf32, #tpu.memory_space<vmem>>, vector<1x16xf32>,
      %swap3A_93 = arith.index_cast %scan3A_83 : i32 to index
      %swap3A_94 = arith.constant 32 : index
      %swap3A_95 = tpu.vector_load %arg8[%swap3A_93, %swap3A_94] {strides = array<i32>} : memref<80x128xf32, #tpu.memory_space<vmem>>, vector<1x16xf32>,
      %swap3A_96 = vector.shape_cast %swap3A_95 : vector<1x16xf32> to vector<16xf32>
      %swap3A_97 = vector.shape_cast %broadcast_in_dim3A_12 : vector<16xf32> to vector<1x16xf32>
      tpu.vector_store %arg8[%swap3A_93, %swap3A_94], %swap3A_97 {strides = array<i32>} : memref<80x128xf32, #tpu.memory_space<vmem>>, vector<1x16xf32>,
      %swap3A_98 = arith.index_cast %scan3A_83 : i32 to index
      %swap3A_99 = arith.constant 48 : index
      %swap3A_100 = tpu.vector_load %arg8[%swap3A_98, %swap3A_99] {strides = array<i32>} : memref<80x128xf32, #tpu.memory_space<vmem>>, vector<1x16xf32>,
      %swap3A_101 = vector.shape_cast %swap3A_100 : vector<1x16xf32> to vector<16xf32>
      %swap3A_102 = vector.shape_cast %broadcast_in_dim3A_12 : vector<16xf32> to vector<1x16xf32>
      tpu.vector_store %arg8[%swap3A_98, %swap3A_99], %swap3A_102 {strides = array<i32>} : memref<80x128xf32, #tpu.memory_space<vmem>>, vector<1x16xf32>,
      %swap3A_103 = arith.index_cast %scan3A_83 : i32 to index
      %swap3A_104 = arith.constant 64 : index
      %swap3A_105 = tpu.vector_load %arg8[%swap3A_103, %swap3A_104] {strides = array<i32>} : memref<80x128xf32, #tpu.memory_space<vmem>>, vector<1x16xf32>,
      %swap3A_106 = vector.shape_cast %swap3A_105 : vector<1x16xf32> to vector<16xf32>
      %swap3A_107 = vector.shape_cast %broadcast_in_dim3A_12 : vector<16xf32> to vector<1x16xf32>
      tpu.vector_store %arg8[%swap3A_103, %swap3A_104], %swap3A_107 {strides = array<i32>} : memref<80x128xf32, #tpu.memory_space<vmem>>, vector<1x16xf32>,
      %swap3A_108 = arith.index_cast %scan3A_83 : i32 to index
      %swap3A_109 = arith.constant 80 : index
      %swap3A_110 = tpu.vector_load %arg8[%swap3A_108, %swap3A_109] {strides = array<i32>} : memref<80x128xf32, #tpu.memory_space<vmem>>, vector<1x16xf32>,
      %swap3A_111 = vector.shape_cast %swap3A_110 : vector<1x16xf32> to vector<16xf32>
      %swap3A_112 = vector.shape_cast %broadcast_in_dim3A_12 : vector<16xf32> to vector<1x16xf32>
      tpu.vector_store %arg8[%swap3A_108, %swap3A_109], %swap3A_112 {strides = array<i32>} : memref<80x128xf32, #tpu.memory_space<vmem>>, vector<1x16xf32>,
      %swap3A_113 = arith.index_cast %scan3A_83 : i32 to index
      %swap3A_114 = arith.constant 96 : index
      %swap3A_115 = tpu.vector_load %arg8[%swap3A_113, %swap3A_114] {strides = array<i32>} : memref<80x128xf32, #tpu.memory_space<vmem>>, vector<1x16xf32>,
      %swap3A_116 = vector.shape_cast %swap3A_115 : vector<1x16xf32> to vector<16xf32>
      %swap3A_117 = vector.shape_cast %broadcast_in_dim3A_12 : vector<16xf32> to vector<1x16xf32>
      tpu.vector_store %arg8[%swap3A_113, %swap3A_114], %swap3A_117 {strides = array<i32>} : memref<80x128xf32, #tpu.memory_space<vmem>>, vector<1x16xf32>,
      %swap3A_118 = arith.index_cast %scan3A_83 : i32 to index
      %swap3A_119 = arith.constant 112 : index
      %swap3A_120 = tpu.vector_load %arg8[%swap3A_118, %swap3A_119] {strides = array<i32>} : memref<80x128xf32, #tpu.memory_space<vmem>>, vector<1x16xf32>,
      %swap3A_121 = vector.shape_cast %swap3A_120 : vector<1x16xf32> to vector<16xf32>
      %swap3A_122 = vector.shape_cast %broadcast_in_dim3A_12 : vector<16xf32> to vector<1x16xf32>
      tpu.vector_store %arg8[%swap3A_118, %swap3A_119], %swap3A_122 {strides = array<i32>} : memref<80x128xf32, #tpu.memory_space<vmem>>, vector<1x16xf32>,
    }
    %scan3A_17 = arith.constant 80 : i32
    %mul3A_18 = arith.constant 640 : i32
    %mul3A_19 = arith.muli %arg1, %mul3A_18 : i32
    %add3A_20 = arith.constant 0 : i32
    %add3A_21 = arith.addi %mul3A_19, %add3A_20 : i32
    "tpu.region"() ({
      %run_scoped3A_83 = tpu.sem_alloc : memref<!tpu.dma_semaphore, #tpu.memory_space<semaphore_mem>>
      %dma_start3A_84 = arith.constant 0 : i32
      %dma_start3A_85 = tpu.memref_slice %arg10[%add3A_21, %dma_start3A_84] : memref<10240x128xf32, #tpu.memory_space<vmem_shared>> -> memref<80x128xf32, #tpu.memory_space<vmem_shared>>
      %dma_start3A_86 = arith.constant 0 : i32
      %dma_start3A_87 = tpu.memref_slice %arg10[%add3A_21, %dma_start3A_86] : memref<10240x128xf32, #tpu.memory_space<vmem_shared>> -> memref<80x128xf32, #tpu.memory_space<vmem_shared>>
      tpu.enqueue_dma source(%arg8 : memref<80x128xf32, #tpu.memory_space<vmem>>) target(%dma_start3A_87 : memref<80x128xf32, #tpu.memory_space<vmem_shared>>) target_semaphore(%run_scoped3A_83 : memref<!tpu.dma_semaphore, #tpu.memory_space<semaphore_mem>>)
      %dma_wait3A_88 = arith.constant 0 : i32
      %dma_wait3A_89 = tpu.memref_slice %arg10[%add3A_21, %dma_wait3A_88] : memref<10240x128xf32, #tpu.memory_space<vmem_shared>> -> memref<80x128xf32, #tpu.memory_space<vmem_shared>>
      %dma_wait3A_90 = arith.constant 0 : i32
      %dma_wait3A_91 = tpu.memref_slice %arg10[%add3A_21, %dma_wait3A_90] : memref<10240x128xf32, #tpu.memory_space<vmem_shared>> -> memref<80x128xf32, #tpu.memory_space<vmem_shared>>
      tpu.wait_dma2 semaphore(%run_scoped3A_83 : memref<!tpu.dma_semaphore, #tpu.memory_space<semaphore_mem>>) src(%arg8 : memref<80x128xf32, #tpu.memory_space<vmem>>) dst(%dma_wait3A_91 : memref<80x128xf32, #tpu.memory_space<vmem_shared>>)
      tpu.yield
    }) : () -> ()
    %mul3A_22 = arith.constant 640 : i32
    %mul3A_23 = arith.muli %arg1, %mul3A_22 : i32
    %add3A_24 = arith.constant 80 : i32
    %add3A_25 = arith.addi %mul3A_23, %add3A_24 : i32
    "tpu.region"() ({
      %run_scoped3A_83 = tpu.sem_alloc : memref<!tpu.dma_semaphore, #tpu.memory_space<semaphore_mem>>
      %dma_start3A_84 = arith.constant 0 : i32
      %dma_start3A_85 = tpu.memref_slice %arg10[%add3A_25, %dma_start3A_84] : memref<10240x128xf32, #tpu.memory_space<vmem_shared>> -> memref<80x128xf32, #tpu.memory_space<vmem_shared>>
      %dma_start3A_86 = arith.constant 0 : i32
      %dma_start3A_87 = tpu.memref_slice %arg10[%add3A_25, %dma_start3A_86] : memref<10240x128xf32, #tpu.memory_space<vmem_shared>> -> memref<80x128xf32, #tpu.memory_space<vmem_shared>>
      tpu.enqueue_dma source(%arg8 : memref<80x128xf32, #tpu.memory_space<vmem>>) target(%dma_start3A_87 : memref<80x128xf32, #tpu.memory_space<vmem_shared>>) target_semaphore(%run_scoped3A_83 : memref<!tpu.dma_semaphore, #tpu.memory_space<semaphore_mem>>)
      %dma_wait3A_88 = arith.constant 0 : i32
      %dma_wait3A_89 = tpu.memref_slice %arg10[%add3A_25, %dma_wait3A_88] : memref<10240x128xf32, #tpu.memory_space<vmem_shared>> -> memref<80x128xf32, #tpu.memory_space<vmem_shared>>
      %dma_wait3A_90 = arith.constant 0 : i32
      %dma_wait3A_91 = tpu.memref_slice %arg10[%add3A_25, %dma_wait3A_90] : memref<10240x128xf32, #tpu.memory_space<vmem_shared>> -> memref<80x128xf32, #tpu.memory_space<vmem_shared>>
      tpu.wait_dma2 semaphore(%run_scoped3A_83 : memref<!tpu.dma_semaphore, #tpu.memory_space<semaphore_mem>>) src(%arg8 : memref<80x128xf32, #tpu.memory_space<vmem>>) dst(%dma_wait3A_91 : memref<80x128xf32, #tpu.memory_space<vmem_shared>>)
      tpu.yield
    }) : () -> ()
    %mul3A_26 = arith.constant 640 : i32
    %mul3A_27 = arith.muli %arg1, %mul3A_26 : i32
    %add3A_28 = arith.constant 160 : i32
    %add3A_29 = arith.addi %mul3A_27, %add3A_28 : i32
    "tpu.region"() ({
      %run_scoped3A_83 = tpu.sem_alloc : memref<!tpu.dma_semaphore, #tpu.memory_space<semaphore_mem>>
      %dma_start3A_84 = arith.constant 0 : i32
      %dma_start3A_85 = tpu.memref_slice %arg10[%add3A_29, %dma_start3A_84] : memref<10240x128xf32, #tpu.memory_space<vmem_shared>> -> memref<80x128xf32, #tpu.memory_space<vmem_shared>>
      %dma_start3A_86 = arith.constant 0 : i32
      %dma_start3A_87 = tpu.memref_slice %arg10[%add3A_29, %dma_start3A_86] : memref<10240x128xf32, #tpu.memory_space<vmem_shared>> -> memref<80x128xf32, #tpu.memory_space<vmem_shared>>
      tpu.enqueue_dma source(%arg8 : memref<80x128xf32, #tpu.memory_space<vmem>>) target(%dma_start3A_87 : memref<80x128xf32, #tpu.memory_space<vmem_shared>>) target_semaphore(%run_scoped3A_83 : memref<!tpu.dma_semaphore, #tpu.memory_space<semaphore_mem>>)
      %dma_wait3A_88 = arith.constant 0 : i32
      %dma_wait3A_89 = tpu.memref_slice %arg10[%add3A_29, %dma_wait3A_88] : memref<10240x128xf32, #tpu.memory_space<vmem_shared>> -> memref<80x128xf32, #tpu.memory_space<vmem_shared>>
      %dma_wait3A_90 = arith.constant 0 : i32
      %dma_wait3A_91 = tpu.memref_slice %arg10[%add3A_29, %dma_wait3A_90] : memref<10240x128xf32, #tpu.memory_space<vmem_shared>> -> memref<80x128xf32, #tpu.memory_space<vmem_shared>>
      tpu.wait_dma2 semaphore(%run_scoped3A_83 : memref<!tpu.dma_semaphore, #tpu.memory_space<semaphore_mem>>) src(%arg8 : memref<80x128xf32, #tpu.memory_space<vmem>>) dst(%dma_wait3A_91 : memref<80x128xf32, #tpu.memory_space<vmem_shared>>)
      tpu.yield
    }) : () -> ()
    %mul3A_30 = arith.constant 640 : i32
    %mul3A_31 = arith.muli %arg1, %mul3A_30 : i32
    %add3A_32 = arith.constant 240 : i32
    %add3A_33 = arith.addi %mul3A_31, %add3A_32 : i32
    "tpu.region"() ({
      %run_scoped3A_83 = tpu.sem_alloc : memref<!tpu.dma_semaphore, #tpu.memory_space<semaphore_mem>>
      %dma_start3A_84 = arith.constant 0 : i32
      %dma_start3A_85 = tpu.memref_slice %arg10[%add3A_33, %dma_start3A_84] : memref<10240x128xf32, #tpu.memory_space<vmem_shared>> -> memref<80x128xf32, #tpu.memory_space<vmem_shared>>
      %dma_start3A_86 = arith.constant 0 : i32
      %dma_start3A_87 = tpu.memref_slice %arg10[%add3A_33, %dma_start3A_86] : memref<10240x128xf32, #tpu.memory_space<vmem_shared>> -> memref<80x128xf32, #tpu.memory_space<vmem_shared>>
      tpu.enqueue_dma source(%arg8 : memref<80x128xf32, #tpu.memory_space<vmem>>) target(%dma_start3A_87 : memref<80x128xf32, #tpu.memory_space<vmem_shared>>) target_semaphore(%run_scoped3A_83 : memref<!tpu.dma_semaphore, #tpu.memory_space<semaphore_mem>>)
      %dma_wait3A_88 = arith.constant 0 : i32
      %dma_wait3A_89 = tpu.memref_slice %arg10[%add3A_33, %dma_wait3A_88] : memref<10240x128xf32, #tpu.memory_space<vmem_shared>> -> memref<80x128xf32, #tpu.memory_space<vmem_shared>>
      %dma_wait3A_90 = arith.constant 0 : i32
      %dma_wait3A_91 = tpu.memref_slice %arg10[%add3A_33, %dma_wait3A_90] : memref<10240x128xf32, #tpu.memory_space<vmem_shared>> -> memref<80x128xf32, #tpu.memory_space<vmem_shared>>
      tpu.wait_dma2 semaphore(%run_scoped3A_83 : memref<!tpu.dma_semaphore, #tpu.memory_space<semaphore_mem>>) src(%arg8 : memref<80x128xf32, #tpu.memory_space<vmem>>) dst(%dma_wait3A_91 : memref<80x128xf32, #tpu.memory_space<vmem_shared>>)
      tpu.yield
    }) : () -> ()
    %mul3A_34 = arith.constant 640 : i32
    %mul3A_35 = arith.muli %arg1, %mul3A_34 : i32
    %add3A_36 = arith.constant 320 : i32
    %add3A_37 = arith.addi %mul3A_35, %add3A_36 : i32
    "tpu.region"() ({
      %run_scoped3A_83 = tpu.sem_alloc : memref<!tpu.dma_semaphore, #tpu.memory_space<semaphore_mem>>
      %dma_start3A_84 = arith.constant 0 : i32
      %dma_start3A_85 = tpu.memref_slice %arg10[%add3A_37, %dma_start3A_84] : memref<10240x128xf32, #tpu.memory_space<vmem_shared>> -> memref<80x128xf32, #tpu.memory_space<vmem_shared>>
      %dma_start3A_86 = arith.constant 0 : i32
      %dma_start3A_87 = tpu.memref_slice %arg10[%add3A_37, %dma_start3A_86] : memref<10240x128xf32, #tpu.memory_space<vmem_shared>> -> memref<80x128xf32, #tpu.memory_space<vmem_shared>>
      tpu.enqueue_dma source(%arg8 : memref<80x128xf32, #tpu.memory_space<vmem>>) target(%dma_start3A_87 : memref<80x128xf32, #tpu.memory_space<vmem_shared>>) target_semaphore(%run_scoped3A_83 : memref<!tpu.dma_semaphore, #tpu.memory_space<semaphore_mem>>)
      %dma_wait3A_88 = arith.constant 0 : i32
      %dma_wait3A_89 = tpu.memref_slice %arg10[%add3A_37, %dma_wait3A_88] : memref<10240x128xf32, #tpu.memory_space<vmem_shared>> -> memref<80x128xf32, #tpu.memory_space<vmem_shared>>
      %dma_wait3A_90 = arith.constant 0 : i32
      %dma_wait3A_91 = tpu.memref_slice %arg10[%add3A_37, %dma_wait3A_90] : memref<10240x128xf32, #tpu.memory_space<vmem_shared>> -> memref<80x128xf32, #tpu.memory_space<vmem_shared>>
      tpu.wait_dma2 semaphore(%run_scoped3A_83 : memref<!tpu.dma_semaphore, #tpu.memory_space<semaphore_mem>>) src(%arg8 : memref<80x128xf32, #tpu.memory_space<vmem>>) dst(%dma_wait3A_91 : memref<80x128xf32, #tpu.memory_space<vmem_shared>>)
      tpu.yield
    }) : () -> ()
    %mul3A_38 = arith.constant 640 : i32
    %mul3A_39 = arith.muli %arg1, %mul3A_38 : i32
    %add3A_40 = arith.constant 400 : i32
    %add3A_41 = arith.addi %mul3A_39, %add3A_40 : i32
    "tpu.region"() ({
      %run_scoped3A_83 = tpu.sem_alloc : memref<!tpu.dma_semaphore, #tpu.memory_space<semaphore_mem>>
      %dma_start3A_84 = arith.constant 0 : i32
      %dma_start3A_85 = tpu.memref_slice %arg10[%add3A_41, %dma_start3A_84] : memref<10240x128xf32, #tpu.memory_space<vmem_shared>> -> memref<80x128xf32, #tpu.memory_space<vmem_shared>>
      %dma_start3A_86 = arith.constant 0 : i32
      %dma_start3A_87 = tpu.memref_slice %arg10[%add3A_41, %dma_start3A_86] : memref<10240x128xf32, #tpu.memory_space<vmem_shared>> -> memref<80x128xf32, #tpu.memory_space<vmem_shared>>
      tpu.enqueue_dma source(%arg8 : memref<80x128xf32, #tpu.memory_space<vmem>>) target(%dma_start3A_87 : memref<80x128xf32, #tpu.memory_space<vmem_shared>>) target_semaphore(%run_scoped3A_83 : memref<!tpu.dma_semaphore, #tpu.memory_space<semaphore_mem>>)
      %dma_wait3A_88 = arith.constant 0 : i32
      %dma_wait3A_89 = tpu.memref_slice %arg10[%add3A_41, %dma_wait3A_88] : memref<10240x128xf32, #tpu.memory_space<vmem_shared>> -> memref<80x128xf32, #tpu.memory_space<vmem_shared>>
      %dma_wait3A_90 = arith.constant 0 : i32
      %dma_wait3A_91 = tpu.memref_slice %arg10[%add3A_41, %dma_wait3A_90] : memref<10240x128xf32, #tpu.memory_space<vmem_shared>> -> memref<80x128xf32, #tpu.memory_space<vmem_shared>>
      tpu.wait_dma2 semaphore(%run_scoped3A_83 : memref<!tpu.dma_semaphore, #tpu.memory_space<semaphore_mem>>) src(%arg8 : memref<80x128xf32, #tpu.memory_space<vmem>>) dst(%dma_wait3A_91 : memref<80x128xf32, #tpu.memory_space<vmem_shared>>)
      tpu.yield
    }) : () -> ()
    %mul3A_42 = arith.constant 640 : i32
    %mul3A_43 = arith.muli %arg1, %mul3A_42 : i32
    %add3A_44 = arith.constant 480 : i32
    %add3A_45 = arith.addi %mul3A_43, %add3A_44 : i32
    "tpu.region"() ({
      %run_scoped3A_83 = tpu.sem_alloc : memref<!tpu.dma_semaphore, #tpu.memory_space<semaphore_mem>>
      %dma_start3A_84 = arith.constant 0 : i32
      %dma_start3A_85 = tpu.memref_slice %arg10[%add3A_45, %dma_start3A_84] : memref<10240x128xf32, #tpu.memory_space<vmem_shared>> -> memref<80x128xf32, #tpu.memory_space<vmem_shared>>
      %dma_start3A_86 = arith.constant 0 : i32
      %dma_start3A_87 = tpu.memref_slice %arg10[%add3A_45, %dma_start3A_86] : memref<10240x128xf32, #tpu.memory_space<vmem_shared>> -> memref<80x128xf32, #tpu.memory_space<vmem_shared>>
      tpu.enqueue_dma source(%arg8 : memref<80x128xf32, #tpu.memory_space<vmem>>) target(%dma_start3A_87 : memref<80x128xf32, #tpu.memory_space<vmem_shared>>) target_semaphore(%run_scoped3A_83 : memref<!tpu.dma_semaphore, #tpu.memory_space<semaphore_mem>>)
      %dma_wait3A_88 = arith.constant 0 : i32
      %dma_wait3A_89 = tpu.memref_slice %arg10[%add3A_45, %dma_wait3A_88] : memref<10240x128xf32, #tpu.memory_space<vmem_shared>> -> memref<80x128xf32, #tpu.memory_space<vmem_shared>>
      %dma_wait3A_90 = arith.constant 0 : i32
      %dma_wait3A_91 = tpu.memref_slice %arg10[%add3A_45, %dma_wait3A_90] : memref<10240x128xf32, #tpu.memory_space<vmem_shared>> -> memref<80x128xf32, #tpu.memory_space<vmem_shared>>
      tpu.wait_dma2 semaphore(%run_scoped3A_83 : memref<!tpu.dma_semaphore, #tpu.memory_space<semaphore_mem>>) src(%arg8 : memref<80x128xf32, #tpu.memory_space<vmem>>) dst(%dma_wait3A_91 : memref<80x128xf32, #tpu.memory_space<vmem_shared>>)
      tpu.yield
    }) : () -> ()
    %mul3A_46 = arith.constant 640 : i32
    %mul3A_47 = arith.muli %arg1, %mul3A_46 : i32
    %add3A_48 = arith.constant 560 : i32
    %add3A_49 = arith.addi %mul3A_47, %add3A_48 : i32
    "tpu.region"() ({
      %run_scoped3A_83 = tpu.sem_alloc : memref<!tpu.dma_semaphore, #tpu.memory_space<semaphore_mem>>
      %dma_start3A_84 = arith.constant 0 : i32
      %dma_start3A_85 = tpu.memref_slice %arg10[%add3A_49, %dma_start3A_84] : memref<10240x128xf32, #tpu.memory_space<vmem_shared>> -> memref<80x128xf32, #tpu.memory_space<vmem_shared>>
      %dma_start3A_86 = arith.constant 0 : i32
      %dma_start3A_87 = tpu.memref_slice %arg10[%add3A_49, %dma_start3A_86] : memref<10240x128xf32, #tpu.memory_space<vmem_shared>> -> memref<80x128xf32, #tpu.memory_space<vmem_shared>>
      tpu.enqueue_dma source(%arg8 : memref<80x128xf32, #tpu.memory_space<vmem>>) target(%dma_start3A_87 : memref<80x128xf32, #tpu.memory_space<vmem_shared>>) target_semaphore(%run_scoped3A_83 : memref<!tpu.dma_semaphore, #tpu.memory_space<semaphore_mem>>)
      %dma_wait3A_88 = arith.constant 0 : i32
      %dma_wait3A_89 = tpu.memref_slice %arg10[%add3A_49, %dma_wait3A_88] : memref<10240x128xf32, #tpu.memory_space<vmem_shared>> -> memref<80x128xf32, #tpu.memory_space<vmem_shared>>
      %dma_wait3A_90 = arith.constant 0 : i32
      %dma_wait3A_91 = tpu.memref_slice %arg10[%add3A_49, %dma_wait3A_90] : memref<10240x128xf32, #tpu.memory_space<vmem_shared>> -> memref<80x128xf32, #tpu.memory_space<vmem_shared>>
      tpu.wait_dma2 semaphore(%run_scoped3A_83 : memref<!tpu.dma_semaphore, #tpu.memory_space<semaphore_mem>>) src(%arg8 : memref<80x128xf32, #tpu.memory_space<vmem>>) dst(%dma_wait3A_91 : memref<80x128xf32, #tpu.memory_space<vmem_shared>>)
      tpu.yield
    }) : () -> ()
    %dma_wait3A = tpu.memref_slice %arg4[%mul3A_2] : memref<320000xi32, #tpu.memory_space<hbm>> -> memref<10000xi32, #tpu.memory_space<hbm>>
    %dma_wait3A_50 = tpu.memref_slice %arg4[%mul3A_2] : memref<320000xi32, #tpu.memory_space<hbm>> -> memref<10000xi32, #tpu.memory_space<hbm>>
    tpu.wait_dma2 semaphore(%arg11 : memref<!tpu.dma_semaphore, #tpu.memory_space<semaphore_mem>>) src(%dma_wait3A_50 : memref<10000xi32, #tpu.memory_space<hbm>>) dst(%arg6 : memref<10000xi32, #tpu.memory_space<vmem>>)
    %dma_wait3A_51 = arith.constant 0 : i32
    %dma_wait3A_52 = arith.constant 0 : i32
    %dma_wait3A_53 = tpu.memref_slice %arg3[%add3A, %dma_wait3A_51, %dma_wait3A_52] : memref<32x125x80xi32, #tpu.memory_space<hbm>> -> memref<1x125x80xi32, #tpu.memory_space<hbm>>
    %dma_wait3A_54 = tpu.memref_squeeze %dma_wait3A_53 : memref<1x125x80xi32, #tpu.memory_space<hbm>> -> memref<125x80xi32, #tpu.memory_space<hbm>>
    %dma_wait3A_55 = arith.constant 0 : i32
    %dma_wait3A_56 = arith.constant 0 : i32
    %dma_wait3A_57 = tpu.memref_slice %arg3[%add3A, %dma_wait3A_55, %dma_wait3A_56] : memref<32x125x80xi32, #tpu.memory_space<hbm>> -> memref<1x125x80xi32, #tpu.memory_space<hbm>>
    %dma_wait3A_58 = tpu.memref_squeeze %dma_wait3A_57 : memref<1x125x80xi32, #tpu.memory_space<hbm>> -> memref<125x80xi32, #tpu.memory_space<hbm>>
    tpu.wait_dma2 semaphore(%arg12 : memref<!tpu.dma_semaphore, #tpu.memory_space<semaphore_mem>>) src(%dma_wait3A_58 : memref<125x80xi32, #tpu.memory_space<hbm>>) dst(%arg7 : memref<125x80xi32, #tpu.memory_space<vmem>>)
    %barrier3A = arith.constant 0 : index
    tpu.barrier barrier_id(%barrier3A)
    %dma_start3A_59 = arith.constant 0 : i32
    %dma_start3A_60 = tpu.memref_slice %arg6[%dma_start3A_59] : memref<10000xi32, #tpu.memory_space<vmem>> -> memref<80xi32, #tpu.memory_space<vmem>>
    %dma_start3A_61 = arith.constant 0 : i32
    %dma_start3A_62 = arith.constant 0 : i32
    %dma_start3A_63 = tpu.memref_slice %arg2[%dma_start3A_61, %dma_start3A_62] : memref<10000x128xf32, #tpu.memory_space<hbm>> -> memref<10000x128xf32, #tpu.memory_space<hbm>>
    tpu.enqueue_indirect_dma source(%dma_start3A_63 : memref<10000x128xf32, #tpu.memory_space<hbm>>) target(%arg8 : memref<80x128xf32, #tpu.memory_space<vmem>>) offsets(%dma_start3A_60 : memref<80xi32, #tpu.memory_space<vmem>>) semaphore(%arg11 : memref<!tpu.dma_semaphore, #tpu.memory_space<semaphore_mem>>)
    %scan3A_64 = arith.constant 0 : i32
    %scan3A_65 = arith.constant 0 : i32
    %scan3A_66 = arith.constant 62 : i32
    %scan3A_67 = arith.addi %scan3A_65, %scan3A_66 : i32
    %scan3A_68 = arith.constant 1 : i32
    scf.for %scan3A_83 = %scan3A_65 to %scan3A_67 step %scan3A_68  : i32 {
      %mul3A_84 = arith.constant 2 : i32
      %mul3A_85 = arith.muli %mul3A_84, %scan3A_83 : i32
      %add3A_86 = arith.constant 1 : i32
      %add3A_87 = arith.addi %mul3A_85, %add3A_86 : i32
      %mul3A_88 = arith.constant 80 : i32
      %mul3A_89 = arith.muli %add3A_87, %mul3A_88 : i32
      %dma_start3A_90 = tpu.memref_slice %arg6[%mul3A_89] : memref<10000xi32, #tpu.memory_space<vmem>> -> memref<80xi32, #tpu.memory_space<vmem>>
      %dma_start3A_91 = arith.constant 0 : i32
      %dma_start3A_92 = arith.constant 0 : i32
      %dma_start3A_93 = tpu.memref_slice %arg2[%dma_start3A_91, %dma_start3A_92] : memref<10000x128xf32, #tpu.memory_space<hbm>> -> memref<10000x128xf32, #tpu.memory_space<hbm>>
      tpu.enqueue_indirect_dma source(%dma_start3A_93 : memref<10000x128xf32, #tpu.memory_space<hbm>>) target(%arg9 : memref<80x128xf32, #tpu.memory_space<vmem>>) offsets(%dma_start3A_90 : memref<80xi32, #tpu.memory_space<vmem>>) semaphore(%arg12 : memref<!tpu.dma_semaphore, #tpu.memory_space<semaphore_mem>>)
      %dma_wait3A_94 = arith.constant 0 : i32
      %dma_wait3A_95 = tpu.memref_slice %arg6[%dma_wait3A_94] : memref<10000xi32, #tpu.memory_space<vmem>> -> memref<80xi32, #tpu.memory_space<vmem>>
      %dma_wait3A_96 = arith.constant 0 : i32
      %dma_wait3A_97 = arith.constant 0 : i32
      %dma_wait3A_98 = tpu.memref_slice %arg2[%dma_wait3A_96, %dma_wait3A_97] : memref<10000x128xf32, #tpu.memory_space<hbm>> -> memref<10000x128xf32, #tpu.memory_space<hbm>>
      tpu.wait_indirect_dma semaphore(%arg11 : memref<!tpu.dma_semaphore, #tpu.memory_space<semaphore_mem>>) src(%dma_wait3A_98 : memref<10000x128xf32, #tpu.memory_space<hbm>>) dst(%arg8 : memref<80x128xf32, #tpu.memory_space<vmem>>)
      "tpu.region"() ({
        %run_scoped3A_114 = tpu.sem_alloc : memref<!tpu.dma_semaphore, #tpu.memory_space<semaphore_mem>>
        %dma_start3A_115 = arith.constant 0 : i32
        %dma_start3A_116 = tpu.memref_slice %arg7[%mul3A_85, %dma_start3A_115] : memref<125x80xi32, #tpu.memory_space<vmem>> -> memref<1x80xi32, #tpu.memory_space<vmem>>
        %dma_start3A_117 = tpu.memref_squeeze %dma_start3A_116 : memref<1x80xi32, #tpu.memory_space<vmem>> -> memref<80xi32, #tpu.memory_space<vmem>>
        %dma_start3A_118 = arith.constant 0 : i32
        %dma_start3A_119 = arith.constant 0 : i32
        %dma_start3A_120 = tpu.memref_slice %arg10[%dma_start3A_118, %dma_start3A_119] : memref<10240x128xf32, #tpu.memory_space<vmem_shared>> -> memref<10240x128xf32, #tpu.memory_space<vmem_shared>>
        tpu.enqueue_indirect_dma source(%arg8 : memref<80x128xf32, #tpu.memory_space<vmem>>) target(%dma_start3A_120 : memref<10240x128xf32, #tpu.memory_space<vmem_shared>>) offsets(%dma_start3A_117 : memref<80xi32, #tpu.memory_space<vmem>>) semaphore(%run_scoped3A_114 : memref<!tpu.dma_semaphore, #tpu.memory_space<semaphore_mem>>) {add = true}
        %dma_wait3A_121 = arith.constant 0 : i32
        %dma_wait3A_122 = tpu.memref_slice %arg7[%mul3A_85, %dma_wait3A_121] : memref<125x80xi32, #tpu.memory_space<vmem>> -> memref<1x80xi32, #tpu.memory_space<vmem>>
        %dma_wait3A_123 = tpu.memref_squeeze %dma_wait3A_122 : memref<1x80xi32, #tpu.memory_space<vmem>> -> memref<80xi32, #tpu.memory_space<vmem>>
        %dma_wait3A_124 = arith.constant 0 : i32
        %dma_wait3A_125 = arith.constant 0 : i32
        %dma_wait3A_126 = tpu.memref_slice %arg10[%dma_wait3A_124, %dma_wait3A_125] : memref<10240x128xf32, #tpu.memory_space<vmem_shared>> -> memref<10240x128xf32, #tpu.memory_space<vmem_shared>>
        tpu.wait_indirect_dma semaphore(%run_scoped3A_114 : memref<!tpu.dma_semaphore, #tpu.memory_space<semaphore_mem>>) src(%arg8 : memref<80x128xf32, #tpu.memory_space<vmem>>) dst(%dma_wait3A_126 : memref<10240x128xf32, #tpu.memory_space<vmem_shared>>)
        tpu.yield
      }) : () -> ()
      %add3A_99 = arith.constant 2 : i32
      %add3A_100 = arith.addi %mul3A_85, %add3A_99 : i32
      %mul3A_101 = arith.constant 80 : i32
      %mul3A_102 = arith.muli %add3A_100, %mul3A_101 : i32
      %dma_start3A_103 = tpu.memref_slice %arg6[%mul3A_102] : memref<10000xi32, #tpu.memory_space<vmem>> -> memref<80xi32, #tpu.memory_space<vmem>>
      %dma_start3A_104 = arith.constant 0 : i32
      %dma_start3A_105 = arith.constant 0 : i32
      %dma_start3A_106 = tpu.memref_slice %arg2[%dma_start3A_104, %dma_start3A_105] : memref<10000x128xf32, #tpu.memory_space<hbm>> -> memref<10000x128xf32, #tpu.memory_space<hbm>>
      tpu.enqueue_indirect_dma source(%dma_start3A_106 : memref<10000x128xf32, #tpu.memory_space<hbm>>) target(%arg8 : memref<80x128xf32, #tpu.memory_space<vmem>>) offsets(%dma_start3A_103 : memref<80xi32, #tpu.memory_space<vmem>>) semaphore(%arg11 : memref<!tpu.dma_semaphore, #tpu.memory_space<semaphore_mem>>)
      %dma_wait3A_107 = arith.constant 0 : i32
      %dma_wait3A_108 = tpu.memref_slice %arg6[%dma_wait3A_107] : memref<10000xi32, #tpu.memory_space<vmem>> -> memref<80xi32, #tpu.memory_space<vmem>>
      %dma_wait3A_109 = arith.constant 0 : i32
      %dma_wait3A_110 = arith.constant 0 : i32
      %dma_wait3A_111 = tpu.memref_slice %arg2[%dma_wait3A_109, %dma_wait3A_110] : memref<10000x128xf32, #tpu.memory_space<hbm>> -> memref<10000x128xf32, #tpu.memory_space<hbm>>
      tpu.wait_indirect_dma semaphore(%arg12 : memref<!tpu.dma_semaphore, #tpu.memory_space<semaphore_mem>>) src(%dma_wait3A_111 : memref<10000x128xf32, #tpu.memory_space<hbm>>) dst(%arg9 : memref<80x128xf32, #tpu.memory_space<vmem>>)
      %add3A_112 = arith.constant 1 : i32
      %add3A_113 = arith.addi %mul3A_85, %add3A_112 : i32
      "tpu.region"() ({
        %run_scoped3A_114 = tpu.sem_alloc : memref<!tpu.dma_semaphore, #tpu.memory_space<semaphore_mem>>
        %dma_start3A_115 = arith.constant 0 : i32
        %dma_start3A_116 = tpu.memref_slice %arg7[%add3A_113, %dma_start3A_115] : memref<125x80xi32, #tpu.memory_space<vmem>> -> memref<1x80xi32, #tpu.memory_space<vmem>>
        %dma_start3A_117 = tpu.memref_squeeze %dma_start3A_116 : memref<1x80xi32, #tpu.memory_space<vmem>> -> memref<80xi32, #tpu.memory_space<vmem>>
        %dma_start3A_118 = arith.constant 0 : i32
        %dma_start3A_119 = arith.constant 0 : i32
        %dma_start3A_120 = tpu.memref_slice %arg10[%dma_start3A_118, %dma_start3A_119] : memref<10240x128xf32, #tpu.memory_space<vmem_shared>> -> memref<10240x128xf32, #tpu.memory_space<vmem_shared>>
        tpu.enqueue_indirect_dma source(%arg9 : memref<80x128xf32, #tpu.memory_space<vmem>>) target(%dma_start3A_120 : memref<10240x128xf32, #tpu.memory_space<vmem_shared>>) offsets(%dma_start3A_117 : memref<80xi32, #tpu.memory_space<vmem>>) semaphore(%run_scoped3A_114 : memref<!tpu.dma_semaphore, #tpu.memory_space<semaphore_mem>>) {add = true}
        %dma_wait3A_121 = arith.constant 0 : i32
        %dma_wait3A_122 = tpu.memref_slice %arg7[%add3A_113, %dma_wait3A_121] : memref<125x80xi32, #tpu.memory_space<vmem>> -> memref<1x80xi32, #tpu.memory_space<vmem>>
        %dma_wait3A_123 = tpu.memref_squeeze %dma_wait3A_122 : memref<1x80xi32, #tpu.memory_space<vmem>> -> memref<80xi32, #tpu.memory_space<vmem>>
        %dma_wait3A_124 = arith.constant 0 : i32
        %dma_wait3A_125 = arith.constant 0 : i32
        %dma_wait3A_126 = tpu.memref_slice %arg10[%dma_wait3A_124, %dma_wait3A_125] : memref<10240x128xf32, #tpu.memory_space<vmem_shared>> -> memref<10240x128xf32, #tpu.memory_space<vmem_shared>>
        tpu.wait_indirect_dma semaphore(%run_scoped3A_114 : memref<!tpu.dma_semaphore, #tpu.memory_space<semaphore_mem>>) src(%arg9 : memref<80x128xf32, #tpu.memory_space<vmem>>) dst(%dma_wait3A_126 : memref<10240x128xf32, #tpu.memory_space<vmem_shared>>)
        tpu.yield
      }) : () -> ()
    }
    %scan3A_69 = arith.constant 62 : i32
    %dma_wait3A_70 = arith.constant 0 : i32
    %dma_wait3A_71 = tpu.memref_slice %arg6[%dma_wait3A_70] : memref<10000xi32, #tpu.memory_space<vmem>> -> memref<80xi32, #tpu.memory_space<vmem>>
    %dma_wait3A_72 = arith.constant 0 : i32
    %dma_wait3A_73 = arith.constant 0 : i32
    %dma_wait3A_74 = tpu.memref_slice %arg2[%dma_wait3A_72, %dma_wait3A_73] : memref<10000x128xf32, #tpu.memory_space<hbm>> -> memref<10000x128xf32, #tpu.memory_space<hbm>>
    tpu.wait_indirect_dma semaphore(%arg11 : memref<!tpu.dma_semaphore, #tpu.memory_space<semaphore_mem>>) src(%dma_wait3A_74 : memref<10000x128xf32, #tpu.memory_space<hbm>>) dst(%arg8 : memref<80x128xf32, #tpu.memory_space<vmem>>)
    %run_scoped3A = arith.constant 124 : i32
    "tpu.region"() ({
      %run_scoped3A_83 = tpu.sem_alloc : memref<!tpu.dma_semaphore, #tpu.memory_space<semaphore_mem>>
      %dma_start3A_84 = arith.constant 0 : i32
      %dma_start3A_85 = tpu.memref_slice %arg7[%run_scoped3A, %dma_start3A_84] : memref<125x80xi32, #tpu.memory_space<vmem>> -> memref<1x80xi32, #tpu.memory_space<vmem>>
      %dma_start3A_86 = tpu.memref_squeeze %dma_start3A_85 : memref<1x80xi32, #tpu.memory_space<vmem>> -> memref<80xi32, #tpu.memory_space<vmem>>
      %dma_start3A_87 = arith.constant 0 : i32
      %dma_start3A_88 = arith.constant 0 : i32
      %dma_start3A_89 = tpu.memref_slice %arg10[%dma_start3A_87, %dma_start3A_88] : memref<10240x128xf32, #tpu.memory_space<vmem_shared>> -> memref<10240x128xf32, #tpu.memory_space<vmem_shared>>
      tpu.enqueue_indirect_dma source(%arg8 : memref<80x128xf32, #tpu.memory_space<vmem>>) target(%dma_start3A_89 : memref<10240x128xf32, #tpu.memory_space<vmem_shared>>) offsets(%dma_start3A_86 : memref<80xi32, #tpu.memory_space<vmem>>) semaphore(%run_scoped3A_83 : memref<!tpu.dma_semaphore, #tpu.memory_space<semaphore_mem>>) {add = true}
      %dma_wait3A_90 = arith.constant 0 : i32
      %dma_wait3A_91 = tpu.memref_slice %arg7[%run_scoped3A, %dma_wait3A_90] : memref<125x80xi32, #tpu.memory_space<vmem>> -> memref<1x80xi32, #tpu.memory_space<vmem>>
      %dma_wait3A_92 = tpu.memref_squeeze %dma_wait3A_91 : memref<1x80xi32, #tpu.memory_space<vmem>> -> memref<80xi32, #tpu.memory_space<vmem>>
      %dma_wait3A_93 = arith.constant 0 : i32
      %dma_wait3A_94 = arith.constant 0 : i32
      %dma_wait3A_95 = tpu.memref_slice %arg10[%dma_wait3A_93, %dma_wait3A_94] : memref<10240x128xf32, #tpu.memory_space<vmem_shared>> -> memref<10240x128xf32, #tpu.memory_space<vmem_shared>>
      tpu.wait_indirect_dma semaphore(%run_scoped3A_83 : memref<!tpu.dma_semaphore, #tpu.memory_space<semaphore_mem>>) src(%arg8 : memref<80x128xf32, #tpu.memory_space<vmem>>) dst(%dma_wait3A_95 : memref<10240x128xf32, #tpu.memory_space<vmem_shared>>)
      tpu.yield
    }) : () -> ()
    %barrier3A_75 = arith.constant 0 : index
    tpu.barrier barrier_id(%barrier3A_75)
    %mul3A_76 = arith.constant 640 : i32
    %mul3A_77 = arith.muli %arg1, %mul3A_76 : i32
    %mul3A_78 = arith.constant 10240 : i32
    %mul3A_79 = arith.muli %arg0, %mul3A_78 : i32
    %mul3A_80 = arith.constant 640 : i32
    %mul3A_81 = arith.muli %arg1, %mul3A_80 : i32
    %add3A_82 = arith.addi %mul3A_79, %mul3A_81 : i32
    "tpu.region"() ({
      %run_scoped3A_83 = tpu.sem_alloc : memref<!tpu.dma_semaphore, #tpu.memory_space<semaphore_mem>>
      %dma_start3A_84 = arith.constant 0 : i32
      %dma_start3A_85 = tpu.memref_slice %arg5[%add3A_82, %dma_start3A_84] : memref<20480x128xf32, #tpu.memory_space<hbm>> -> memref<640x128xf32, #tpu.memory_space<hbm>>
      %dma_start3A_86 = arith.constant 0 : i32
      %dma_start3A_87 = tpu.memref_slice %arg10[%mul3A_77, %dma_start3A_86] : memref<10240x128xf32, #tpu.memory_space<vmem_shared>> -> memref<640x128xf32, #tpu.memory_space<vmem_shared>>
      tpu.enqueue_dma source(%dma_start3A_87 : memref<640x128xf32, #tpu.memory_space<vmem_shared>>) target(%dma_start3A_85 : memref<640x128xf32, #tpu.memory_space<hbm>>) target_semaphore(%run_scoped3A_83 : memref<!tpu.dma_semaphore, #tpu.memory_space<semaphore_mem>>)
      %dma_wait3A_88 = arith.constant 0 : i32
      %dma_wait3A_89 = tpu.memref_slice %arg5[%add3A_82, %dma_wait3A_88] : memref<20480x128xf32, #tpu.memory_space<hbm>> -> memref<640x128xf32, #tpu.memory_space<hbm>>
      %dma_wait3A_90 = arith.constant 0 : i32
      %dma_wait3A_91 = tpu.memref_slice %arg10[%mul3A_77, %dma_wait3A_90] : memref<10240x128xf32, #tpu.memory_space<vmem_shared>> -> memref<640x128xf32, #tpu.memory_space<vmem_shared>>
      tpu.wait_dma2 semaphore(%run_scoped3A_83 : memref<!tpu.dma_semaphore, #tpu.memory_space<semaphore_mem>>) src(%dma_wait3A_91 : memref<640x128xf32, #tpu.memory_space<vmem_shared>>) dst(%dma_wait3A_89 : memref<640x128xf32, #tpu.memory_space<hbm>>)
      tpu.yield
    }) : () -> ()
    return
  }
}

#map = affine_map<(d0, d1) -> (0, 0)>
#map1 = affine_map<(d0, d1) -> (0, 0, 0)>
#map2 = affine_map<(d0, d1) -> (0)>
module attributes {stable_mosaic.version = 14 : i64} {
  func.func @_sc_aggregate(%arg0: i32, %arg1: i32, %arg2: memref<10000x128xf32, #tpu.memory_space<hbm>>, %arg3: memref<32x125x80xi32, #tpu.memory_space<hbm>>, %arg4: memref<320000xi32, #tpu.memory_space<hbm>>, %arg5: memref<20480x128xf32, #tpu.memory_space<hbm>>, %arg6: memref<10000xi32, #tpu.memory_space<vmem>>, %arg7: memref<125x80xi32, #tpu.memory_space<vmem>>, %arg8: memref<80x128xf32, #tpu.memory_space<vmem>>, %arg9: memref<80x128xf32, #tpu.memory_space<vmem>>, %arg10: memref<10240x128xf32, #tpu.memory_space<vmem_shared>>, %arg11: memref<!tpu.dma_semaphore, #tpu.memory_space<semaphore_mem>>, %arg12: memref<!tpu.dma_semaphore, #tpu.memory_space<semaphore_mem>>) attributes {dimension_semantics = [#tpu.dimension_semantics<core_parallel>, #tpu.dimension_semantics<subcore_parallel>], iteration_bounds = array<i64: 2, 16>, scalar_prefetch = 0 : i64, scratch_operands = 7 : i64, tpu.core_type = #tpu.core_type<sc_vector_subcore>, window_params = [{transform_indices = #map}, {transform_indices = #map1}, {transform_indices = #map2}, {transform_indices = #map}]} {
    %mul3A = arith.constant 16 : i32
    %mul3A_0 = arith.muli %arg0, %mul3A : i32
    %add3A = arith.addi %mul3A_0, %arg1 : i32
    %mul3A_1 = arith.constant 10000 : i32
    %mul3A_2 = arith.muli %add3A, %mul3A_1 : i32
    %dma_start3A = tpu.memref_slice %arg4[%mul3A_2] : memref<320000xi32, #tpu.memory_space<hbm>> -> memref<10000xi32, #tpu.memory_space<hbm>>
    %dma_start3A_3 = tpu.memref_slice %arg4[%mul3A_2] : memref<320000xi32, #tpu.memory_space<hbm>> -> memref<10000xi32, #tpu.memory_space<hbm>>
    tpu.enqueue_dma source(%dma_start3A_3 : memref<10000xi32, #tpu.memory_space<hbm>>) target(%arg6 : memref<10000xi32, #tpu.memory_space<vmem>>) target_semaphore(%arg11 : memref<!tpu.dma_semaphore, #tpu.memory_space<semaphore_mem>>)
    %dma_start3A_4 = arith.constant 0 : i32
    %dma_start3A_5 = arith.constant 0 : i32
    %dma_start3A_6 = tpu.memref_slice %arg3[%add3A, %dma_start3A_4, %dma_start3A_5] : memref<32x125x80xi32, #tpu.memory_space<hbm>> -> memref<1x125x80xi32, #tpu.memory_space<hbm>>
    %dma_start3A_7 = tpu.memref_squeeze %dma_start3A_6 : memref<1x125x80xi32, #tpu.memory_space<hbm>> -> memref<125x80xi32, #tpu.memory_space<hbm>>
    %dma_start3A_8 = arith.constant 0 : i32
    %dma_start3A_9 = arith.constant 0 : i32
    %dma_start3A_10 = tpu.memref_slice %arg3[%add3A, %dma_start3A_8, %dma_start3A_9] : memref<32x125x80xi32, #tpu.memory_space<hbm>> -> memref<1x125x80xi32, #tpu.memory_space<hbm>>
    %dma_start3A_11 = tpu.memref_squeeze %dma_start3A_10 : memref<1x125x80xi32, #tpu.memory_space<hbm>> -> memref<125x80xi32, #tpu.memory_space<hbm>>
    tpu.enqueue_dma source(%dma_start3A_11 : memref<125x80xi32, #tpu.memory_space<hbm>>) target(%arg7 : memref<125x80xi32, #tpu.memory_space<vmem>>) target_semaphore(%arg12 : memref<!tpu.dma_semaphore, #tpu.memory_space<semaphore_mem>>)
    %broadcast_in_dim3A = arith.constant 0.000000e+00 : f32
    %broadcast_in_dim3A_12 = vector.broadcast %broadcast_in_dim3A : f32 to vector<16xf32>
    %scan3A = arith.constant 0 : i32
    %scan3A_13 = arith.constant 0 : i32
    %scan3A_14 = arith.constant 80 : i32
    %scan3A_15 = arith.addi %scan3A_13, %scan3A_14 : i32
    %scan3A_16 = arith.constant 1 : i32
    scf.for %scan3A_83 = %scan3A_13 to %scan3A_15 step %scan3A_16  : i32 {
      %swap3A = arith.index_cast %scan3A_83 : i32 to index
      %swap3A_84 = arith.constant 0 : index
      %swap3A_85 = tpu.vector_load %arg8[%swap3A, %swap3A_84] {strides = array<i32>} : memref<80x128xf32, #tpu.memory_space<vmem>>, vector<1x16xf32>,
      %swap3A_86 = vector.shape_cast %swap3A_85 : vector<1x16xf32> to vector<16xf32>
      %swap3A_87 = vector.shape_cast %broadcast_in_dim3A_12 : vector<16xf32> to vector<1x16xf32>
      tpu.vector_store %arg8[%swap3A, %swap3A_84], %swap3A_87 {strides = array<i32>} : memref<80x128xf32, #tpu.memory_space<vmem>>, vector<1x16xf32>,
      %swap3A_88 = arith.index_cast %scan3A_83 : i32 to index
      %swap3A_89 = arith.constant 16 : index
      %swap3A_90 = tpu.vector_load %arg8[%swap3A_88, %swap3A_89] {strides = array<i32>} : memref<80x128xf32, #tpu.memory_space<vmem>>, vector<1x16xf32>,
      %swap3A_91 = vector.shape_cast %swap3A_90 : vector<1x16xf32> to vector<16xf32>
      %swap3A_92 = vector.shape_cast %broadcast_in_dim3A_12 : vector<16xf32> to vector<1x16xf32>
      tpu.vector_store %arg8[%swap3A_88, %swap3A_89], %swap3A_92 {strides = array<i32>} : memref<80x128xf32, #tpu.memory_space<vmem>>, vector<1x16xf32>,
      %swap3A_93 = arith.index_cast %scan3A_83 : i32 to index
      %swap3A_94 = arith.constant 32 : index
      %swap3A_95 = tpu.vector_load %arg8[%swap3A_93, %swap3A_94] {strides = array<i32>} : memref<80x128xf32, #tpu.memory_space<vmem>>, vector<1x16xf32>,
      %swap3A_96 = vector.shape_cast %swap3A_95 : vector<1x16xf32> to vector<16xf32>
      %swap3A_97 = vector.shape_cast %broadcast_in_dim3A_12 : vector<16xf32> to vector<1x16xf32>
      tpu.vector_store %arg8[%swap3A_93, %swap3A_94], %swap3A_97 {strides = array<i32>} : memref<80x128xf32, #tpu.memory_space<vmem>>, vector<1x16xf32>,
      %swap3A_98 = arith.index_cast %scan3A_83 : i32 to index
      %swap3A_99 = arith.constant 48 : index
      %swap3A_100 = tpu.vector_load %arg8[%swap3A_98, %swap3A_99] {strides = array<i32>} : memref<80x128xf32, #tpu.memory_space<vmem>>, vector<1x16xf32>,
      %swap3A_101 = vector.shape_cast %swap3A_100 : vector<1x16xf32> to vector<16xf32>
      %swap3A_102 = vector.shape_cast %broadcast_in_dim3A_12 : vector<16xf32> to vector<1x16xf32>
      tpu.vector_store %arg8[%swap3A_98, %swap3A_99], %swap3A_102 {strides = array<i32>} : memref<80x128xf32, #tpu.memory_space<vmem>>, vector<1x16xf32>,
      %swap3A_103 = arith.index_cast %scan3A_83 : i32 to index
      %swap3A_104 = arith.constant 64 : index
      %swap3A_105 = tpu.vector_load %arg8[%swap3A_103, %swap3A_104] {strides = array<i32>} : memref<80x128xf32, #tpu.memory_space<vmem>>, vector<1x16xf32>,
      %swap3A_106 = vector.shape_cast %swap3A_105 : vector<1x16xf32> to vector<16xf32>
      %swap3A_107 = vector.shape_cast %broadcast_in_dim3A_12 : vector<16xf32> to vector<1x16xf32>
      tpu.vector_store %arg8[%swap3A_103, %swap3A_104], %swap3A_107 {strides = array<i32>} : memref<80x128xf32, #tpu.memory_space<vmem>>, vector<1x16xf32>,
      %swap3A_108 = arith.index_cast %scan3A_83 : i32 to index
      %swap3A_109 = arith.constant 80 : index
      %swap3A_110 = tpu.vector_load %arg8[%swap3A_108, %swap3A_109] {strides = array<i32>} : memref<80x128xf32, #tpu.memory_space<vmem>>, vector<1x16xf32>,
      %swap3A_111 = vector.shape_cast %swap3A_110 : vector<1x16xf32> to vector<16xf32>
      %swap3A_112 = vector.shape_cast %broadcast_in_dim3A_12 : vector<16xf32> to vector<1x16xf32>
      tpu.vector_store %arg8[%swap3A_108, %swap3A_109], %swap3A_112 {strides = array<i32>} : memref<80x128xf32, #tpu.memory_space<vmem>>, vector<1x16xf32>,
      %swap3A_113 = arith.index_cast %scan3A_83 : i32 to index
      %swap3A_114 = arith.constant 96 : index
      %swap3A_115 = tpu.vector_load %arg8[%swap3A_113, %swap3A_114] {strides = array<i32>} : memref<80x128xf32, #tpu.memory_space<vmem>>, vector<1x16xf32>,
      %swap3A_116 = vector.shape_cast %swap3A_115 : vector<1x16xf32> to vector<16xf32>
      %swap3A_117 = vector.shape_cast %broadcast_in_dim3A_12 : vector<16xf32> to vector<1x16xf32>
      tpu.vector_store %arg8[%swap3A_113, %swap3A_114], %swap3A_117 {strides = array<i32>} : memref<80x128xf32, #tpu.memory_space<vmem>>, vector<1x16xf32>,
      %swap3A_118 = arith.index_cast %scan3A_83 : i32 to index
      %swap3A_119 = arith.constant 112 : index
      %swap3A_120 = tpu.vector_load %arg8[%swap3A_118, %swap3A_119] {strides = array<i32>} : memref<80x128xf32, #tpu.memory_space<vmem>>, vector<1x16xf32>,
      %swap3A_121 = vector.shape_cast %swap3A_120 : vector<1x16xf32> to vector<16xf32>
      %swap3A_122 = vector.shape_cast %broadcast_in_dim3A_12 : vector<16xf32> to vector<1x16xf32>
      tpu.vector_store %arg8[%swap3A_118, %swap3A_119], %swap3A_122 {strides = array<i32>} : memref<80x128xf32, #tpu.memory_space<vmem>>, vector<1x16xf32>,
    }
    %scan3A_17 = arith.constant 80 : i32
    %mul3A_18 = arith.constant 640 : i32
    %mul3A_19 = arith.muli %arg1, %mul3A_18 : i32
    %add3A_20 = arith.constant 0 : i32
    %add3A_21 = arith.addi %mul3A_19, %add3A_20 : i32
    "tpu.region"() ({
      %run_scoped3A_83 = tpu.sem_alloc : memref<!tpu.dma_semaphore, #tpu.memory_space<semaphore_mem>>
      %dma_start3A_84 = arith.constant 0 : i32
      %dma_start3A_85 = tpu.memref_slice %arg10[%add3A_21, %dma_start3A_84] : memref<10240x128xf32, #tpu.memory_space<vmem_shared>> -> memref<80x128xf32, #tpu.memory_space<vmem_shared>>
      %dma_start3A_86 = arith.constant 0 : i32
      %dma_start3A_87 = tpu.memref_slice %arg10[%add3A_21, %dma_start3A_86] : memref<10240x128xf32, #tpu.memory_space<vmem_shared>> -> memref<80x128xf32, #tpu.memory_space<vmem_shared>>
      tpu.enqueue_dma source(%arg8 : memref<80x128xf32, #tpu.memory_space<vmem>>) target(%dma_start3A_87 : memref<80x128xf32, #tpu.memory_space<vmem_shared>>) target_semaphore(%run_scoped3A_83 : memref<!tpu.dma_semaphore, #tpu.memory_space<semaphore_mem>>)
      %dma_wait3A_88 = arith.constant 0 : i32
      %dma_wait3A_89 = tpu.memref_slice %arg10[%add3A_21, %dma_wait3A_88] : memref<10240x128xf32, #tpu.memory_space<vmem_shared>> -> memref<80x128xf32, #tpu.memory_space<vmem_shared>>
      %dma_wait3A_90 = arith.constant 0 : i32
      %dma_wait3A_91 = tpu.memref_slice %arg10[%add3A_21, %dma_wait3A_90] : memref<10240x128xf32, #tpu.memory_space<vmem_shared>> -> memref<80x128xf32, #tpu.memory_space<vmem_shared>>
      tpu.wait_dma2 semaphore(%run_scoped3A_83 : memref<!tpu.dma_semaphore, #tpu.memory_space<semaphore_mem>>) src(%arg8 : memref<80x128xf32, #tpu.memory_space<vmem>>) dst(%dma_wait3A_91 : memref<80x128xf32, #tpu.memory_space<vmem_shared>>)
      tpu.yield
    }) : () -> ()
    %mul3A_22 = arith.constant 640 : i32
    %mul3A_23 = arith.muli %arg1, %mul3A_22 : i32
    %add3A_24 = arith.constant 80 : i32
    %add3A_25 = arith.addi %mul3A_23, %add3A_24 : i32
    "tpu.region"() ({
      %run_scoped3A_83 = tpu.sem_alloc : memref<!tpu.dma_semaphore, #tpu.memory_space<semaphore_mem>>
      %dma_start3A_84 = arith.constant 0 : i32
      %dma_start3A_85 = tpu.memref_slice %arg10[%add3A_25, %dma_start3A_84] : memref<10240x128xf32, #tpu.memory_space<vmem_shared>> -> memref<80x128xf32, #tpu.memory_space<vmem_shared>>
      %dma_start3A_86 = arith.constant 0 : i32
      %dma_start3A_87 = tpu.memref_slice %arg10[%add3A_25, %dma_start3A_86] : memref<10240x128xf32, #tpu.memory_space<vmem_shared>> -> memref<80x128xf32, #tpu.memory_space<vmem_shared>>
      tpu.enqueue_dma source(%arg8 : memref<80x128xf32, #tpu.memory_space<vmem>>) target(%dma_start3A_87 : memref<80x128xf32, #tpu.memory_space<vmem_shared>>) target_semaphore(%run_scoped3A_83 : memref<!tpu.dma_semaphore, #tpu.memory_space<semaphore_mem>>)
      %dma_wait3A_88 = arith.constant 0 : i32
      %dma_wait3A_89 = tpu.memref_slice %arg10[%add3A_25, %dma_wait3A_88] : memref<10240x128xf32, #tpu.memory_space<vmem_shared>> -> memref<80x128xf32, #tpu.memory_space<vmem_shared>>
      %dma_wait3A_90 = arith.constant 0 : i32
      %dma_wait3A_91 = tpu.memref_slice %arg10[%add3A_25, %dma_wait3A_90] : memref<10240x128xf32, #tpu.memory_space<vmem_shared>> -> memref<80x128xf32, #tpu.memory_space<vmem_shared>>
      tpu.wait_dma2 semaphore(%run_scoped3A_83 : memref<!tpu.dma_semaphore, #tpu.memory_space<semaphore_mem>>) src(%arg8 : memref<80x128xf32, #tpu.memory_space<vmem>>) dst(%dma_wait3A_91 : memref<80x128xf32, #tpu.memory_space<vmem_shared>>)
      tpu.yield
    }) : () -> ()
    %mul3A_26 = arith.constant 640 : i32
    %mul3A_27 = arith.muli %arg1, %mul3A_26 : i32
    %add3A_28 = arith.constant 160 : i32
    %add3A_29 = arith.addi %mul3A_27, %add3A_28 : i32
    "tpu.region"() ({
      %run_scoped3A_83 = tpu.sem_alloc : memref<!tpu.dma_semaphore, #tpu.memory_space<semaphore_mem>>
      %dma_start3A_84 = arith.constant 0 : i32
      %dma_start3A_85 = tpu.memref_slice %arg10[%add3A_29, %dma_start3A_84] : memref<10240x128xf32, #tpu.memory_space<vmem_shared>> -> memref<80x128xf32, #tpu.memory_space<vmem_shared>>
      %dma_start3A_86 = arith.constant 0 : i32
      %dma_start3A_87 = tpu.memref_slice %arg10[%add3A_29, %dma_start3A_86] : memref<10240x128xf32, #tpu.memory_space<vmem_shared>> -> memref<80x128xf32, #tpu.memory_space<vmem_shared>>
      tpu.enqueue_dma source(%arg8 : memref<80x128xf32, #tpu.memory_space<vmem>>) target(%dma_start3A_87 : memref<80x128xf32, #tpu.memory_space<vmem_shared>>) target_semaphore(%run_scoped3A_83 : memref<!tpu.dma_semaphore, #tpu.memory_space<semaphore_mem>>)
      %dma_wait3A_88 = arith.constant 0 : i32
      %dma_wait3A_89 = tpu.memref_slice %arg10[%add3A_29, %dma_wait3A_88] : memref<10240x128xf32, #tpu.memory_space<vmem_shared>> -> memref<80x128xf32, #tpu.memory_space<vmem_shared>>
      %dma_wait3A_90 = arith.constant 0 : i32
      %dma_wait3A_91 = tpu.memref_slice %arg10[%add3A_29, %dma_wait3A_90] : memref<10240x128xf32, #tpu.memory_space<vmem_shared>> -> memref<80x128xf32, #tpu.memory_space<vmem_shared>>
      tpu.wait_dma2 semaphore(%run_scoped3A_83 : memref<!tpu.dma_semaphore, #tpu.memory_space<semaphore_mem>>) src(%arg8 : memref<80x128xf32, #tpu.memory_space<vmem>>) dst(%dma_wait3A_91 : memref<80x128xf32, #tpu.memory_space<vmem_shared>>)
      tpu.yield
    }) : () -> ()
    %mul3A_30 = arith.constant 640 : i32
    %mul3A_31 = arith.muli %arg1, %mul3A_30 : i32
    %add3A_32 = arith.constant 240 : i32
    %add3A_33 = arith.addi %mul3A_31, %add3A_32 : i32
    "tpu.region"() ({
      %run_scoped3A_83 = tpu.sem_alloc : memref<!tpu.dma_semaphore, #tpu.memory_space<semaphore_mem>>
      %dma_start3A_84 = arith.constant 0 : i32
      %dma_start3A_85 = tpu.memref_slice %arg10[%add3A_33, %dma_start3A_84] : memref<10240x128xf32, #tpu.memory_space<vmem_shared>> -> memref<80x128xf32, #tpu.memory_space<vmem_shared>>
      %dma_start3A_86 = arith.constant 0 : i32
      %dma_start3A_87 = tpu.memref_slice %arg10[%add3A_33, %dma_start3A_86] : memref<10240x128xf32, #tpu.memory_space<vmem_shared>> -> memref<80x128xf32, #tpu.memory_space<vmem_shared>>
      tpu.enqueue_dma source(%arg8 : memref<80x128xf32, #tpu.memory_space<vmem>>) target(%dma_start3A_87 : memref<80x128xf32, #tpu.memory_space<vmem_shared>>) target_semaphore(%run_scoped3A_83 : memref<!tpu.dma_semaphore, #tpu.memory_space<semaphore_mem>>)
      %dma_wait3A_88 = arith.constant 0 : i32
      %dma_wait3A_89 = tpu.memref_slice %arg10[%add3A_33, %dma_wait3A_88] : memref<10240x128xf32, #tpu.memory_space<vmem_shared>> -> memref<80x128xf32, #tpu.memory_space<vmem_shared>>
      %dma_wait3A_90 = arith.constant 0 : i32
      %dma_wait3A_91 = tpu.memref_slice %arg10[%add3A_33, %dma_wait3A_90] : memref<10240x128xf32, #tpu.memory_space<vmem_shared>> -> memref<80x128xf32, #tpu.memory_space<vmem_shared>>
      tpu.wait_dma2 semaphore(%run_scoped3A_83 : memref<!tpu.dma_semaphore, #tpu.memory_space<semaphore_mem>>) src(%arg8 : memref<80x128xf32, #tpu.memory_space<vmem>>) dst(%dma_wait3A_91 : memref<80x128xf32, #tpu.memory_space<vmem_shared>>)
      tpu.yield
    }) : () -> ()
    %mul3A_34 = arith.constant 640 : i32
    %mul3A_35 = arith.muli %arg1, %mul3A_34 : i32
    %add3A_36 = arith.constant 320 : i32
    %add3A_37 = arith.addi %mul3A_35, %add3A_36 : i32
    "tpu.region"() ({
      %run_scoped3A_83 = tpu.sem_alloc : memref<!tpu.dma_semaphore, #tpu.memory_space<semaphore_mem>>
      %dma_start3A_84 = arith.constant 0 : i32
      %dma_start3A_85 = tpu.memref_slice %arg10[%add3A_37, %dma_start3A_84] : memref<10240x128xf32, #tpu.memory_space<vmem_shared>> -> memref<80x128xf32, #tpu.memory_space<vmem_shared>>
      %dma_start3A_86 = arith.constant 0 : i32
      %dma_start3A_87 = tpu.memref_slice %arg10[%add3A_37, %dma_start3A_86] : memref<10240x128xf32, #tpu.memory_space<vmem_shared>> -> memref<80x128xf32, #tpu.memory_space<vmem_shared>>
      tpu.enqueue_dma source(%arg8 : memref<80x128xf32, #tpu.memory_space<vmem>>) target(%dma_start3A_87 : memref<80x128xf32, #tpu.memory_space<vmem_shared>>) target_semaphore(%run_scoped3A_83 : memref<!tpu.dma_semaphore, #tpu.memory_space<semaphore_mem>>)
      %dma_wait3A_88 = arith.constant 0 : i32
      %dma_wait3A_89 = tpu.memref_slice %arg10[%add3A_37, %dma_wait3A_88] : memref<10240x128xf32, #tpu.memory_space<vmem_shared>> -> memref<80x128xf32, #tpu.memory_space<vmem_shared>>
      %dma_wait3A_90 = arith.constant 0 : i32
      %dma_wait3A_91 = tpu.memref_slice %arg10[%add3A_37, %dma_wait3A_90] : memref<10240x128xf32, #tpu.memory_space<vmem_shared>> -> memref<80x128xf32, #tpu.memory_space<vmem_shared>>
      tpu.wait_dma2 semaphore(%run_scoped3A_83 : memref<!tpu.dma_semaphore, #tpu.memory_space<semaphore_mem>>) src(%arg8 : memref<80x128xf32, #tpu.memory_space<vmem>>) dst(%dma_wait3A_91 : memref<80x128xf32, #tpu.memory_space<vmem_shared>>)
      tpu.yield
    }) : () -> ()
    %mul3A_38 = arith.constant 640 : i32
    %mul3A_39 = arith.muli %arg1, %mul3A_38 : i32
    %add3A_40 = arith.constant 400 : i32
    %add3A_41 = arith.addi %mul3A_39, %add3A_40 : i32
    "tpu.region"() ({
      %run_scoped3A_83 = tpu.sem_alloc : memref<!tpu.dma_semaphore, #tpu.memory_space<semaphore_mem>>
      %dma_start3A_84 = arith.constant 0 : i32
      %dma_start3A_85 = tpu.memref_slice %arg10[%add3A_41, %dma_start3A_84] : memref<10240x128xf32, #tpu.memory_space<vmem_shared>> -> memref<80x128xf32, #tpu.memory_space<vmem_shared>>
      %dma_start3A_86 = arith.constant 0 : i32
      %dma_start3A_87 = tpu.memref_slice %arg10[%add3A_41, %dma_start3A_86] : memref<10240x128xf32, #tpu.memory_space<vmem_shared>> -> memref<80x128xf32, #tpu.memory_space<vmem_shared>>
      tpu.enqueue_dma source(%arg8 : memref<80x128xf32, #tpu.memory_space<vmem>>) target(%dma_start3A_87 : memref<80x128xf32, #tpu.memory_space<vmem_shared>>) target_semaphore(%run_scoped3A_83 : memref<!tpu.dma_semaphore, #tpu.memory_space<semaphore_mem>>)
      %dma_wait3A_88 = arith.constant 0 : i32
      %dma_wait3A_89 = tpu.memref_slice %arg10[%add3A_41, %dma_wait3A_88] : memref<10240x128xf32, #tpu.memory_space<vmem_shared>> -> memref<80x128xf32, #tpu.memory_space<vmem_shared>>
      %dma_wait3A_90 = arith.constant 0 : i32
      %dma_wait3A_91 = tpu.memref_slice %arg10[%add3A_41, %dma_wait3A_90] : memref<10240x128xf32, #tpu.memory_space<vmem_shared>> -> memref<80x128xf32, #tpu.memory_space<vmem_shared>>
      tpu.wait_dma2 semaphore(%run_scoped3A_83 : memref<!tpu.dma_semaphore, #tpu.memory_space<semaphore_mem>>) src(%arg8 : memref<80x128xf32, #tpu.memory_space<vmem>>) dst(%dma_wait3A_91 : memref<80x128xf32, #tpu.memory_space<vmem_shared>>)
      tpu.yield
    }) : () -> ()
    %mul3A_42 = arith.constant 640 : i32
    %mul3A_43 = arith.muli %arg1, %mul3A_42 : i32
    %add3A_44 = arith.constant 480 : i32
    %add3A_45 = arith.addi %mul3A_43, %add3A_44 : i32
    "tpu.region"() ({
      %run_scoped3A_83 = tpu.sem_alloc : memref<!tpu.dma_semaphore, #tpu.memory_space<semaphore_mem>>
      %dma_start3A_84 = arith.constant 0 : i32
      %dma_start3A_85 = tpu.memref_slice %arg10[%add3A_45, %dma_start3A_84] : memref<10240x128xf32, #tpu.memory_space<vmem_shared>> -> memref<80x128xf32, #tpu.memory_space<vmem_shared>>
      %dma_start3A_86 = arith.constant 0 : i32
      %dma_start3A_87 = tpu.memref_slice %arg10[%add3A_45, %dma_start3A_86] : memref<10240x128xf32, #tpu.memory_space<vmem_shared>> -> memref<80x128xf32, #tpu.memory_space<vmem_shared>>
      tpu.enqueue_dma source(%arg8 : memref<80x128xf32, #tpu.memory_space<vmem>>) target(%dma_start3A_87 : memref<80x128xf32, #tpu.memory_space<vmem_shared>>) target_semaphore(%run_scoped3A_83 : memref<!tpu.dma_semaphore, #tpu.memory_space<semaphore_mem>>)
      %dma_wait3A_88 = arith.constant 0 : i32
      %dma_wait3A_89 = tpu.memref_slice %arg10[%add3A_45, %dma_wait3A_88] : memref<10240x128xf32, #tpu.memory_space<vmem_shared>> -> memref<80x128xf32, #tpu.memory_space<vmem_shared>>
      %dma_wait3A_90 = arith.constant 0 : i32
      %dma_wait3A_91 = tpu.memref_slice %arg10[%add3A_45, %dma_wait3A_90] : memref<10240x128xf32, #tpu.memory_space<vmem_shared>> -> memref<80x128xf32, #tpu.memory_space<vmem_shared>>
      tpu.wait_dma2 semaphore(%run_scoped3A_83 : memref<!tpu.dma_semaphore, #tpu.memory_space<semaphore_mem>>) src(%arg8 : memref<80x128xf32, #tpu.memory_space<vmem>>) dst(%dma_wait3A_91 : memref<80x128xf32, #tpu.memory_space<vmem_shared>>)
      tpu.yield
    }) : () -> ()
    %mul3A_46 = arith.constant 640 : i32
    %mul3A_47 = arith.muli %arg1, %mul3A_46 : i32
    %add3A_48 = arith.constant 560 : i32
    %add3A_49 = arith.addi %mul3A_47, %add3A_48 : i32
    "tpu.region"() ({
      %run_scoped3A_83 = tpu.sem_alloc : memref<!tpu.dma_semaphore, #tpu.memory_space<semaphore_mem>>
      %dma_start3A_84 = arith.constant 0 : i32
      %dma_start3A_85 = tpu.memref_slice %arg10[%add3A_49, %dma_start3A_84] : memref<10240x128xf32, #tpu.memory_space<vmem_shared>> -> memref<80x128xf32, #tpu.memory_space<vmem_shared>>
      %dma_start3A_86 = arith.constant 0 : i32
      %dma_start3A_87 = tpu.memref_slice %arg10[%add3A_49, %dma_start3A_86] : memref<10240x128xf32, #tpu.memory_space<vmem_shared>> -> memref<80x128xf32, #tpu.memory_space<vmem_shared>>
      tpu.enqueue_dma source(%arg8 : memref<80x128xf32, #tpu.memory_space<vmem>>) target(%dma_start3A_87 : memref<80x128xf32, #tpu.memory_space<vmem_shared>>) target_semaphore(%run_scoped3A_83 : memref<!tpu.dma_semaphore, #tpu.memory_space<semaphore_mem>>)
      %dma_wait3A_88 = arith.constant 0 : i32
      %dma_wait3A_89 = tpu.memref_slice %arg10[%add3A_49, %dma_wait3A_88] : memref<10240x128xf32, #tpu.memory_space<vmem_shared>> -> memref<80x128xf32, #tpu.memory_space<vmem_shared>>
      %dma_wait3A_90 = arith.constant 0 : i32
      %dma_wait3A_91 = tpu.memref_slice %arg10[%add3A_49, %dma_wait3A_90] : memref<10240x128xf32, #tpu.memory_space<vmem_shared>> -> memref<80x128xf32, #tpu.memory_space<vmem_shared>>
      tpu.wait_dma2 semaphore(%run_scoped3A_83 : memref<!tpu.dma_semaphore, #tpu.memory_space<semaphore_mem>>) src(%arg8 : memref<80x128xf32, #tpu.memory_space<vmem>>) dst(%dma_wait3A_91 : memref<80x128xf32, #tpu.memory_space<vmem_shared>>)
      tpu.yield
    }) : () -> ()
    %dma_wait3A = tpu.memref_slice %arg4[%mul3A_2] : memref<320000xi32, #tpu.memory_space<hbm>> -> memref<10000xi32, #tpu.memory_space<hbm>>
    %dma_wait3A_50 = tpu.memref_slice %arg4[%mul3A_2] : memref<320000xi32, #tpu.memory_space<hbm>> -> memref<10000xi32, #tpu.memory_space<hbm>>
    tpu.wait_dma2 semaphore(%arg11 : memref<!tpu.dma_semaphore, #tpu.memory_space<semaphore_mem>>) src(%dma_wait3A_50 : memref<10000xi32, #tpu.memory_space<hbm>>) dst(%arg6 : memref<10000xi32, #tpu.memory_space<vmem>>)
    %dma_wait3A_51 = arith.constant 0 : i32
    %dma_wait3A_52 = arith.constant 0 : i32
    %dma_wait3A_53 = tpu.memref_slice %arg3[%add3A, %dma_wait3A_51, %dma_wait3A_52] : memref<32x125x80xi32, #tpu.memory_space<hbm>> -> memref<1x125x80xi32, #tpu.memory_space<hbm>>
    %dma_wait3A_54 = tpu.memref_squeeze %dma_wait3A_53 : memref<1x125x80xi32, #tpu.memory_space<hbm>> -> memref<125x80xi32, #tpu.memory_space<hbm>>
    %dma_wait3A_55 = arith.constant 0 : i32
    %dma_wait3A_56 = arith.constant 0 : i32
    %dma_wait3A_57 = tpu.memref_slice %arg3[%add3A, %dma_wait3A_55, %dma_wait3A_56] : memref<32x125x80xi32, #tpu.memory_space<hbm>> -> memref<1x125x80xi32, #tpu.memory_space<hbm>>
    %dma_wait3A_58 = tpu.memref_squeeze %dma_wait3A_57 : memref<1x125x80xi32, #tpu.memory_space<hbm>> -> memref<125x80xi32, #tpu.memory_space<hbm>>
    tpu.wait_dma2 semaphore(%arg12 : memref<!tpu.dma_semaphore, #tpu.memory_space<semaphore_mem>>) src(%dma_wait3A_58 : memref<125x80xi32, #tpu.memory_space<hbm>>) dst(%arg7 : memref<125x80xi32, #tpu.memory_space<vmem>>)
    %barrier3A = arith.constant 0 : index
    tpu.barrier barrier_id(%barrier3A)
    %dma_start3A_59 = arith.constant 0 : i32
    %dma_start3A_60 = tpu.memref_slice %arg6[%dma_start3A_59] : memref<10000xi32, #tpu.memory_space<vmem>> -> memref<80xi32, #tpu.memory_space<vmem>>
    %dma_start3A_61 = arith.constant 0 : i32
    %dma_start3A_62 = arith.constant 0 : i32
    %dma_start3A_63 = tpu.memref_slice %arg2[%dma_start3A_61, %dma_start3A_62] : memref<10000x128xf32, #tpu.memory_space<hbm>> -> memref<10000x128xf32, #tpu.memory_space<hbm>>
    tpu.enqueue_indirect_dma source(%dma_start3A_63 : memref<10000x128xf32, #tpu.memory_space<hbm>>) target(%arg8 : memref<80x128xf32, #tpu.memory_space<vmem>>) offsets(%dma_start3A_60 : memref<80xi32, #tpu.memory_space<vmem>>) semaphore(%arg11 : memref<!tpu.dma_semaphore, #tpu.memory_space<semaphore_mem>>)
    %scan3A_64 = arith.constant 0 : i32
    %scan3A_65 = arith.constant 0 : i32
    %scan3A_66 = arith.constant 62 : i32
    %scan3A_67 = arith.addi %scan3A_65, %scan3A_66 : i32
    %scan3A_68 = arith.constant 1 : i32
    scf.for %scan3A_83 = %scan3A_65 to %scan3A_67 step %scan3A_68  : i32 {
      %mul3A_84 = arith.constant 2 : i32
      %mul3A_85 = arith.muli %mul3A_84, %scan3A_83 : i32
      %add3A_86 = arith.constant 1 : i32
      %add3A_87 = arith.addi %mul3A_85, %add3A_86 : i32
      %mul3A_88 = arith.constant 80 : i32
      %mul3A_89 = arith.muli %add3A_87, %mul3A_88 : i32
      %dma_start3A_90 = tpu.memref_slice %arg6[%mul3A_89] : memref<10000xi32, #tpu.memory_space<vmem>> -> memref<80xi32, #tpu.memory_space<vmem>>
      %dma_start3A_91 = arith.constant 0 : i32
      %dma_start3A_92 = arith.constant 0 : i32
      %dma_start3A_93 = tpu.memref_slice %arg2[%dma_start3A_91, %dma_start3A_92] : memref<10000x128xf32, #tpu.memory_space<hbm>> -> memref<10000x128xf32, #tpu.memory_space<hbm>>
      tpu.enqueue_indirect_dma source(%dma_start3A_93 : memref<10000x128xf32, #tpu.memory_space<hbm>>) target(%arg9 : memref<80x128xf32, #tpu.memory_space<vmem>>) offsets(%dma_start3A_90 : memref<80xi32, #tpu.memory_space<vmem>>) semaphore(%arg12 : memref<!tpu.dma_semaphore, #tpu.memory_space<semaphore_mem>>)
      %dma_wait3A_94 = arith.constant 0 : i32
      %dma_wait3A_95 = tpu.memref_slice %arg6[%dma_wait3A_94] : memref<10000xi32, #tpu.memory_space<vmem>> -> memref<80xi32, #tpu.memory_space<vmem>>
      %dma_wait3A_96 = arith.constant 0 : i32
      %dma_wait3A_97 = arith.constant 0 : i32
      %dma_wait3A_98 = tpu.memref_slice %arg2[%dma_wait3A_96, %dma_wait3A_97] : memref<10000x128xf32, #tpu.memory_space<hbm>> -> memref<10000x128xf32, #tpu.memory_space<hbm>>
      tpu.wait_indirect_dma semaphore(%arg11 : memref<!tpu.dma_semaphore, #tpu.memory_space<semaphore_mem>>) src(%dma_wait3A_98 : memref<10000x128xf32, #tpu.memory_space<hbm>>) dst(%arg8 : memref<80x128xf32, #tpu.memory_space<vmem>>)
      "tpu.region"() ({
        %run_scoped3A_114 = tpu.sem_alloc : memref<!tpu.dma_semaphore, #tpu.memory_space<semaphore_mem>>
        %dma_start3A_115 = arith.constant 0 : i32
        %dma_start3A_116 = tpu.memref_slice %arg7[%mul3A_85, %dma_start3A_115] : memref<125x80xi32, #tpu.memory_space<vmem>> -> memref<1x80xi32, #tpu.memory_space<vmem>>
        %dma_start3A_117 = tpu.memref_squeeze %dma_start3A_116 : memref<1x80xi32, #tpu.memory_space<vmem>> -> memref<80xi32, #tpu.memory_space<vmem>>
        %dma_start3A_118 = arith.constant 0 : i32
        %dma_start3A_119 = arith.constant 0 : i32
        %dma_start3A_120 = tpu.memref_slice %arg10[%dma_start3A_118, %dma_start3A_119] : memref<10240x128xf32, #tpu.memory_space<vmem_shared>> -> memref<10240x128xf32, #tpu.memory_space<vmem_shared>>
        tpu.enqueue_indirect_dma source(%arg8 : memref<80x128xf32, #tpu.memory_space<vmem>>) target(%dma_start3A_120 : memref<10240x128xf32, #tpu.memory_space<vmem_shared>>) offsets(%dma_start3A_117 : memref<80xi32, #tpu.memory_space<vmem>>) semaphore(%run_scoped3A_114 : memref<!tpu.dma_semaphore, #tpu.memory_space<semaphore_mem>>) {add = true}
        %dma_wait3A_121 = arith.constant 0 : i32
        %dma_wait3A_122 = tpu.memref_slice %arg7[%mul3A_85, %dma_wait3A_121] : memref<125x80xi32, #tpu.memory_space<vmem>> -> memref<1x80xi32, #tpu.memory_space<vmem>>
        %dma_wait3A_123 = tpu.memref_squeeze %dma_wait3A_122 : memref<1x80xi32, #tpu.memory_space<vmem>> -> memref<80xi32, #tpu.memory_space<vmem>>
        %dma_wait3A_124 = arith.constant 0 : i32
        %dma_wait3A_125 = arith.constant 0 : i32
        %dma_wait3A_126 = tpu.memref_slice %arg10[%dma_wait3A_124, %dma_wait3A_125] : memref<10240x128xf32, #tpu.memory_space<vmem_shared>> -> memref<10240x128xf32, #tpu.memory_space<vmem_shared>>
        tpu.wait_indirect_dma semaphore(%run_scoped3A_114 : memref<!tpu.dma_semaphore, #tpu.memory_space<semaphore_mem>>) src(%arg8 : memref<80x128xf32, #tpu.memory_space<vmem>>) dst(%dma_wait3A_126 : memref<10240x128xf32, #tpu.memory_space<vmem_shared>>)
        tpu.yield
      }) : () -> ()
      %add3A_99 = arith.constant 2 : i32
      %add3A_100 = arith.addi %mul3A_85, %add3A_99 : i32
      %mul3A_101 = arith.constant 80 : i32
      %mul3A_102 = arith.muli %add3A_100, %mul3A_101 : i32
      %dma_start3A_103 = tpu.memref_slice %arg6[%mul3A_102] : memref<10000xi32, #tpu.memory_space<vmem>> -> memref<80xi32, #tpu.memory_space<vmem>>
      %dma_start3A_104 = arith.constant 0 : i32
      %dma_start3A_105 = arith.constant 0 : i32
      %dma_start3A_106 = tpu.memref_slice %arg2[%dma_start3A_104, %dma_start3A_105] : memref<10000x128xf32, #tpu.memory_space<hbm>> -> memref<10000x128xf32, #tpu.memory_space<hbm>>
      tpu.enqueue_indirect_dma source(%dma_start3A_106 : memref<10000x128xf32, #tpu.memory_space<hbm>>) target(%arg8 : memref<80x128xf32, #tpu.memory_space<vmem>>) offsets(%dma_start3A_103 : memref<80xi32, #tpu.memory_space<vmem>>) semaphore(%arg11 : memref<!tpu.dma_semaphore, #tpu.memory_space<semaphore_mem>>)
      %dma_wait3A_107 = arith.constant 0 : i32
      %dma_wait3A_108 = tpu.memref_slice %arg6[%dma_wait3A_107] : memref<10000xi32, #tpu.memory_space<vmem>> -> memref<80xi32, #tpu.memory_space<vmem>>
      %dma_wait3A_109 = arith.constant 0 : i32
      %dma_wait3A_110 = arith.constant 0 : i32
      %dma_wait3A_111 = tpu.memref_slice %arg2[%dma_wait3A_109, %dma_wait3A_110] : memref<10000x128xf32, #tpu.memory_space<hbm>> -> memref<10000x128xf32, #tpu.memory_space<hbm>>
      tpu.wait_indirect_dma semaphore(%arg12 : memref<!tpu.dma_semaphore, #tpu.memory_space<semaphore_mem>>) src(%dma_wait3A_111 : memref<10000x128xf32, #tpu.memory_space<hbm>>) dst(%arg9 : memref<80x128xf32, #tpu.memory_space<vmem>>)
      %add3A_112 = arith.constant 1 : i32
      %add3A_113 = arith.addi %mul3A_85, %add3A_112 : i32
      "tpu.region"() ({
        %run_scoped3A_114 = tpu.sem_alloc : memref<!tpu.dma_semaphore, #tpu.memory_space<semaphore_mem>>
        %dma_start3A_115 = arith.constant 0 : i32
        %dma_start3A_116 = tpu.memref_slice %arg7[%add3A_113, %dma_start3A_115] : memref<125x80xi32, #tpu.memory_space<vmem>> -> memref<1x80xi32, #tpu.memory_space<vmem>>
        %dma_start3A_117 = tpu.memref_squeeze %dma_start3A_116 : memref<1x80xi32, #tpu.memory_space<vmem>> -> memref<80xi32, #tpu.memory_space<vmem>>
        %dma_start3A_118 = arith.constant 0 : i32
        %dma_start3A_119 = arith.constant 0 : i32
        %dma_start3A_120 = tpu.memref_slice %arg10[%dma_start3A_118, %dma_start3A_119] : memref<10240x128xf32, #tpu.memory_space<vmem_shared>> -> memref<10240x128xf32, #tpu.memory_space<vmem_shared>>
        tpu.enqueue_indirect_dma source(%arg9 : memref<80x128xf32, #tpu.memory_space<vmem>>) target(%dma_start3A_120 : memref<10240x128xf32, #tpu.memory_space<vmem_shared>>) offsets(%dma_start3A_117 : memref<80xi32, #tpu.memory_space<vmem>>) semaphore(%run_scoped3A_114 : memref<!tpu.dma_semaphore, #tpu.memory_space<semaphore_mem>>) {add = true}
        %dma_wait3A_121 = arith.constant 0 : i32
        %dma_wait3A_122 = tpu.memref_slice %arg7[%add3A_113, %dma_wait3A_121] : memref<125x80xi32, #tpu.memory_space<vmem>> -> memref<1x80xi32, #tpu.memory_space<vmem>>
        %dma_wait3A_123 = tpu.memref_squeeze %dma_wait3A_122 : memref<1x80xi32, #tpu.memory_space<vmem>> -> memref<80xi32, #tpu.memory_space<vmem>>
        %dma_wait3A_124 = arith.constant 0 : i32
        %dma_wait3A_125 = arith.constant 0 : i32
        %dma_wait3A_126 = tpu.memref_slice %arg10[%dma_wait3A_124, %dma_wait3A_125] : memref<10240x128xf32, #tpu.memory_space<vmem_shared>> -> memref<10240x128xf32, #tpu.memory_space<vmem_shared>>
        tpu.wait_indirect_dma semaphore(%run_scoped3A_114 : memref<!tpu.dma_semaphore, #tpu.memory_space<semaphore_mem>>) src(%arg9 : memref<80x128xf32, #tpu.memory_space<vmem>>) dst(%dma_wait3A_126 : memref<10240x128xf32, #tpu.memory_space<vmem_shared>>)
        tpu.yield
      }) : () -> ()
    }
    %scan3A_69 = arith.constant 62 : i32
    %dma_wait3A_70 = arith.constant 0 : i32
    %dma_wait3A_71 = tpu.memref_slice %arg6[%dma_wait3A_70] : memref<10000xi32, #tpu.memory_space<vmem>> -> memref<80xi32, #tpu.memory_space<vmem>>
    %dma_wait3A_72 = arith.constant 0 : i32
    %dma_wait3A_73 = arith.constant 0 : i32
    %dma_wait3A_74 = tpu.memref_slice %arg2[%dma_wait3A_72, %dma_wait3A_73] : memref<10000x128xf32, #tpu.memory_space<hbm>> -> memref<10000x128xf32, #tpu.memory_space<hbm>>
    tpu.wait_indirect_dma semaphore(%arg11 : memref<!tpu.dma_semaphore, #tpu.memory_space<semaphore_mem>>) src(%dma_wait3A_74 : memref<10000x128xf32, #tpu.memory_space<hbm>>) dst(%arg8 : memref<80x128xf32, #tpu.memory_space<vmem>>)
    %run_scoped3A = arith.constant 124 : i32
    "tpu.region"() ({
      %run_scoped3A_83 = tpu.sem_alloc : memref<!tpu.dma_semaphore, #tpu.memory_space<semaphore_mem>>
      %dma_start3A_84 = arith.constant 0 : i32
      %dma_start3A_85 = tpu.memref_slice %arg7[%run_scoped3A, %dma_start3A_84] : memref<125x80xi32, #tpu.memory_space<vmem>> -> memref<1x80xi32, #tpu.memory_space<vmem>>
      %dma_start3A_86 = tpu.memref_squeeze %dma_start3A_85 : memref<1x80xi32, #tpu.memory_space<vmem>> -> memref<80xi32, #tpu.memory_space<vmem>>
      %dma_start3A_87 = arith.constant 0 : i32
      %dma_start3A_88 = arith.constant 0 : i32
      %dma_start3A_89 = tpu.memref_slice %arg10[%dma_start3A_87, %dma_start3A_88] : memref<10240x128xf32, #tpu.memory_space<vmem_shared>> -> memref<10240x128xf32, #tpu.memory_space<vmem_shared>>
      tpu.enqueue_indirect_dma source(%arg8 : memref<80x128xf32, #tpu.memory_space<vmem>>) target(%dma_start3A_89 : memref<10240x128xf32, #tpu.memory_space<vmem_shared>>) offsets(%dma_start3A_86 : memref<80xi32, #tpu.memory_space<vmem>>) semaphore(%run_scoped3A_83 : memref<!tpu.dma_semaphore, #tpu.memory_space<semaphore_mem>>) {add = true}
      %dma_wait3A_90 = arith.constant 0 : i32
      %dma_wait3A_91 = tpu.memref_slice %arg7[%run_scoped3A, %dma_wait3A_90] : memref<125x80xi32, #tpu.memory_space<vmem>> -> memref<1x80xi32, #tpu.memory_space<vmem>>
      %dma_wait3A_92 = tpu.memref_squeeze %dma_wait3A_91 : memref<1x80xi32, #tpu.memory_space<vmem>> -> memref<80xi32, #tpu.memory_space<vmem>>
      %dma_wait3A_93 = arith.constant 0 : i32
      %dma_wait3A_94 = arith.constant 0 : i32
      %dma_wait3A_95 = tpu.memref_slice %arg10[%dma_wait3A_93, %dma_wait3A_94] : memref<10240x128xf32, #tpu.memory_space<vmem_shared>> -> memref<10240x128xf32, #tpu.memory_space<vmem_shared>>
      tpu.wait_indirect_dma semaphore(%run_scoped3A_83 : memref<!tpu.dma_semaphore, #tpu.memory_space<semaphore_mem>>) src(%arg8 : memref<80x128xf32, #tpu.memory_space<vmem>>) dst(%dma_wait3A_95 : memref<10240x128xf32, #tpu.memory_space<vmem_shared>>)
      tpu.yield
    }) : () -> ()
    %barrier3A_75 = arith.constant 0 : index
    tpu.barrier barrier_id(%barrier3A_75)
    %mul3A_76 = arith.constant 640 : i32
    %mul3A_77 = arith.muli %arg1, %mul3A_76 : i32
    %mul3A_78 = arith.constant 10240 : i32
    %mul3A_79 = arith.muli %arg0, %mul3A_78 : i32
    %mul3A_80 = arith.constant 640 : i32
    %mul3A_81 = arith.muli %arg1, %mul3A_80 : i32
    %add3A_82 = arith.addi %mul3A_79, %mul3A_81 : i32
    "tpu.region"() ({
      %run_scoped3A_83 = tpu.sem_alloc : memref<!tpu.dma_semaphore, #tpu.memory_space<semaphore_mem>>
      %dma_start3A_84 = arith.constant 0 : i32
      %dma_start3A_85 = tpu.memref_slice %arg5[%add3A_82, %dma_start3A_84] : memref<20480x128xf32, #tpu.memory_space<hbm>> -> memref<640x128xf32, #tpu.memory_space<hbm>>
      %dma_start3A_86 = arith.constant 0 : i32
      %dma_start3A_87 = tpu.memref_slice %arg10[%mul3A_77, %dma_start3A_86] : memref<10240x128xf32, #tpu.memory_space<vmem_shared>> -> memref<640x128xf32, #tpu.memory_space<vmem_shared>>
      tpu.enqueue_dma source(%dma_start3A_87 : memref<640x128xf32, #tpu.memory_space<vmem_shared>>) target(%dma_start3A_85 : memref<640x128xf32, #tpu.memory_space<hbm>>) target_semaphore(%run_scoped3A_83 : memref<!tpu.dma_semaphore, #tpu.memory_space<semaphore_mem>>)
      %dma_wait3A_88 = arith.constant 0 : i32
      %dma_wait3A_89 = tpu.memref_slice %arg5[%add3A_82, %dma_wait3A_88] : memref<20480x128xf32, #tpu.memory_space<hbm>> -> memref<640x128xf32, #tpu.memory_space<hbm>>
      %dma_wait3A_90 = arith.constant 0 : i32
      %dma_wait3A_91 = tpu.memref_slice %arg10[%mul3A_77, %dma_wait3A_90] : memref<10240x128xf32, #tpu.memory_space<vmem_shared>> -> memref<640x128xf32, #tpu.memory_space<vmem_shared>>
      tpu.wait_dma2 semaphore(%run_scoped3A_83 : memref<!tpu.dma_semaphore, #tpu.memory_space<semaphore_mem>>) src(%dma_wait3A_91 : memref<640x128xf32, #tpu.memory_space<vmem_shared>>) dst(%dma_wait3A_89 : memref<640x128xf32, #tpu.memory_space<hbm>>)
      tpu.yield
    }) : () -> ()
    return
  }
}

#map = affine_map<(d0, d1) -> (0, 0, 0)>
#map1 = affine_map<(d0, d1) -> (0)>
module attributes {stable_mosaic.version = 14 : i64} {
  func.func @_sc_degree(%arg0: i32, %arg1: i32, %arg2: memref<32x125x80xi32, #tpu.memory_space<hbm>>, %arg3: memref<2621440xf32, #tpu.memory_space<hbm>>, %arg4: memref<125x80xi32, #tpu.memory_space<vmem>>, %arg5: memref<10240xf32, #tpu.memory_space<vmem>>, %arg6: memref<16x640xf32, #tpu.memory_space<vmem>>, %arg7: memref<640xf32, #tpu.memory_space<vmem>>, %arg8: memref<5x128xi32, #tpu.memory_space<vmem>>, %arg9: memref<16x10240xf32, #tpu.memory_space<vmem_shared>>, %arg10: memref<!tpu.dma_semaphore, #tpu.memory_space<semaphore_mem>>) attributes {dimension_semantics = [#tpu.dimension_semantics<core_parallel>, #tpu.dimension_semantics<subcore_parallel>], iteration_bounds = array<i64: 2, 16>, scalar_prefetch = 0 : i64, scratch_operands = 7 : i64, tpu.core_type = #tpu.core_type<sc_vector_subcore>, window_params = [{transform_indices = #map}, {transform_indices = #map1}]} {
    %mul3A = arith.constant 16 : i32
    %mul3A_0 = arith.muli %arg0, %mul3A : i32
    %add3A = arith.addi %mul3A_0, %arg1 : i32
    %dma_start3A = arith.constant 0 : i32
    %dma_start3A_1 = arith.constant 0 : i32
    %dma_start3A_2 = tpu.memref_slice %arg2[%add3A, %dma_start3A, %dma_start3A_1] : memref<32x125x80xi32, #tpu.memory_space<hbm>> -> memref<1x125x80xi32, #tpu.memory_space<hbm>>
    %dma_start3A_3 = tpu.memref_squeeze %dma_start3A_2 : memref<1x125x80xi32, #tpu.memory_space<hbm>> -> memref<125x80xi32, #tpu.memory_space<hbm>>
    %dma_start3A_4 = arith.constant 0 : i32
    %dma_start3A_5 = arith.constant 0 : i32
    %dma_start3A_6 = tpu.memref_slice %arg2[%add3A, %dma_start3A_4, %dma_start3A_5] : memref<32x125x80xi32, #tpu.memory_space<hbm>> -> memref<1x125x80xi32, #tpu.memory_space<hbm>>
    %dma_start3A_7 = tpu.memref_squeeze %dma_start3A_6 : memref<1x125x80xi32, #tpu.memory_space<hbm>> -> memref<125x80xi32, #tpu.memory_space<hbm>>
    tpu.enqueue_dma source(%dma_start3A_7 : memref<125x80xi32, #tpu.memory_space<hbm>>) target(%arg4 : memref<125x80xi32, #tpu.memory_space<vmem>>) target_semaphore(%arg10 : memref<!tpu.dma_semaphore, #tpu.memory_space<semaphore_mem>>)
    %broadcast_in_dim3A = arith.constant 0.000000e+00 : f32
    %broadcast_in_dim3A_8 = vector.broadcast %broadcast_in_dim3A : f32 to vector<16xf32>
    %scan3A = arith.constant 0 : i32
    %scan3A_9 = arith.constant 0 : i32
    %scan3A_10 = arith.constant 640 : i32
    %scan3A_11 = arith.addi %scan3A_9, %scan3A_10 : i32
    %scan3A_12 = arith.constant 1 : i32
    scf.for %scan3A_130 = %scan3A_9 to %scan3A_11 step %scan3A_12  : i32 {
      %mul3A_131 = arith.constant 16 : i32
      %mul3A_132 = arith.muli %scan3A_130, %mul3A_131 : i32
      %swap3A = arith.index_cast %mul3A_132 : i32 to index
      %swap3A_133 = tpu.vector_load %arg5[%swap3A] {strides = array<i32>} : memref<10240xf32, #tpu.memory_space<vmem>>, vector<16xf32>,
      tpu.vector_store %arg5[%swap3A], %broadcast_in_dim3A_8 {strides = array<i32>} : memref<10240xf32, #tpu.memory_space<vmem>>, vector<16xf32>,
    }
    %scan3A_13 = arith.constant 640 : i32
    %dma_wait3A = arith.constant 0 : i32
    %dma_wait3A_14 = arith.constant 0 : i32
    %dma_wait3A_15 = tpu.memref_slice %arg2[%add3A, %dma_wait3A, %dma_wait3A_14] : memref<32x125x80xi32, #tpu.memory_space<hbm>> -> memref<1x125x80xi32, #tpu.memory_space<hbm>>
    %dma_wait3A_16 = tpu.memref_squeeze %dma_wait3A_15 : memref<1x125x80xi32, #tpu.memory_space<hbm>> -> memref<125x80xi32, #tpu.memory_space<hbm>>
    %dma_wait3A_17 = arith.constant 0 : i32
    %dma_wait3A_18 = arith.constant 0 : i32
    %dma_wait3A_19 = tpu.memref_slice %arg2[%add3A, %dma_wait3A_17, %dma_wait3A_18] : memref<32x125x80xi32, #tpu.memory_space<hbm>> -> memref<1x125x80xi32, #tpu.memory_space<hbm>>
    %dma_wait3A_20 = tpu.memref_squeeze %dma_wait3A_19 : memref<1x125x80xi32, #tpu.memory_space<hbm>> -> memref<125x80xi32, #tpu.memory_space<hbm>>
    tpu.wait_dma2 semaphore(%arg10 : memref<!tpu.dma_semaphore, #tpu.memory_space<semaphore_mem>>) src(%dma_wait3A_20 : memref<125x80xi32, #tpu.memory_space<hbm>>) dst(%arg4 : memref<125x80xi32, #tpu.memory_space<vmem>>)
    %broadcast_in_dim3A_21 = arith.constant 1.000000e+00 : f32
    %broadcast_in_dim3A_22 = vector.broadcast %broadcast_in_dim3A_21 : f32 to vector<16xf32>
    %scan3A_23 = arith.constant 0 : i32
    %scan3A_24 = arith.constant 0 : i32
    %scan3A_25 = arith.constant 125 : i32
    %scan3A_26 = arith.addi %scan3A_24, %scan3A_25 : i32
    %scan3A_27 = arith.constant 1 : i32
    scf.for %scan3A_130 = %scan3A_24 to %scan3A_26 step %scan3A_27  : i32 {
      %get3A = arith.index_cast %scan3A_130 : i32 to index
      %get3A_131 = arith.constant 0 : index
      %get3A_132 = tpu.vector_load %arg4[%get3A, %get3A_131] {strides = array<i32>} : memref<125x80xi32, #tpu.memory_space<vmem>>, vector<16xi32>,
      tpu.vector_store_idx %arg5[%get3A_132], %broadcast_in_dim3A_22 {add = true} : memref<10240xf32, #tpu.memory_space<vmem>>[vector<16xi32>], vector<16xf32>,
      %get3A_133 = arith.index_cast %scan3A_130 : i32 to index
      %get3A_134 = arith.constant 16 : index
      %get3A_135 = tpu.vector_load %arg4[%get3A_133, %get3A_134] {strides = array<i32>} : memref<125x80xi32, #tpu.memory_space<vmem>>, vector<16xi32>,
      tpu.vector_store_idx %arg5[%get3A_135], %broadcast_in_dim3A_22 {add = true} : memref<10240xf32, #tpu.memory_space<vmem>>[vector<16xi32>], vector<16xf32>,
      %get3A_136 = arith.index_cast %scan3A_130 : i32 to index
      %get3A_137 = arith.constant 32 : index
      %get3A_138 = tpu.vector_load %arg4[%get3A_136, %get3A_137] {strides = array<i32>} : memref<125x80xi32, #tpu.memory_space<vmem>>, vector<16xi32>,
      tpu.vector_store_idx %arg5[%get3A_138], %broadcast_in_dim3A_22 {add = true} : memref<10240xf32, #tpu.memory_space<vmem>>[vector<16xi32>], vector<16xf32>,
      %get3A_139 = arith.index_cast %scan3A_130 : i32 to index
      %get3A_140 = arith.constant 48 : index
      %get3A_141 = tpu.vector_load %arg4[%get3A_139, %get3A_140] {strides = array<i32>} : memref<125x80xi32, #tpu.memory_space<vmem>>, vector<16xi32>,
      tpu.vector_store_idx %arg5[%get3A_141], %broadcast_in_dim3A_22 {add = true} : memref<10240xf32, #tpu.memory_space<vmem>>[vector<16xi32>], vector<16xf32>,
      %get3A_142 = arith.index_cast %scan3A_130 : i32 to index
      %get3A_143 = arith.constant 64 : index
      %get3A_144 = tpu.vector_load %arg4[%get3A_142, %get3A_143] {strides = array<i32>} : memref<125x80xi32, #tpu.memory_space<vmem>>, vector<16xi32>,
      tpu.vector_store_idx %arg5[%get3A_144], %broadcast_in_dim3A_22 {add = true} : memref<10240xf32, #tpu.memory_space<vmem>>[vector<16xi32>], vector<16xf32>,
    }
    %scan3A_28 = arith.constant 125 : i32
    "tpu.region"() ({
      %run_scoped3A = tpu.sem_alloc : memref<!tpu.dma_semaphore, #tpu.memory_space<semaphore_mem>>
      %dma_start3A_130 = arith.constant 0 : i32
      %dma_start3A_131 = tpu.memref_slice %arg9[%arg1, %dma_start3A_130] : memref<16x10240xf32, #tpu.memory_space<vmem_shared>> -> memref<1x10240xf32, #tpu.memory_space<vmem_shared>>
      %dma_start3A_132 = tpu.memref_squeeze %dma_start3A_131 : memref<1x10240xf32, #tpu.memory_space<vmem_shared>> -> memref<10240xf32, #tpu.memory_space<vmem_shared>>
      %dma_start3A_133 = arith.constant 0 : i32
      %dma_start3A_134 = tpu.memref_slice %arg9[%arg1, %dma_start3A_133] : memref<16x10240xf32, #tpu.memory_space<vmem_shared>> -> memref<1x10240xf32, #tpu.memory_space<vmem_shared>>
      %dma_start3A_135 = tpu.memref_squeeze %dma_start3A_134 : memref<1x10240xf32, #tpu.memory_space<vmem_shared>> -> memref<10240xf32, #tpu.memory_space<vmem_shared>>
      tpu.enqueue_dma source(%arg5 : memref<10240xf32, #tpu.memory_space<vmem>>) target(%dma_start3A_135 : memref<10240xf32, #tpu.memory_space<vmem_shared>>) target_semaphore(%run_scoped3A : memref<!tpu.dma_semaphore, #tpu.memory_space<semaphore_mem>>)
      %dma_wait3A_136 = arith.constant 0 : i32
      %dma_wait3A_137 = tpu.memref_slice %arg9[%arg1, %dma_wait3A_136] : memref<16x10240xf32, #tpu.memory_space<vmem_shared>> -> memref<1x10240xf32, #tpu.memory_space<vmem_shared>>
      %dma_wait3A_138 = tpu.memref_squeeze %dma_wait3A_137 : memref<1x10240xf32, #tpu.memory_space<vmem_shared>> -> memref<10240xf32, #tpu.memory_space<vmem_shared>>
      %dma_wait3A_139 = arith.constant 0 : i32
      %dma_wait3A_140 = tpu.memref_slice %arg9[%arg1, %dma_wait3A_139] : memref<16x10240xf32, #tpu.memory_space<vmem_shared>> -> memref<1x10240xf32, #tpu.memory_space<vmem_shared>>
      %dma_wait3A_141 = tpu.memref_squeeze %dma_wait3A_140 : memref<1x10240xf32, #tpu.memory_space<vmem_shared>> -> memref<10240xf32, #tpu.memory_space<vmem_shared>>
      tpu.wait_dma2 semaphore(%run_scoped3A : memref<!tpu.dma_semaphore, #tpu.memory_space<semaphore_mem>>) src(%arg5 : memref<10240xf32, #tpu.memory_space<vmem>>) dst(%dma_wait3A_141 : memref<10240xf32, #tpu.memory_space<vmem_shared>>)
      tpu.yield
    }) : () -> ()
    %barrier3A = arith.constant 0 : index
    tpu.barrier barrier_id(%barrier3A)
    %mul3A_29 = arith.constant 640 : i32
    %mul3A_30 = arith.muli %arg1, %mul3A_29 : i32
    "tpu.region"() ({
      %run_scoped3A = tpu.sem_alloc : memref<!tpu.dma_semaphore, #tpu.memory_space<semaphore_mem>>
      %dma_start3A_130 = arith.constant 0 : i32
      %dma_start3A_131 = tpu.memref_slice %arg9[%dma_start3A_130, %mul3A_30] : memref<16x10240xf32, #tpu.memory_space<vmem_shared>> -> memref<16x640xf32, #tpu.memory_space<vmem_shared>>
      %dma_start3A_132 = arith.constant 0 : i32
      %dma_start3A_133 = tpu.memref_slice %arg9[%dma_start3A_132, %mul3A_30] : memref<16x10240xf32, #tpu.memory_space<vmem_shared>> -> memref<16x640xf32, #tpu.memory_space<vmem_shared>>
      tpu.enqueue_dma source(%dma_start3A_133 : memref<16x640xf32, #tpu.memory_space<vmem_shared>>) target(%arg6 : memref<16x640xf32, #tpu.memory_space<vmem>>) target_semaphore(%run_scoped3A : memref<!tpu.dma_semaphore, #tpu.memory_space<semaphore_mem>>)
      %dma_wait3A_134 = arith.constant 0 : i32
      %dma_wait3A_135 = tpu.memref_slice %arg9[%dma_wait3A_134, %mul3A_30] : memref<16x10240xf32, #tpu.memory_space<vmem_shared>> -> memref<16x640xf32, #tpu.memory_space<vmem_shared>>
      %dma_wait3A_136 = arith.constant 0 : i32
      %dma_wait3A_137 = tpu.memref_slice %arg9[%dma_wait3A_136, %mul3A_30] : memref<16x10240xf32, #tpu.memory_space<vmem_shared>> -> memref<16x640xf32, #tpu.memory_space<vmem_shared>>
      tpu.wait_dma2 semaphore(%run_scoped3A : memref<!tpu.dma_semaphore, #tpu.memory_space<semaphore_mem>>) src(%dma_wait3A_137 : memref<16x640xf32, #tpu.memory_space<vmem_shared>>) dst(%arg6 : memref<16x640xf32, #tpu.memory_space<vmem>>)
      tpu.yield
    }) : () -> ()
    %scan3A_31 = arith.constant 0 : i32
    %scan3A_32 = arith.constant 0 : i32
    %scan3A_33 = arith.constant 40 : i32
    %scan3A_34 = arith.addi %scan3A_32, %scan3A_33 : i32
    %scan3A_35 = arith.constant 1 : i32
    scf.for %scan3A_130 = %scan3A_32 to %scan3A_34 step %scan3A_35  : i32 {
      %mul3A_131 = arith.constant 16 : i32
      %mul3A_132 = arith.muli %scan3A_130, %mul3A_131 : i32
      %get3A = arith.constant 0 : i32
      %get3A_133 = arith.index_cast %get3A : i32 to index
      %get3A_134 = arith.index_cast %mul3A_132 : i32 to index
      %get3A_135 = tpu.vector_load %arg6[%get3A_133, %get3A_134] {strides = array<i32>} : memref<16x640xf32, #tpu.memory_space<vmem>>, vector<16xf32>,
      %mul3A_136 = arith.constant 16 : i32
      %mul3A_137 = arith.muli %scan3A_130, %mul3A_136 : i32
      %get3A_138 = arith.constant 1 : i32
      %get3A_139 = arith.index_cast %get3A_138 : i32 to index
      %get3A_140 = arith.index_cast %mul3A_137 : i32 to index
      %get3A_141 = tpu.vector_load %arg6[%get3A_139, %get3A_140] {strides = array<i32>} : memref<16x640xf32, #tpu.memory_space<vmem>>, vector<16xf32>,
      %add3A_142 = arith.addf %get3A_135, %get3A_141 : vector<16xf32>
      %mul3A_143 = arith.constant 16 : i32
      %mul3A_144 = arith.muli %scan3A_130, %mul3A_143 : i32
      %get3A_145 = arith.constant 2 : i32
      %get3A_146 = arith.index_cast %get3A_145 : i32 to index
      %get3A_147 = arith.index_cast %mul3A_144 : i32 to index
      %get3A_148 = tpu.vector_load %arg6[%get3A_146, %get3A_147] {strides = array<i32>} : memref<16x640xf32, #tpu.memory_space<vmem>>, vector<16xf32>,
      %add3A_149 = arith.addf %add3A_142, %get3A_148 : vector<16xf32>
      %mul3A_150 = arith.constant 16 : i32
      %mul3A_151 = arith.muli %scan3A_130, %mul3A_150 : i32
      %get3A_152 = arith.constant 3 : i32
      %get3A_153 = arith.index_cast %get3A_152 : i32 to index
      %get3A_154 = arith.index_cast %mul3A_151 : i32 to index
      %get3A_155 = tpu.vector_load %arg6[%get3A_153, %get3A_154] {strides = array<i32>} : memref<16x640xf32, #tpu.memory_space<vmem>>, vector<16xf32>,
      %add3A_156 = arith.addf %add3A_149, %get3A_155 : vector<16xf32>
      %mul3A_157 = arith.constant 16 : i32
      %mul3A_158 = arith.muli %scan3A_130, %mul3A_157 : i32
      %get3A_159 = arith.constant 4 : i32
      %get3A_160 = arith.index_cast %get3A_159 : i32 to index
      %get3A_161 = arith.index_cast %mul3A_158 : i32 to index
      %get3A_162 = tpu.vector_load %arg6[%get3A_160, %get3A_161] {strides = array<i32>} : memref<16x640xf32, #tpu.memory_space<vmem>>, vector<16xf32>,
      %add3A_163 = arith.addf %add3A_156, %get3A_162 : vector<16xf32>
      %mul3A_164 = arith.constant 16 : i32
      %mul3A_165 = arith.muli %scan3A_130, %mul3A_164 : i32
      %get3A_166 = arith.constant 5 : i32
      %get3A_167 = arith.index_cast %get3A_166 : i32 to index
      %get3A_168 = arith.index_cast %mul3A_165 : i32 to index
      %get3A_169 = tpu.vector_load %arg6[%get3A_167, %get3A_168] {strides = array<i32>} : memref<16x640xf32, #tpu.memory_space<vmem>>, vector<16xf32>,
      %add3A_170 = arith.addf %add3A_163, %get3A_169 : vector<16xf32>
      %mul3A_171 = arith.constant 16 : i32
      %mul3A_172 = arith.muli %scan3A_130, %mul3A_171 : i32
      %get3A_173 = arith.constant 6 : i32
      %get3A_174 = arith.index_cast %get3A_173 : i32 to index
      %get3A_175 = arith.index_cast %mul3A_172 : i32 to index
      %get3A_176 = tpu.vector_load %arg6[%get3A_174, %get3A_175] {strides = array<i32>} : memref<16x640xf32, #tpu.memory_space<vmem>>, vector<16xf32>,
      %add3A_177 = arith.addf %add3A_170, %get3A_176 : vector<16xf32>
      %mul3A_178 = arith.constant 16 : i32
      %mul3A_179 = arith.muli %scan3A_130, %mul3A_178 : i32
      %get3A_180 = arith.constant 7 : i32
      %get3A_181 = arith.index_cast %get3A_180 : i32 to index
      %get3A_182 = arith.index_cast %mul3A_179 : i32 to index
      %get3A_183 = tpu.vector_load %arg6[%get3A_181, %get3A_182] {strides = array<i32>} : memref<16x640xf32, #tpu.memory_space<vmem>>, vector<16xf32>,
      %add3A_184 = arith.addf %add3A_177, %get3A_183 : vector<16xf32>
      %mul3A_185 = arith.constant 16 : i32
      %mul3A_186 = arith.muli %scan3A_130, %mul3A_185 : i32
      %get3A_187 = arith.constant 8 : i32
      %get3A_188 = arith.index_cast %get3A_187 : i32 to index
      %get3A_189 = arith.index_cast %mul3A_186 : i32 to index
      %get3A_190 = tpu.vector_load %arg6[%get3A_188, %get3A_189] {strides = array<i32>} : memref<16x640xf32, #tpu.memory_space<vmem>>, vector<16xf32>,
      %add3A_191 = arith.addf %add3A_184, %get3A_190 : vector<16xf32>
      %mul3A_192 = arith.constant 16 : i32
      %mul3A_193 = arith.muli %scan3A_130, %mul3A_192 : i32
      %get3A_194 = arith.constant 9 : i32
      %get3A_195 = arith.index_cast %get3A_194 : i32 to index
      %get3A_196 = arith.index_cast %mul3A_193 : i32 to index
      %get3A_197 = tpu.vector_load %arg6[%get3A_195, %get3A_196] {strides = array<i32>} : memref<16x640xf32, #tpu.memory_space<vmem>>, vector<16xf32>,
      %add3A_198 = arith.addf %add3A_191, %get3A_197 : vector<16xf32>
      %mul3A_199 = arith.constant 16 : i32
      %mul3A_200 = arith.muli %scan3A_130, %mul3A_199 : i32
      %get3A_201 = arith.constant 10 : i32
      %get3A_202 = arith.index_cast %get3A_201 : i32 to index
      %get3A_203 = arith.index_cast %mul3A_200 : i32 to index
      %get3A_204 = tpu.vector_load %arg6[%get3A_202, %get3A_203] {strides = array<i32>} : memref<16x640xf32, #tpu.memory_space<vmem>>, vector<16xf32>,
      %add3A_205 = arith.addf %add3A_198, %get3A_204 : vector<16xf32>
      %mul3A_206 = arith.constant 16 : i32
      %mul3A_207 = arith.muli %scan3A_130, %mul3A_206 : i32
      %get3A_208 = arith.constant 11 : i32
      %get3A_209 = arith.index_cast %get3A_208 : i32 to index
      %get3A_210 = arith.index_cast %mul3A_207 : i32 to index
      %get3A_211 = tpu.vector_load %arg6[%get3A_209, %get3A_210] {strides = array<i32>} : memref<16x640xf32, #tpu.memory_space<vmem>>, vector<16xf32>,
      %add3A_212 = arith.addf %add3A_205, %get3A_211 : vector<16xf32>
      %mul3A_213 = arith.constant 16 : i32
      %mul3A_214 = arith.muli %scan3A_130, %mul3A_213 : i32
      %get3A_215 = arith.constant 12 : i32
      %get3A_216 = arith.index_cast %get3A_215 : i32 to index
      %get3A_217 = arith.index_cast %mul3A_214 : i32 to index
      %get3A_218 = tpu.vector_load %arg6[%get3A_216, %get3A_217] {strides = array<i32>} : memref<16x640xf32, #tpu.memory_space<vmem>>, vector<16xf32>,
      %add3A_219 = arith.addf %add3A_212, %get3A_218 : vector<16xf32>
      %mul3A_220 = arith.constant 16 : i32
      %mul3A_221 = arith.muli %scan3A_130, %mul3A_220 : i32
      %get3A_222 = arith.constant 13 : i32
      %get3A_223 = arith.index_cast %get3A_222 : i32 to index
      %get3A_224 = arith.index_cast %mul3A_221 : i32 to index
      %get3A_225 = tpu.vector_load %arg6[%get3A_223, %get3A_224] {strides = array<i32>} : memref<16x640xf32, #tpu.memory_space<vmem>>, vector<16xf32>,
      %add3A_226 = arith.addf %add3A_219, %get3A_225 : vector<16xf32>
      %mul3A_227 = arith.constant 16 : i32
      %mul3A_228 = arith.muli %scan3A_130, %mul3A_227 : i32
      %get3A_229 = arith.constant 14 : i32
      %get3A_230 = arith.index_cast %get3A_229 : i32 to index
      %get3A_231 = arith.index_cast %mul3A_228 : i32 to index
      %get3A_232 = tpu.vector_load %arg6[%get3A_230, %get3A_231] {strides = array<i32>} : memref<16x640xf32, #tpu.memory_space<vmem>>, vector<16xf32>,
      %add3A_233 = arith.addf %add3A_226, %get3A_232 : vector<16xf32>
      %mul3A_234 = arith.constant 16 : i32
      %mul3A_235 = arith.muli %scan3A_130, %mul3A_234 : i32
      %get3A_236 = arith.constant 15 : i32
      %get3A_237 = arith.index_cast %get3A_236 : i32 to index
      %get3A_238 = arith.index_cast %mul3A_235 : i32 to index
      %get3A_239 = tpu.vector_load %arg6[%get3A_237, %get3A_238] {strides = array<i32>} : memref<16x640xf32, #tpu.memory_space<vmem>>, vector<16xf32>,
      %add3A_240 = arith.addf %add3A_233, %get3A_239 : vector<16xf32>
      %mul3A_241 = arith.constant 16 : i32
      %mul3A_242 = arith.muli %scan3A_130, %mul3A_241 : i32
      %swap3A = arith.index_cast %mul3A_242 : i32 to index
      %swap3A_243 = tpu.vector_load %arg7[%swap3A] {strides = array<i32>} : memref<640xf32, #tpu.memory_space<vmem>>, vector<16xf32>,
      tpu.vector_store %arg7[%swap3A], %add3A_240 {strides = array<i32>} : memref<640xf32, #tpu.memory_space<vmem>>, vector<16xf32>,
    }
    %scan3A_36 = arith.constant 40 : i32
    %mul3A_37 = arith.constant 10240 : i32
    %mul3A_38 = arith.muli %arg0, %mul3A_37 : i32
    %mul3A_39 = arith.constant 640 : i32
    %mul3A_40 = arith.muli %arg1, %mul3A_39 : i32
    %add3A_41 = arith.addi %mul3A_38, %mul3A_40 : i32
    %mul3A_42 = arith.constant 128 : i32
    %mul3A_43 = arith.muli %add3A_41, %mul3A_42 : i32
    %scan3A_44 = arith.constant 0 : i32
    %scan3A_45 = arith.constant 0 : i32
    %scan3A_46 = arith.constant 40 : i32
    %scan3A_47 = arith.addi %scan3A_45, %scan3A_46 : i32
    %scan3A_48 = arith.constant 1 : i32
    scf.for %scan3A_130 = %scan3A_45 to %scan3A_47 step %scan3A_48  : i32 {
      %iota3A = tpu.iota {dimensions = array<i32: 0>} : vector<16xi32>
      %mul3A_131 = arith.constant 16 : i32
      %mul3A_132 = arith.muli %scan3A_130, %mul3A_131 : i32
      %add3A_133 = vector.broadcast %mul3A_132 : i32 to vector<16xi32>
      %add3A_134 = arith.addi %iota3A, %add3A_133 : vector<16xi32>
      %mul3A_135 = arith.constant 128 : i32
      %mul3A_136 = vector.broadcast %mul3A_135 : i32 to vector<16xi32>
      %mul3A_137 = arith.muli %add3A_134, %mul3A_136 : vector<16xi32>
      %add3A_138 = vector.broadcast %mul3A_43 : i32 to vector<16xi32>
      %add3A_139 = arith.addi %add3A_138, %mul3A_137 : vector<16xi32>
      %jit3A = arith.constant 8 : i32
      %div3A = arith.divsi %scan3A_130, %jit3A : i32
      %sign3A = arith.constant 0 : i32
      %sign3A_140 = arith.cmpi sgt, %scan3A_130, %sign3A : i32
      %sign3A_141 = arith.extui %sign3A_140 : i1 to i32
      %sign3A_142 = arith.constant 0 : i32
      %sign3A_143 = arith.cmpi slt, %scan3A_130, %sign3A_142 : i32
      %sign3A_144 = arith.extui %sign3A_143 : i1 to i32
      %sign3A_145 = arith.subi %sign3A_141, %sign3A_144 : i32
      %sign3A_146 = arith.constant 0 : i32
      %sign3A_147 = arith.cmpi sgt, %jit3A, %sign3A_146 : i32
      %sign3A_148 = arith.extui %sign3A_147 : i1 to i32
      %sign3A_149 = arith.constant 0 : i32
      %sign3A_150 = arith.cmpi slt, %jit3A, %sign3A_149 : i32
      %sign3A_151 = arith.extui %sign3A_150 : i1 to i32
      %sign3A_152 = arith.subi %sign3A_148, %sign3A_151 : i32
      %ne3A = arith.cmpi ne, %sign3A_145, %sign3A_152 : i32
      %rem3A = arith.remsi %scan3A_130, %jit3A : i32
      %ne3A_153 = arith.constant 0 : i32
      %ne3A_154 = arith.cmpi ne, %rem3A, %ne3A_153 : i32
      %and3A = arith.andi %ne3A, %ne3A_154 : i1
      %sub3A = arith.constant 1 : i32
      %sub3A_155 = arith.subi %div3A, %sub3A : i32
      %select_n3A = arith.select %and3A, %sub3A_155, %div3A : i32
      %jit3A_156 = arith.constant 8 : i32
      %eq3A = arith.constant 0 : i32
      %eq3A_157 = arith.cmpi eq, %jit3A_156, %eq3A : i32
      %jit3A_158 = arith.constant 1 : i32
      %select_n3A_159 = arith.select %eq3A_157, %jit3A_158, %jit3A_156 : i32
      %rem3A_160 = arith.remsi %scan3A_130, %select_n3A_159 : i32
      %ne3A_161 = arith.constant 0 : i32
      %ne3A_162 = arith.cmpi ne, %rem3A_160, %ne3A_161 : i32
      %lt3A = arith.constant 0 : i32
      %lt3A_163 = arith.cmpi slt, %rem3A_160, %lt3A : i32
      %lt3A_164 = arith.constant 0 : i32
      %lt3A_165 = arith.cmpi slt, %select_n3A_159, %lt3A_164 : i32
      %ne3A_166 = arith.xori %lt3A_163, %lt3A_165 : i1
      %and3A_167 = arith.andi %ne3A_166, %ne3A_162 : i1
      %add3A_168 = arith.addi %rem3A_160, %select_n3A_159 : i32
      %select_n3A_169 = arith.select %and3A_167, %add3A_168, %rem3A_160 : i32
      %mul3A_170 = arith.constant 16 : i32
      %mul3A_171 = arith.muli %select_n3A_169, %mul3A_170 : i32
      %swap3A = arith.index_cast %select_n3A : i32 to index
      %swap3A_172 = arith.index_cast %mul3A_171 : i32 to index
      %swap3A_173 = tpu.vector_load %arg8[%swap3A, %swap3A_172] {strides = array<i32>} : memref<5x128xi32, #tpu.memory_space<vmem>>, vector<16xi32>,
      tpu.vector_store %arg8[%swap3A, %swap3A_172], %add3A_139 {strides = array<i32>} : memref<5x128xi32, #tpu.memory_space<vmem>>, vector<16xi32>,
    }
    %scan3A_49 = arith.constant 40 : i32
    %dma_start3A_50 = arith.constant 0 : i32
    %dma_start3A_51 = arith.constant 0 : i32
    %dma_start3A_52 = tpu.memref_slice %arg7[%dma_start3A_51] : memref<640xf32, #tpu.memory_space<vmem>> -> memref<128xf32, #tpu.memory_space<vmem>>
    %dma_start3A_53 = arith.constant 0 : i32
    %dma_start3A_54 = tpu.memref_slice %arg8[%dma_start3A_50, %dma_start3A_53] : memref<5x128xi32, #tpu.memory_space<vmem>> -> memref<1x128xi32, #tpu.memory_space<vmem>>
    %dma_start3A_55 = tpu.memref_squeeze %dma_start3A_54 : memref<1x128xi32, #tpu.memory_space<vmem>> -> memref<128xi32, #tpu.memory_space<vmem>>
    %dma_start3A_56 = arith.constant 0 : i32
    %dma_start3A_57 = tpu.memref_slice %arg3[%dma_start3A_56] : memref<2621440xf32, #tpu.memory_space<hbm>> -> memref<2621440xf32, #tpu.memory_space<hbm>>
    tpu.enqueue_indirect_dma source(%dma_start3A_52 : memref<128xf32, #tpu.memory_space<vmem>>) target(%dma_start3A_57 : memref<2621440xf32, #tpu.memory_space<hbm>>) offsets(%dma_start3A_55 : memref<128xi32, #tpu.memory_space<vmem>>) semaphore(%arg10 : memref<!tpu.dma_semaphore, #tpu.memory_space<semaphore_mem>>)
    %dma_start3A_58 = arith.constant 1 : i32
    %dma_start3A_59 = arith.constant 128 : i32
    %dma_start3A_60 = tpu.memref_slice %arg7[%dma_start3A_59] : memref<640xf32, #tpu.memory_space<vmem>> -> memref<128xf32, #tpu.memory_space<vmem>>
    %dma_start3A_61 = arith.constant 0 : i32
    %dma_start3A_62 = tpu.memref_slice %arg8[%dma_start3A_58, %dma_start3A_61] : memref<5x128xi32, #tpu.memory_space<vmem>> -> memref<1x128xi32, #tpu.memory_space<vmem>>
    %dma_start3A_63 = tpu.memref_squeeze %dma_start3A_62 : memref<1x128xi32, #tpu.memory_space<vmem>> -> memref<128xi32, #tpu.memory_space<vmem>>
    %dma_start3A_64 = arith.constant 0 : i32
    %dma_start3A_65 = tpu.memref_slice %arg3[%dma_start3A_64] : memref<2621440xf32, #tpu.memory_space<hbm>> -> memref<2621440xf32, #tpu.memory_space<hbm>>
    tpu.enqueue_indirect_dma source(%dma_start3A_60 : memref<128xf32, #tpu.memory_space<vmem>>) target(%dma_start3A_65 : memref<2621440xf32, #tpu.memory_space<hbm>>) offsets(%dma_start3A_63 : memref<128xi32, #tpu.memory_space<vmem>>) semaphore(%arg10 : memref<!tpu.dma_semaphore, #tpu.memory_space<semaphore_mem>>)
    %dma_start3A_66 = arith.constant 2 : i32
    %dma_start3A_67 = arith.constant 256 : i32
    %dma_start3A_68 = tpu.memref_slice %arg7[%dma_start3A_67] : memref<640xf32, #tpu.memory_space<vmem>> -> memref<128xf32, #tpu.memory_space<vmem>>
    %dma_start3A_69 = arith.constant 0 : i32
    %dma_start3A_70 = tpu.memref_slice %arg8[%dma_start3A_66, %dma_start3A_69] : memref<5x128xi32, #tpu.memory_space<vmem>> -> memref<1x128xi32, #tpu.memory_space<vmem>>
    %dma_start3A_71 = tpu.memref_squeeze %dma_start3A_70 : memref<1x128xi32, #tpu.memory_space<vmem>> -> memref<128xi32, #tpu.memory_space<vmem>>
    %dma_start3A_72 = arith.constant 0 : i32
    %dma_start3A_73 = tpu.memref_slice %arg3[%dma_start3A_72] : memref<2621440xf32, #tpu.memory_space<hbm>> -> memref<2621440xf32, #tpu.memory_space<hbm>>
    tpu.enqueue_indirect_dma source(%dma_start3A_68 : memref<128xf32, #tpu.memory_space<vmem>>) target(%dma_start3A_73 : memref<2621440xf32, #tpu.memory_space<hbm>>) offsets(%dma_start3A_71 : memref<128xi32, #tpu.memory_space<vmem>>) semaphore(%arg10 : memref<!tpu.dma_semaphore, #tpu.memory_space<semaphore_mem>>)
    %dma_start3A_74 = arith.constant 3 : i32
    %dma_start3A_75 = arith.constant 384 : i32
    %dma_start3A_76 = tpu.memref_slice %arg7[%dma_start3A_75] : memref<640xf32, #tpu.memory_space<vmem>> -> memref<128xf32, #tpu.memory_space<vmem>>
    %dma_start3A_77 = arith.constant 0 : i32
    %dma_start3A_78 = tpu.memref_slice %arg8[%dma_start3A_74, %dma_start3A_77] : memref<5x128xi32, #tpu.memory_space<vmem>> -> memref<1x128xi32, #tpu.memory_space<vmem>>
    %dma_start3A_79 = tpu.memref_squeeze %dma_start3A_78 : memref<1x128xi32, #tpu.memory_space<vmem>> -> memref<128xi32, #tpu.memory_space<vmem>>
    %dma_start3A_80 = arith.constant 0 : i32
    %dma_start3A_81 = tpu.memref_slice %arg3[%dma_start3A_80] : memref<2621440xf32, #tpu.memory_space<hbm>> -> memref<2621440xf32, #tpu.memory_space<hbm>>
    tpu.enqueue_indirect_dma source(%dma_start3A_76 : memref<128xf32, #tpu.memory_space<vmem>>) target(%dma_start3A_81 : memref<2621440xf32, #tpu.memory_space<hbm>>) offsets(%dma_start3A_79 : memref<128xi32, #tpu.memory_space<vmem>>) semaphore(%arg10 : memref<!tpu.dma_semaphore, #tpu.memory_space<semaphore_mem>>)
    %dma_start3A_82 = arith.constant 4 : i32
    %dma_start3A_83 = arith.constant 512 : i32
    %dma_start3A_84 = tpu.memref_slice %arg7[%dma_start3A_83] : memref<640xf32, #tpu.memory_space<vmem>> -> memref<128xf32, #tpu.memory_space<vmem>>
    %dma_start3A_85 = arith.constant 0 : i32
    %dma_start3A_86 = tpu.memref_slice %arg8[%dma_start3A_82, %dma_start3A_85] : memref<5x128xi32, #tpu.memory_space<vmem>> -> memref<1x128xi32, #tpu.memory_space<vmem>>
    %dma_start3A_87 = tpu.memref_squeeze %dma_start3A_86 : memref<1x128xi32, #tpu.memory_space<vmem>> -> memref<128xi32, #tpu.memory_space<vmem>>
    %dma_start3A_88 = arith.constant 0 : i32
    %dma_start3A_89 = tpu.memref_slice %arg3[%dma_start3A_88] : memref<2621440xf32, #tpu.memory_space<hbm>> -> memref<2621440xf32, #tpu.memory_space<hbm>>
    tpu.enqueue_indirect_dma source(%dma_start3A_84 : memref<128xf32, #tpu.memory_space<vmem>>) target(%dma_start3A_89 : memref<2621440xf32, #tpu.memory_space<hbm>>) offsets(%dma_start3A_87 : memref<128xi32, #tpu.memory_space<vmem>>) semaphore(%arg10 : memref<!tpu.dma_semaphore, #tpu.memory_space<semaphore_mem>>)
    %dma_wait3A_90 = arith.constant 0 : i32
    %dma_wait3A_91 = arith.constant 0 : i32
    %dma_wait3A_92 = tpu.memref_slice %arg7[%dma_wait3A_91] : memref<640xf32, #tpu.memory_space<vmem>> -> memref<128xf32, #tpu.memory_space<vmem>>
    %dma_wait3A_93 = arith.constant 0 : i32
    %dma_wait3A_94 = tpu.memref_slice %arg8[%dma_wait3A_90, %dma_wait3A_93] : memref<5x128xi32, #tpu.memory_space<vmem>> -> memref<1x128xi32, #tpu.memory_space<vmem>>
    %dma_wait3A_95 = tpu.memref_squeeze %dma_wait3A_94 : memref<1x128xi32, #tpu.memory_space<vmem>> -> memref<128xi32, #tpu.memory_space<vmem>>
    %dma_wait3A_96 = arith.constant 0 : i32
    %dma_wait3A_97 = tpu.memref_slice %arg3[%dma_wait3A_96] : memref<2621440xf32, #tpu.memory_space<hbm>> -> memref<2621440xf32, #tpu.memory_space<hbm>>
    tpu.wait_indirect_dma semaphore(%arg10 : memref<!tpu.dma_semaphore, #tpu.memory_space<semaphore_mem>>) src(%dma_wait3A_92 : memref<128xf32, #tpu.memory_space<vmem>>) dst(%dma_wait3A_97 : memref<2621440xf32, #tpu.memory_space<hbm>>)
    %dma_wait3A_98 = arith.constant 0 : i32
    %dma_wait3A_99 = arith.constant 0 : i32
    %dma_wait3A_100 = tpu.memref_slice %arg7[%dma_wait3A_99] : memref<640xf32, #tpu.memory_space<vmem>> -> memref<128xf32, #tpu.memory_space<vmem>>
    %dma_wait3A_101 = arith.constant 0 : i32
    %dma_wait3A_102 = tpu.memref_slice %arg8[%dma_wait3A_98, %dma_wait3A_101] : memref<5x128xi32, #tpu.memory_space<vmem>> -> memref<1x128xi32, #tpu.memory_space<vmem>>
    %dma_wait3A_103 = tpu.memref_squeeze %dma_wait3A_102 : memref<1x128xi32, #tpu.memory_space<vmem>> -> memref<128xi32, #tpu.memory_space<vmem>>
    %dma_wait3A_104 = arith.constant 0 : i32
    %dma_wait3A_105 = tpu.memref_slice %arg3[%dma_wait3A_104] : memref<2621440xf32, #tpu.memory_space<hbm>> -> memref<2621440xf32, #tpu.memory_space<hbm>>
    tpu.wait_indirect_dma semaphore(%arg10 : memref<!tpu.dma_semaphore, #tpu.memory_space<semaphore_mem>>) src(%dma_wait3A_100 : memref<128xf32, #tpu.memory_space<vmem>>) dst(%dma_wait3A_105 : memref<2621440xf32, #tpu.memory_space<hbm>>)
    %dma_wait3A_106 = arith.constant 0 : i32
    %dma_wait3A_107 = arith.constant 0 : i32
    %dma_wait3A_108 = tpu.memref_slice %arg7[%dma_wait3A_107] : memref<640xf32, #tpu.memory_space<vmem>> -> memref<128xf32, #tpu.memory_space<vmem>>
    %dma_wait3A_109 = arith.constant 0 : i32
    %dma_wait3A_110 = tpu.memref_slice %arg8[%dma_wait3A_106, %dma_wait3A_109] : memref<5x128xi32, #tpu.memory_space<vmem>> -> memref<1x128xi32, #tpu.memory_space<vmem>>
    %dma_wait3A_111 = tpu.memref_squeeze %dma_wait3A_110 : memref<1x128xi32, #tpu.memory_space<vmem>> -> memref<128xi32, #tpu.memory_space<vmem>>
    %dma_wait3A_112 = arith.constant 0 : i32
    %dma_wait3A_113 = tpu.memref_slice %arg3[%dma_wait3A_112] : memref<2621440xf32, #tpu.memory_space<hbm>> -> memref<2621440xf32, #tpu.memory_space<hbm>>
    tpu.wait_indirect_dma semaphore(%arg10 : memref<!tpu.dma_semaphore, #tpu.memory_space<semaphore_mem>>) src(%dma_wait3A_108 : memref<128xf32, #tpu.memory_space<vmem>>) dst(%dma_wait3A_113 : memref<2621440xf32, #tpu.memory_space<hbm>>)
    %dma_wait3A_114 = arith.constant 0 : i32
    %dma_wait3A_115 = arith.constant 0 : i32
    %dma_wait3A_116 = tpu.memref_slice %arg7[%dma_wait3A_115] : memref<640xf32, #tpu.memory_space<vmem>> -> memref<128xf32, #tpu.memory_space<vmem>>
    %dma_wait3A_117 = arith.constant 0 : i32
    %dma_wait3A_118 = tpu.memref_slice %arg8[%dma_wait3A_114, %dma_wait3A_117] : memref<5x128xi32, #tpu.memory_space<vmem>> -> memref<1x128xi32, #tpu.memory_space<vmem>>
    %dma_wait3A_119 = tpu.memref_squeeze %dma_wait3A_118 : memref<1x128xi32, #tpu.memory_space<vmem>> -> memref<128xi32, #tpu.memory_space<vmem>>
    %dma_wait3A_120 = arith.constant 0 : i32
    %dma_wait3A_121 = tpu.memref_slice %arg3[%dma_wait3A_120] : memref<2621440xf32, #tpu.memory_space<hbm>> -> memref<2621440xf32, #tpu.memory_space<hbm>>
    tpu.wait_indirect_dma semaphore(%arg10 : memref<!tpu.dma_semaphore, #tpu.memory_space<semaphore_mem>>) src(%dma_wait3A_116 : memref<128xf32, #tpu.memory_space<vmem>>) dst(%dma_wait3A_121 : memref<2621440xf32, #tpu.memory_space<hbm>>)
    %dma_wait3A_122 = arith.constant 0 : i32
    %dma_wait3A_123 = arith.constant 0 : i32
    %dma_wait3A_124 = tpu.memref_slice %arg7[%dma_wait3A_123] : memref<640xf32, #tpu.memory_space<vmem>> -> memref<128xf32, #tpu.memory_space<vmem>>
    %dma_wait3A_125 = arith.constant 0 : i32
    %dma_wait3A_126 = tpu.memref_slice %arg8[%dma_wait3A_122, %dma_wait3A_125] : memref<5x128xi32, #tpu.memory_space<vmem>> -> memref<1x128xi32, #tpu.memory_space<vmem>>
    %dma_wait3A_127 = tpu.memref_squeeze %dma_wait3A_126 : memref<1x128xi32, #tpu.memory_space<vmem>> -> memref<128xi32, #tpu.memory_space<vmem>>
    %dma_wait3A_128 = arith.constant 0 : i32
    %dma_wait3A_129 = tpu.memref_slice %arg3[%dma_wait3A_128] : memref<2621440xf32, #tpu.memory_space<hbm>> -> memref<2621440xf32, #tpu.memory_space<hbm>>
    tpu.wait_indirect_dma semaphore(%arg10 : memref<!tpu.dma_semaphore, #tpu.memory_space<semaphore_mem>>) src(%dma_wait3A_124 : memref<128xf32, #tpu.memory_space<vmem>>) dst(%dma_wait3A_129 : memref<2621440xf32, #tpu.memory_space<hbm>>)
    return
  }
}

#map = affine_map<(d0, d1) -> (0, 0)>
#map1 = affine_map<(d0, d1) -> (0, 0, 0)>
#map2 = affine_map<(d0, d1) -> (0)>
module attributes {stable_mosaic.version = 14 : i64} {
  func.func @_sc_aggregate(%arg0: i32, %arg1: i32, %arg2: memref<10000x128xf32, #tpu.memory_space<hbm>>, %arg3: memref<32x125x80xi32, #tpu.memory_space<hbm>>, %arg4: memref<320000xi32, #tpu.memory_space<hbm>>, %arg5: memref<20480x128xf32, #tpu.memory_space<hbm>>, %arg6: memref<10000xi32, #tpu.memory_space<vmem>>, %arg7: memref<125x80xi32, #tpu.memory_space<vmem>>, %arg8: memref<80x128xf32, #tpu.memory_space<vmem>>, %arg9: memref<80x128xf32, #tpu.memory_space<vmem>>, %arg10: memref<10240x128xf32, #tpu.memory_space<vmem_shared>>, %arg11: memref<!tpu.dma_semaphore, #tpu.memory_space<semaphore_mem>>, %arg12: memref<!tpu.dma_semaphore, #tpu.memory_space<semaphore_mem>>) attributes {dimension_semantics = [#tpu.dimension_semantics<core_parallel>, #tpu.dimension_semantics<subcore_parallel>], iteration_bounds = array<i64: 2, 16>, scalar_prefetch = 0 : i64, scratch_operands = 7 : i64, tpu.core_type = #tpu.core_type<sc_vector_subcore>, window_params = [{transform_indices = #map}, {transform_indices = #map1}, {transform_indices = #map2}, {transform_indices = #map}]} {
    %mul3A = arith.constant 16 : i32
    %mul3A_0 = arith.muli %arg0, %mul3A : i32
    %add3A = arith.addi %mul3A_0, %arg1 : i32
    %mul3A_1 = arith.constant 10000 : i32
    %mul3A_2 = arith.muli %add3A, %mul3A_1 : i32
    %dma_start3A = tpu.memref_slice %arg4[%mul3A_2] : memref<320000xi32, #tpu.memory_space<hbm>> -> memref<10000xi32, #tpu.memory_space<hbm>>
    %dma_start3A_3 = tpu.memref_slice %arg4[%mul3A_2] : memref<320000xi32, #tpu.memory_space<hbm>> -> memref<10000xi32, #tpu.memory_space<hbm>>
    tpu.enqueue_dma source(%dma_start3A_3 : memref<10000xi32, #tpu.memory_space<hbm>>) target(%arg6 : memref<10000xi32, #tpu.memory_space<vmem>>) target_semaphore(%arg11 : memref<!tpu.dma_semaphore, #tpu.memory_space<semaphore_mem>>)
    %dma_start3A_4 = arith.constant 0 : i32
    %dma_start3A_5 = arith.constant 0 : i32
    %dma_start3A_6 = tpu.memref_slice %arg3[%add3A, %dma_start3A_4, %dma_start3A_5] : memref<32x125x80xi32, #tpu.memory_space<hbm>> -> memref<1x125x80xi32, #tpu.memory_space<hbm>>
    %dma_start3A_7 = tpu.memref_squeeze %dma_start3A_6 : memref<1x125x80xi32, #tpu.memory_space<hbm>> -> memref<125x80xi32, #tpu.memory_space<hbm>>
    %dma_start3A_8 = arith.constant 0 : i32
    %dma_start3A_9 = arith.constant 0 : i32
    %dma_start3A_10 = tpu.memref_slice %arg3[%add3A, %dma_start3A_8, %dma_start3A_9] : memref<32x125x80xi32, #tpu.memory_space<hbm>> -> memref<1x125x80xi32, #tpu.memory_space<hbm>>
    %dma_start3A_11 = tpu.memref_squeeze %dma_start3A_10 : memref<1x125x80xi32, #tpu.memory_space<hbm>> -> memref<125x80xi32, #tpu.memory_space<hbm>>
    tpu.enqueue_dma source(%dma_start3A_11 : memref<125x80xi32, #tpu.memory_space<hbm>>) target(%arg7 : memref<125x80xi32, #tpu.memory_space<vmem>>) target_semaphore(%arg12 : memref<!tpu.dma_semaphore, #tpu.memory_space<semaphore_mem>>)
    %broadcast_in_dim3A = arith.constant 0.000000e+00 : f32
    %broadcast_in_dim3A_12 = vector.broadcast %broadcast_in_dim3A : f32 to vector<16xf32>
    %scan3A = arith.constant 0 : i32
    %scan3A_13 = arith.constant 0 : i32
    %scan3A_14 = arith.constant 80 : i32
    %scan3A_15 = arith.addi %scan3A_13, %scan3A_14 : i32
    %scan3A_16 = arith.constant 1 : i32
    scf.for %scan3A_83 = %scan3A_13 to %scan3A_15 step %scan3A_16  : i32 {
      %swap3A = arith.index_cast %scan3A_83 : i32 to index
      %swap3A_84 = arith.constant 0 : index
      %swap3A_85 = tpu.vector_load %arg8[%swap3A, %swap3A_84] {strides = array<i32>} : memref<80x128xf32, #tpu.memory_space<vmem>>, vector<1x16xf32>,
      %swap3A_86 = vector.shape_cast %swap3A_85 : vector<1x16xf32> to vector<16xf32>
      %swap3A_87 = vector.shape_cast %broadcast_in_dim3A_12 : vector<16xf32> to vector<1x16xf32>
      tpu.vector_store %arg8[%swap3A, %swap3A_84], %swap3A_87 {strides = array<i32>} : memref<80x128xf32, #tpu.memory_space<vmem>>, vector<1x16xf32>,
      %swap3A_88 = arith.index_cast %scan3A_83 : i32 to index
      %swap3A_89 = arith.constant 16 : index
      %swap3A_90 = tpu.vector_load %arg8[%swap3A_88, %swap3A_89] {strides = array<i32>} : memref<80x128xf32, #tpu.memory_space<vmem>>, vector<1x16xf32>,
      %swap3A_91 = vector.shape_cast %swap3A_90 : vector<1x16xf32> to vector<16xf32>
      %swap3A_92 = vector.shape_cast %broadcast_in_dim3A_12 : vector<16xf32> to vector<1x16xf32>
      tpu.vector_store %arg8[%swap3A_88, %swap3A_89], %swap3A_92 {strides = array<i32>} : memref<80x128xf32, #tpu.memory_space<vmem>>, vector<1x16xf32>,
      %swap3A_93 = arith.index_cast %scan3A_83 : i32 to index
      %swap3A_94 = arith.constant 32 : index
      %swap3A_95 = tpu.vector_load %arg8[%swap3A_93, %swap3A_94] {strides = array<i32>} : memref<80x128xf32, #tpu.memory_space<vmem>>, vector<1x16xf32>,
      %swap3A_96 = vector.shape_cast %swap3A_95 : vector<1x16xf32> to vector<16xf32>
      %swap3A_97 = vector.shape_cast %broadcast_in_dim3A_12 : vector<16xf32> to vector<1x16xf32>
      tpu.vector_store %arg8[%swap3A_93, %swap3A_94], %swap3A_97 {strides = array<i32>} : memref<80x128xf32, #tpu.memory_space<vmem>>, vector<1x16xf32>,
      %swap3A_98 = arith.index_cast %scan3A_83 : i32 to index
      %swap3A_99 = arith.constant 48 : index
      %swap3A_100 = tpu.vector_load %arg8[%swap3A_98, %swap3A_99] {strides = array<i32>} : memref<80x128xf32, #tpu.memory_space<vmem>>, vector<1x16xf32>,
      %swap3A_101 = vector.shape_cast %swap3A_100 : vector<1x16xf32> to vector<16xf32>
      %swap3A_102 = vector.shape_cast %broadcast_in_dim3A_12 : vector<16xf32> to vector<1x16xf32>
      tpu.vector_store %arg8[%swap3A_98, %swap3A_99], %swap3A_102 {strides = array<i32>} : memref<80x128xf32, #tpu.memory_space<vmem>>, vector<1x16xf32>,
      %swap3A_103 = arith.index_cast %scan3A_83 : i32 to index
      %swap3A_104 = arith.constant 64 : index
      %swap3A_105 = tpu.vector_load %arg8[%swap3A_103, %swap3A_104] {strides = array<i32>} : memref<80x128xf32, #tpu.memory_space<vmem>>, vector<1x16xf32>,
      %swap3A_106 = vector.shape_cast %swap3A_105 : vector<1x16xf32> to vector<16xf32>
      %swap3A_107 = vector.shape_cast %broadcast_in_dim3A_12 : vector<16xf32> to vector<1x16xf32>
      tpu.vector_store %arg8[%swap3A_103, %swap3A_104], %swap3A_107 {strides = array<i32>} : memref<80x128xf32, #tpu.memory_space<vmem>>, vector<1x16xf32>,
      %swap3A_108 = arith.index_cast %scan3A_83 : i32 to index
      %swap3A_109 = arith.constant 80 : index
      %swap3A_110 = tpu.vector_load %arg8[%swap3A_108, %swap3A_109] {strides = array<i32>} : memref<80x128xf32, #tpu.memory_space<vmem>>, vector<1x16xf32>,
      %swap3A_111 = vector.shape_cast %swap3A_110 : vector<1x16xf32> to vector<16xf32>
      %swap3A_112 = vector.shape_cast %broadcast_in_dim3A_12 : vector<16xf32> to vector<1x16xf32>
      tpu.vector_store %arg8[%swap3A_108, %swap3A_109], %swap3A_112 {strides = array<i32>} : memref<80x128xf32, #tpu.memory_space<vmem>>, vector<1x16xf32>,
      %swap3A_113 = arith.index_cast %scan3A_83 : i32 to index
      %swap3A_114 = arith.constant 96 : index
      %swap3A_115 = tpu.vector_load %arg8[%swap3A_113, %swap3A_114] {strides = array<i32>} : memref<80x128xf32, #tpu.memory_space<vmem>>, vector<1x16xf32>,
      %swap3A_116 = vector.shape_cast %swap3A_115 : vector<1x16xf32> to vector<16xf32>
      %swap3A_117 = vector.shape_cast %broadcast_in_dim3A_12 : vector<16xf32> to vector<1x16xf32>
      tpu.vector_store %arg8[%swap3A_113, %swap3A_114], %swap3A_117 {strides = array<i32>} : memref<80x128xf32, #tpu.memory_space<vmem>>, vector<1x16xf32>,
      %swap3A_118 = arith.index_cast %scan3A_83 : i32 to index
      %swap3A_119 = arith.constant 112 : index
      %swap3A_120 = tpu.vector_load %arg8[%swap3A_118, %swap3A_119] {strides = array<i32>} : memref<80x128xf32, #tpu.memory_space<vmem>>, vector<1x16xf32>,
      %swap3A_121 = vector.shape_cast %swap3A_120 : vector<1x16xf32> to vector<16xf32>
      %swap3A_122 = vector.shape_cast %broadcast_in_dim3A_12 : vector<16xf32> to vector<1x16xf32>
      tpu.vector_store %arg8[%swap3A_118, %swap3A_119], %swap3A_122 {strides = array<i32>} : memref<80x128xf32, #tpu.memory_space<vmem>>, vector<1x16xf32>,
    }
    %scan3A_17 = arith.constant 80 : i32
    %mul3A_18 = arith.constant 640 : i32
    %mul3A_19 = arith.muli %arg1, %mul3A_18 : i32
    %add3A_20 = arith.constant 0 : i32
    %add3A_21 = arith.addi %mul3A_19, %add3A_20 : i32
    "tpu.region"() ({
      %run_scoped3A_83 = tpu.sem_alloc : memref<!tpu.dma_semaphore, #tpu.memory_space<semaphore_mem>>
      %dma_start3A_84 = arith.constant 0 : i32
      %dma_start3A_85 = tpu.memref_slice %arg10[%add3A_21, %dma_start3A_84] : memref<10240x128xf32, #tpu.memory_space<vmem_shared>> -> memref<80x128xf32, #tpu.memory_space<vmem_shared>>
      %dma_start3A_86 = arith.constant 0 : i32
      %dma_start3A_87 = tpu.memref_slice %arg10[%add3A_21, %dma_start3A_86] : memref<10240x128xf32, #tpu.memory_space<vmem_shared>> -> memref<80x128xf32, #tpu.memory_space<vmem_shared>>
      tpu.enqueue_dma source(%arg8 : memref<80x128xf32, #tpu.memory_space<vmem>>) target(%dma_start3A_87 : memref<80x128xf32, #tpu.memory_space<vmem_shared>>) target_semaphore(%run_scoped3A_83 : memref<!tpu.dma_semaphore, #tpu.memory_space<semaphore_mem>>)
      %dma_wait3A_88 = arith.constant 0 : i32
      %dma_wait3A_89 = tpu.memref_slice %arg10[%add3A_21, %dma_wait3A_88] : memref<10240x128xf32, #tpu.memory_space<vmem_shared>> -> memref<80x128xf32, #tpu.memory_space<vmem_shared>>
      %dma_wait3A_90 = arith.constant 0 : i32
      %dma_wait3A_91 = tpu.memref_slice %arg10[%add3A_21, %dma_wait3A_90] : memref<10240x128xf32, #tpu.memory_space<vmem_shared>> -> memref<80x128xf32, #tpu.memory_space<vmem_shared>>
      tpu.wait_dma2 semaphore(%run_scoped3A_83 : memref<!tpu.dma_semaphore, #tpu.memory_space<semaphore_mem>>) src(%arg8 : memref<80x128xf32, #tpu.memory_space<vmem>>) dst(%dma_wait3A_91 : memref<80x128xf32, #tpu.memory_space<vmem_shared>>)
      tpu.yield
    }) : () -> ()
    %mul3A_22 = arith.constant 640 : i32
    %mul3A_23 = arith.muli %arg1, %mul3A_22 : i32
    %add3A_24 = arith.constant 80 : i32
    %add3A_25 = arith.addi %mul3A_23, %add3A_24 : i32
    "tpu.region"() ({
      %run_scoped3A_83 = tpu.sem_alloc : memref<!tpu.dma_semaphore, #tpu.memory_space<semaphore_mem>>
      %dma_start3A_84 = arith.constant 0 : i32
      %dma_start3A_85 = tpu.memref_slice %arg10[%add3A_25, %dma_start3A_84] : memref<10240x128xf32, #tpu.memory_space<vmem_shared>> -> memref<80x128xf32, #tpu.memory_space<vmem_shared>>
      %dma_start3A_86 = arith.constant 0 : i32
      %dma_start3A_87 = tpu.memref_slice %arg10[%add3A_25, %dma_start3A_86] : memref<10240x128xf32, #tpu.memory_space<vmem_shared>> -> memref<80x128xf32, #tpu.memory_space<vmem_shared>>
      tpu.enqueue_dma source(%arg8 : memref<80x128xf32, #tpu.memory_space<vmem>>) target(%dma_start3A_87 : memref<80x128xf32, #tpu.memory_space<vmem_shared>>) target_semaphore(%run_scoped3A_83 : memref<!tpu.dma_semaphore, #tpu.memory_space<semaphore_mem>>)
      %dma_wait3A_88 = arith.constant 0 : i32
      %dma_wait3A_89 = tpu.memref_slice %arg10[%add3A_25, %dma_wait3A_88] : memref<10240x128xf32, #tpu.memory_space<vmem_shared>> -> memref<80x128xf32, #tpu.memory_space<vmem_shared>>
      %dma_wait3A_90 = arith.constant 0 : i32
      %dma_wait3A_91 = tpu.memref_slice %arg10[%add3A_25, %dma_wait3A_90] : memref<10240x128xf32, #tpu.memory_space<vmem_shared>> -> memref<80x128xf32, #tpu.memory_space<vmem_shared>>
      tpu.wait_dma2 semaphore(%run_scoped3A_83 : memref<!tpu.dma_semaphore, #tpu.memory_space<semaphore_mem>>) src(%arg8 : memref<80x128xf32, #tpu.memory_space<vmem>>) dst(%dma_wait3A_91 : memref<80x128xf32, #tpu.memory_space<vmem_shared>>)
      tpu.yield
    }) : () -> ()
    %mul3A_26 = arith.constant 640 : i32
    %mul3A_27 = arith.muli %arg1, %mul3A_26 : i32
    %add3A_28 = arith.constant 160 : i32
    %add3A_29 = arith.addi %mul3A_27, %add3A_28 : i32
    "tpu.region"() ({
      %run_scoped3A_83 = tpu.sem_alloc : memref<!tpu.dma_semaphore, #tpu.memory_space<semaphore_mem>>
      %dma_start3A_84 = arith.constant 0 : i32
      %dma_start3A_85 = tpu.memref_slice %arg10[%add3A_29, %dma_start3A_84] : memref<10240x128xf32, #tpu.memory_space<vmem_shared>> -> memref<80x128xf32, #tpu.memory_space<vmem_shared>>
      %dma_start3A_86 = arith.constant 0 : i32
      %dma_start3A_87 = tpu.memref_slice %arg10[%add3A_29, %dma_start3A_86] : memref<10240x128xf32, #tpu.memory_space<vmem_shared>> -> memref<80x128xf32, #tpu.memory_space<vmem_shared>>
      tpu.enqueue_dma source(%arg8 : memref<80x128xf32, #tpu.memory_space<vmem>>) target(%dma_start3A_87 : memref<80x128xf32, #tpu.memory_space<vmem_shared>>) target_semaphore(%run_scoped3A_83 : memref<!tpu.dma_semaphore, #tpu.memory_space<semaphore_mem>>)
      %dma_wait3A_88 = arith.constant 0 : i32
      %dma_wait3A_89 = tpu.memref_slice %arg10[%add3A_29, %dma_wait3A_88] : memref<10240x128xf32, #tpu.memory_space<vmem_shared>> -> memref<80x128xf32, #tpu.memory_space<vmem_shared>>
      %dma_wait3A_90 = arith.constant 0 : i32
      %dma_wait3A_91 = tpu.memref_slice %arg10[%add3A_29, %dma_wait3A_90] : memref<10240x128xf32, #tpu.memory_space<vmem_shared>> -> memref<80x128xf32, #tpu.memory_space<vmem_shared>>
      tpu.wait_dma2 semaphore(%run_scoped3A_83 : memref<!tpu.dma_semaphore, #tpu.memory_space<semaphore_mem>>) src(%arg8 : memref<80x128xf32, #tpu.memory_space<vmem>>) dst(%dma_wait3A_91 : memref<80x128xf32, #tpu.memory_space<vmem_shared>>)
      tpu.yield
    }) : () -> ()
    %mul3A_30 = arith.constant 640 : i32
    %mul3A_31 = arith.muli %arg1, %mul3A_30 : i32
    %add3A_32 = arith.constant 240 : i32
    %add3A_33 = arith.addi %mul3A_31, %add3A_32 : i32
    "tpu.region"() ({
      %run_scoped3A_83 = tpu.sem_alloc : memref<!tpu.dma_semaphore, #tpu.memory_space<semaphore_mem>>
      %dma_start3A_84 = arith.constant 0 : i32
      %dma_start3A_85 = tpu.memref_slice %arg10[%add3A_33, %dma_start3A_84] : memref<10240x128xf32, #tpu.memory_space<vmem_shared>> -> memref<80x128xf32, #tpu.memory_space<vmem_shared>>
      %dma_start3A_86 = arith.constant 0 : i32
      %dma_start3A_87 = tpu.memref_slice %arg10[%add3A_33, %dma_start3A_86] : memref<10240x128xf32, #tpu.memory_space<vmem_shared>> -> memref<80x128xf32, #tpu.memory_space<vmem_shared>>
      tpu.enqueue_dma source(%arg8 : memref<80x128xf32, #tpu.memory_space<vmem>>) target(%dma_start3A_87 : memref<80x128xf32, #tpu.memory_space<vmem_shared>>) target_semaphore(%run_scoped3A_83 : memref<!tpu.dma_semaphore, #tpu.memory_space<semaphore_mem>>)
      %dma_wait3A_88 = arith.constant 0 : i32
      %dma_wait3A_89 = tpu.memref_slice %arg10[%add3A_33, %dma_wait3A_88] : memref<10240x128xf32, #tpu.memory_space<vmem_shared>> -> memref<80x128xf32, #tpu.memory_space<vmem_shared>>
      %dma_wait3A_90 = arith.constant 0 : i32
      %dma_wait3A_91 = tpu.memref_slice %arg10[%add3A_33, %dma_wait3A_90] : memref<10240x128xf32, #tpu.memory_space<vmem_shared>> -> memref<80x128xf32, #tpu.memory_space<vmem_shared>>
      tpu.wait_dma2 semaphore(%run_scoped3A_83 : memref<!tpu.dma_semaphore, #tpu.memory_space<semaphore_mem>>) src(%arg8 : memref<80x128xf32, #tpu.memory_space<vmem>>) dst(%dma_wait3A_91 : memref<80x128xf32, #tpu.memory_space<vmem_shared>>)
      tpu.yield
    }) : () -> ()
    %mul3A_34 = arith.constant 640 : i32
    %mul3A_35 = arith.muli %arg1, %mul3A_34 : i32
    %add3A_36 = arith.constant 320 : i32
    %add3A_37 = arith.addi %mul3A_35, %add3A_36 : i32
    "tpu.region"() ({
      %run_scoped3A_83 = tpu.sem_alloc : memref<!tpu.dma_semaphore, #tpu.memory_space<semaphore_mem>>
      %dma_start3A_84 = arith.constant 0 : i32
      %dma_start3A_85 = tpu.memref_slice %arg10[%add3A_37, %dma_start3A_84] : memref<10240x128xf32, #tpu.memory_space<vmem_shared>> -> memref<80x128xf32, #tpu.memory_space<vmem_shared>>
      %dma_start3A_86 = arith.constant 0 : i32
      %dma_start3A_87 = tpu.memref_slice %arg10[%add3A_37, %dma_start3A_86] : memref<10240x128xf32, #tpu.memory_space<vmem_shared>> -> memref<80x128xf32, #tpu.memory_space<vmem_shared>>
      tpu.enqueue_dma source(%arg8 : memref<80x128xf32, #tpu.memory_space<vmem>>) target(%dma_start3A_87 : memref<80x128xf32, #tpu.memory_space<vmem_shared>>) target_semaphore(%run_scoped3A_83 : memref<!tpu.dma_semaphore, #tpu.memory_space<semaphore_mem>>)
      %dma_wait3A_88 = arith.constant 0 : i32
      %dma_wait3A_89 = tpu.memref_slice %arg10[%add3A_37, %dma_wait3A_88] : memref<10240x128xf32, #tpu.memory_space<vmem_shared>> -> memref<80x128xf32, #tpu.memory_space<vmem_shared>>
      %dma_wait3A_90 = arith.constant 0 : i32
      %dma_wait3A_91 = tpu.memref_slice %arg10[%add3A_37, %dma_wait3A_90] : memref<10240x128xf32, #tpu.memory_space<vmem_shared>> -> memref<80x128xf32, #tpu.memory_space<vmem_shared>>
      tpu.wait_dma2 semaphore(%run_scoped3A_83 : memref<!tpu.dma_semaphore, #tpu.memory_space<semaphore_mem>>) src(%arg8 : memref<80x128xf32, #tpu.memory_space<vmem>>) dst(%dma_wait3A_91 : memref<80x128xf32, #tpu.memory_space<vmem_shared>>)
      tpu.yield
    }) : () -> ()
    %mul3A_38 = arith.constant 640 : i32
    %mul3A_39 = arith.muli %arg1, %mul3A_38 : i32
    %add3A_40 = arith.constant 400 : i32
    %add3A_41 = arith.addi %mul3A_39, %add3A_40 : i32
    "tpu.region"() ({
      %run_scoped3A_83 = tpu.sem_alloc : memref<!tpu.dma_semaphore, #tpu.memory_space<semaphore_mem>>
      %dma_start3A_84 = arith.constant 0 : i32
      %dma_start3A_85 = tpu.memref_slice %arg10[%add3A_41, %dma_start3A_84] : memref<10240x128xf32, #tpu.memory_space<vmem_shared>> -> memref<80x128xf32, #tpu.memory_space<vmem_shared>>
      %dma_start3A_86 = arith.constant 0 : i32
      %dma_start3A_87 = tpu.memref_slice %arg10[%add3A_41, %dma_start3A_86] : memref<10240x128xf32, #tpu.memory_space<vmem_shared>> -> memref<80x128xf32, #tpu.memory_space<vmem_shared>>
      tpu.enqueue_dma source(%arg8 : memref<80x128xf32, #tpu.memory_space<vmem>>) target(%dma_start3A_87 : memref<80x128xf32, #tpu.memory_space<vmem_shared>>) target_semaphore(%run_scoped3A_83 : memref<!tpu.dma_semaphore, #tpu.memory_space<semaphore_mem>>)
      %dma_wait3A_88 = arith.constant 0 : i32
      %dma_wait3A_89 = tpu.memref_slice %arg10[%add3A_41, %dma_wait3A_88] : memref<10240x128xf32, #tpu.memory_space<vmem_shared>> -> memref<80x128xf32, #tpu.memory_space<vmem_shared>>
      %dma_wait3A_90 = arith.constant 0 : i32
      %dma_wait3A_91 = tpu.memref_slice %arg10[%add3A_41, %dma_wait3A_90] : memref<10240x128xf32, #tpu.memory_space<vmem_shared>> -> memref<80x128xf32, #tpu.memory_space<vmem_shared>>
      tpu.wait_dma2 semaphore(%run_scoped3A_83 : memref<!tpu.dma_semaphore, #tpu.memory_space<semaphore_mem>>) src(%arg8 : memref<80x128xf32, #tpu.memory_space<vmem>>) dst(%dma_wait3A_91 : memref<80x128xf32, #tpu.memory_space<vmem_shared>>)
      tpu.yield
    }) : () -> ()
    %mul3A_42 = arith.constant 640 : i32
    %mul3A_43 = arith.muli %arg1, %mul3A_42 : i32
    %add3A_44 = arith.constant 480 : i32
    %add3A_45 = arith.addi %mul3A_43, %add3A_44 : i32
    "tpu.region"() ({
      %run_scoped3A_83 = tpu.sem_alloc : memref<!tpu.dma_semaphore, #tpu.memory_space<semaphore_mem>>
      %dma_start3A_84 = arith.constant 0 : i32
      %dma_start3A_85 = tpu.memref_slice %arg10[%add3A_45, %dma_start3A_84] : memref<10240x128xf32, #tpu.memory_space<vmem_shared>> -> memref<80x128xf32, #tpu.memory_space<vmem_shared>>
      %dma_start3A_86 = arith.constant 0 : i32
      %dma_start3A_87 = tpu.memref_slice %arg10[%add3A_45, %dma_start3A_86] : memref<10240x128xf32, #tpu.memory_space<vmem_shared>> -> memref<80x128xf32, #tpu.memory_space<vmem_shared>>
      tpu.enqueue_dma source(%arg8 : memref<80x128xf32, #tpu.memory_space<vmem>>) target(%dma_start3A_87 : memref<80x128xf32, #tpu.memory_space<vmem_shared>>) target_semaphore(%run_scoped3A_83 : memref<!tpu.dma_semaphore, #tpu.memory_space<semaphore_mem>>)
      %dma_wait3A_88 = arith.constant 0 : i32
      %dma_wait3A_89 = tpu.memref_slice %arg10[%add3A_45, %dma_wait3A_88] : memref<10240x128xf32, #tpu.memory_space<vmem_shared>> -> memref<80x128xf32, #tpu.memory_space<vmem_shared>>
      %dma_wait3A_90 = arith.constant 0 : i32
      %dma_wait3A_91 = tpu.memref_slice %arg10[%add3A_45, %dma_wait3A_90] : memref<10240x128xf32, #tpu.memory_space<vmem_shared>> -> memref<80x128xf32, #tpu.memory_space<vmem_shared>>
      tpu.wait_dma2 semaphore(%run_scoped3A_83 : memref<!tpu.dma_semaphore, #tpu.memory_space<semaphore_mem>>) src(%arg8 : memref<80x128xf32, #tpu.memory_space<vmem>>) dst(%dma_wait3A_91 : memref<80x128xf32, #tpu.memory_space<vmem_shared>>)
      tpu.yield
    }) : () -> ()
    %mul3A_46 = arith.constant 640 : i32
    %mul3A_47 = arith.muli %arg1, %mul3A_46 : i32
    %add3A_48 = arith.constant 560 : i32
    %add3A_49 = arith.addi %mul3A_47, %add3A_48 : i32
    "tpu.region"() ({
      %run_scoped3A_83 = tpu.sem_alloc : memref<!tpu.dma_semaphore, #tpu.memory_space<semaphore_mem>>
      %dma_start3A_84 = arith.constant 0 : i32
      %dma_start3A_85 = tpu.memref_slice %arg10[%add3A_49, %dma_start3A_84] : memref<10240x128xf32, #tpu.memory_space<vmem_shared>> -> memref<80x128xf32, #tpu.memory_space<vmem_shared>>
      %dma_start3A_86 = arith.constant 0 : i32
      %dma_start3A_87 = tpu.memref_slice %arg10[%add3A_49, %dma_start3A_86] : memref<10240x128xf32, #tpu.memory_space<vmem_shared>> -> memref<80x128xf32, #tpu.memory_space<vmem_shared>>
      tpu.enqueue_dma source(%arg8 : memref<80x128xf32, #tpu.memory_space<vmem>>) target(%dma_start3A_87 : memref<80x128xf32, #tpu.memory_space<vmem_shared>>) target_semaphore(%run_scoped3A_83 : memref<!tpu.dma_semaphore, #tpu.memory_space<semaphore_mem>>)
      %dma_wait3A_88 = arith.constant 0 : i32
      %dma_wait3A_89 = tpu.memref_slice %arg10[%add3A_49, %dma_wait3A_88] : memref<10240x128xf32, #tpu.memory_space<vmem_shared>> -> memref<80x128xf32, #tpu.memory_space<vmem_shared>>
      %dma_wait3A_90 = arith.constant 0 : i32
      %dma_wait3A_91 = tpu.memref_slice %arg10[%add3A_49, %dma_wait3A_90] : memref<10240x128xf32, #tpu.memory_space<vmem_shared>> -> memref<80x128xf32, #tpu.memory_space<vmem_shared>>
      tpu.wait_dma2 semaphore(%run_scoped3A_83 : memref<!tpu.dma_semaphore, #tpu.memory_space<semaphore_mem>>) src(%arg8 : memref<80x128xf32, #tpu.memory_space<vmem>>) dst(%dma_wait3A_91 : memref<80x128xf32, #tpu.memory_space<vmem_shared>>)
      tpu.yield
    }) : () -> ()
    %dma_wait3A = tpu.memref_slice %arg4[%mul3A_2] : memref<320000xi32, #tpu.memory_space<hbm>> -> memref<10000xi32, #tpu.memory_space<hbm>>
    %dma_wait3A_50 = tpu.memref_slice %arg4[%mul3A_2] : memref<320000xi32, #tpu.memory_space<hbm>> -> memref<10000xi32, #tpu.memory_space<hbm>>
    tpu.wait_dma2 semaphore(%arg11 : memref<!tpu.dma_semaphore, #tpu.memory_space<semaphore_mem>>) src(%dma_wait3A_50 : memref<10000xi32, #tpu.memory_space<hbm>>) dst(%arg6 : memref<10000xi32, #tpu.memory_space<vmem>>)
    %dma_wait3A_51 = arith.constant 0 : i32
    %dma_wait3A_52 = arith.constant 0 : i32
    %dma_wait3A_53 = tpu.memref_slice %arg3[%add3A, %dma_wait3A_51, %dma_wait3A_52] : memref<32x125x80xi32, #tpu.memory_space<hbm>> -> memref<1x125x80xi32, #tpu.memory_space<hbm>>
    %dma_wait3A_54 = tpu.memref_squeeze %dma_wait3A_53 : memref<1x125x80xi32, #tpu.memory_space<hbm>> -> memref<125x80xi32, #tpu.memory_space<hbm>>
    %dma_wait3A_55 = arith.constant 0 : i32
    %dma_wait3A_56 = arith.constant 0 : i32
    %dma_wait3A_57 = tpu.memref_slice %arg3[%add3A, %dma_wait3A_55, %dma_wait3A_56] : memref<32x125x80xi32, #tpu.memory_space<hbm>> -> memref<1x125x80xi32, #tpu.memory_space<hbm>>
    %dma_wait3A_58 = tpu.memref_squeeze %dma_wait3A_57 : memref<1x125x80xi32, #tpu.memory_space<hbm>> -> memref<125x80xi32, #tpu.memory_space<hbm>>
    tpu.wait_dma2 semaphore(%arg12 : memref<!tpu.dma_semaphore, #tpu.memory_space<semaphore_mem>>) src(%dma_wait3A_58 : memref<125x80xi32, #tpu.memory_space<hbm>>) dst(%arg7 : memref<125x80xi32, #tpu.memory_space<vmem>>)
    %barrier3A = arith.constant 0 : index
    tpu.barrier barrier_id(%barrier3A)
    %dma_start3A_59 = arith.constant 0 : i32
    %dma_start3A_60 = tpu.memref_slice %arg6[%dma_start3A_59] : memref<10000xi32, #tpu.memory_space<vmem>> -> memref<80xi32, #tpu.memory_space<vmem>>
    %dma_start3A_61 = arith.constant 0 : i32
    %dma_start3A_62 = arith.constant 0 : i32
    %dma_start3A_63 = tpu.memref_slice %arg2[%dma_start3A_61, %dma_start3A_62] : memref<10000x128xf32, #tpu.memory_space<hbm>> -> memref<10000x128xf32, #tpu.memory_space<hbm>>
    tpu.enqueue_indirect_dma source(%dma_start3A_63 : memref<10000x128xf32, #tpu.memory_space<hbm>>) target(%arg8 : memref<80x128xf32, #tpu.memory_space<vmem>>) offsets(%dma_start3A_60 : memref<80xi32, #tpu.memory_space<vmem>>) semaphore(%arg11 : memref<!tpu.dma_semaphore, #tpu.memory_space<semaphore_mem>>)
    %scan3A_64 = arith.constant 0 : i32
    %scan3A_65 = arith.constant 0 : i32
    %scan3A_66 = arith.constant 62 : i32
    %scan3A_67 = arith.addi %scan3A_65, %scan3A_66 : i32
    %scan3A_68 = arith.constant 1 : i32
    scf.for %scan3A_83 = %scan3A_65 to %scan3A_67 step %scan3A_68  : i32 {
      %mul3A_84 = arith.constant 2 : i32
      %mul3A_85 = arith.muli %mul3A_84, %scan3A_83 : i32
      %add3A_86 = arith.constant 1 : i32
      %add3A_87 = arith.addi %mul3A_85, %add3A_86 : i32
      %mul3A_88 = arith.constant 80 : i32
      %mul3A_89 = arith.muli %add3A_87, %mul3A_88 : i32
      %dma_start3A_90 = tpu.memref_slice %arg6[%mul3A_89] : memref<10000xi32, #tpu.memory_space<vmem>> -> memref<80xi32, #tpu.memory_space<vmem>>
      %dma_start3A_91 = arith.constant 0 : i32
      %dma_start3A_92 = arith.constant 0 : i32
      %dma_start3A_93 = tpu.memref_slice %arg2[%dma_start3A_91, %dma_start3A_92] : memref<10000x128xf32, #tpu.memory_space<hbm>> -> memref<10000x128xf32, #tpu.memory_space<hbm>>
      tpu.enqueue_indirect_dma source(%dma_start3A_93 : memref<10000x128xf32, #tpu.memory_space<hbm>>) target(%arg9 : memref<80x128xf32, #tpu.memory_space<vmem>>) offsets(%dma_start3A_90 : memref<80xi32, #tpu.memory_space<vmem>>) semaphore(%arg12 : memref<!tpu.dma_semaphore, #tpu.memory_space<semaphore_mem>>)
      %dma_wait3A_94 = arith.constant 0 : i32
      %dma_wait3A_95 = tpu.memref_slice %arg6[%dma_wait3A_94] : memref<10000xi32, #tpu.memory_space<vmem>> -> memref<80xi32, #tpu.memory_space<vmem>>
      %dma_wait3A_96 = arith.constant 0 : i32
      %dma_wait3A_97 = arith.constant 0 : i32
      %dma_wait3A_98 = tpu.memref_slice %arg2[%dma_wait3A_96, %dma_wait3A_97] : memref<10000x128xf32, #tpu.memory_space<hbm>> -> memref<10000x128xf32, #tpu.memory_space<hbm>>
      tpu.wait_indirect_dma semaphore(%arg11 : memref<!tpu.dma_semaphore, #tpu.memory_space<semaphore_mem>>) src(%dma_wait3A_98 : memref<10000x128xf32, #tpu.memory_space<hbm>>) dst(%arg8 : memref<80x128xf32, #tpu.memory_space<vmem>>)
      "tpu.region"() ({
        %run_scoped3A_114 = tpu.sem_alloc : memref<!tpu.dma_semaphore, #tpu.memory_space<semaphore_mem>>
        %dma_start3A_115 = arith.constant 0 : i32
        %dma_start3A_116 = tpu.memref_slice %arg7[%mul3A_85, %dma_start3A_115] : memref<125x80xi32, #tpu.memory_space<vmem>> -> memref<1x80xi32, #tpu.memory_space<vmem>>
        %dma_start3A_117 = tpu.memref_squeeze %dma_start3A_116 : memref<1x80xi32, #tpu.memory_space<vmem>> -> memref<80xi32, #tpu.memory_space<vmem>>
        %dma_start3A_118 = arith.constant 0 : i32
        %dma_start3A_119 = arith.constant 0 : i32
        %dma_start3A_120 = tpu.memref_slice %arg10[%dma_start3A_118, %dma_start3A_119] : memref<10240x128xf32, #tpu.memory_space<vmem_shared>> -> memref<10240x128xf32, #tpu.memory_space<vmem_shared>>
        tpu.enqueue_indirect_dma source(%arg8 : memref<80x128xf32, #tpu.memory_space<vmem>>) target(%dma_start3A_120 : memref<10240x128xf32, #tpu.memory_space<vmem_shared>>) offsets(%dma_start3A_117 : memref<80xi32, #tpu.memory_space<vmem>>) semaphore(%run_scoped3A_114 : memref<!tpu.dma_semaphore, #tpu.memory_space<semaphore_mem>>) {add = true}
        %dma_wait3A_121 = arith.constant 0 : i32
        %dma_wait3A_122 = tpu.memref_slice %arg7[%mul3A_85, %dma_wait3A_121] : memref<125x80xi32, #tpu.memory_space<vmem>> -> memref<1x80xi32, #tpu.memory_space<vmem>>
        %dma_wait3A_123 = tpu.memref_squeeze %dma_wait3A_122 : memref<1x80xi32, #tpu.memory_space<vmem>> -> memref<80xi32, #tpu.memory_space<vmem>>
        %dma_wait3A_124 = arith.constant 0 : i32
        %dma_wait3A_125 = arith.constant 0 : i32
        %dma_wait3A_126 = tpu.memref_slice %arg10[%dma_wait3A_124, %dma_wait3A_125] : memref<10240x128xf32, #tpu.memory_space<vmem_shared>> -> memref<10240x128xf32, #tpu.memory_space<vmem_shared>>
        tpu.wait_indirect_dma semaphore(%run_scoped3A_114 : memref<!tpu.dma_semaphore, #tpu.memory_space<semaphore_mem>>) src(%arg8 : memref<80x128xf32, #tpu.memory_space<vmem>>) dst(%dma_wait3A_126 : memref<10240x128xf32, #tpu.memory_space<vmem_shared>>)
        tpu.yield
      }) : () -> ()
      %add3A_99 = arith.constant 2 : i32
      %add3A_100 = arith.addi %mul3A_85, %add3A_99 : i32
      %mul3A_101 = arith.constant 80 : i32
      %mul3A_102 = arith.muli %add3A_100, %mul3A_101 : i32
      %dma_start3A_103 = tpu.memref_slice %arg6[%mul3A_102] : memref<10000xi32, #tpu.memory_space<vmem>> -> memref<80xi32, #tpu.memory_space<vmem>>
      %dma_start3A_104 = arith.constant 0 : i32
      %dma_start3A_105 = arith.constant 0 : i32
      %dma_start3A_106 = tpu.memref_slice %arg2[%dma_start3A_104, %dma_start3A_105] : memref<10000x128xf32, #tpu.memory_space<hbm>> -> memref<10000x128xf32, #tpu.memory_space<hbm>>
      tpu.enqueue_indirect_dma source(%dma_start3A_106 : memref<10000x128xf32, #tpu.memory_space<hbm>>) target(%arg8 : memref<80x128xf32, #tpu.memory_space<vmem>>) offsets(%dma_start3A_103 : memref<80xi32, #tpu.memory_space<vmem>>) semaphore(%arg11 : memref<!tpu.dma_semaphore, #tpu.memory_space<semaphore_mem>>)
      %dma_wait3A_107 = arith.constant 0 : i32
      %dma_wait3A_108 = tpu.memref_slice %arg6[%dma_wait3A_107] : memref<10000xi32, #tpu.memory_space<vmem>> -> memref<80xi32, #tpu.memory_space<vmem>>
      %dma_wait3A_109 = arith.constant 0 : i32
      %dma_wait3A_110 = arith.constant 0 : i32
      %dma_wait3A_111 = tpu.memref_slice %arg2[%dma_wait3A_109, %dma_wait3A_110] : memref<10000x128xf32, #tpu.memory_space<hbm>> -> memref<10000x128xf32, #tpu.memory_space<hbm>>
      tpu.wait_indirect_dma semaphore(%arg12 : memref<!tpu.dma_semaphore, #tpu.memory_space<semaphore_mem>>) src(%dma_wait3A_111 : memref<10000x128xf32, #tpu.memory_space<hbm>>) dst(%arg9 : memref<80x128xf32, #tpu.memory_space<vmem>>)
      %add3A_112 = arith.constant 1 : i32
      %add3A_113 = arith.addi %mul3A_85, %add3A_112 : i32
      "tpu.region"() ({
        %run_scoped3A_114 = tpu.sem_alloc : memref<!tpu.dma_semaphore, #tpu.memory_space<semaphore_mem>>
        %dma_start3A_115 = arith.constant 0 : i32
        %dma_start3A_116 = tpu.memref_slice %arg7[%add3A_113, %dma_start3A_115] : memref<125x80xi32, #tpu.memory_space<vmem>> -> memref<1x80xi32, #tpu.memory_space<vmem>>
        %dma_start3A_117 = tpu.memref_squeeze %dma_start3A_116 : memref<1x80xi32, #tpu.memory_space<vmem>> -> memref<80xi32, #tpu.memory_space<vmem>>
        %dma_start3A_118 = arith.constant 0 : i32
        %dma_start3A_119 = arith.constant 0 : i32
        %dma_start3A_120 = tpu.memref_slice %arg10[%dma_start3A_118, %dma_start3A_119] : memref<10240x128xf32, #tpu.memory_space<vmem_shared>> -> memref<10240x128xf32, #tpu.memory_space<vmem_shared>>
        tpu.enqueue_indirect_dma source(%arg9 : memref<80x128xf32, #tpu.memory_space<vmem>>) target(%dma_start3A_120 : memref<10240x128xf32, #tpu.memory_space<vmem_shared>>) offsets(%dma_start3A_117 : memref<80xi32, #tpu.memory_space<vmem>>) semaphore(%run_scoped3A_114 : memref<!tpu.dma_semaphore, #tpu.memory_space<semaphore_mem>>) {add = true}
        %dma_wait3A_121 = arith.constant 0 : i32
        %dma_wait3A_122 = tpu.memref_slice %arg7[%add3A_113, %dma_wait3A_121] : memref<125x80xi32, #tpu.memory_space<vmem>> -> memref<1x80xi32, #tpu.memory_space<vmem>>
        %dma_wait3A_123 = tpu.memref_squeeze %dma_wait3A_122 : memref<1x80xi32, #tpu.memory_space<vmem>> -> memref<80xi32, #tpu.memory_space<vmem>>
        %dma_wait3A_124 = arith.constant 0 : i32
        %dma_wait3A_125 = arith.constant 0 : i32
        %dma_wait3A_126 = tpu.memref_slice %arg10[%dma_wait3A_124, %dma_wait3A_125] : memref<10240x128xf32, #tpu.memory_space<vmem_shared>> -> memref<10240x128xf32, #tpu.memory_space<vmem_shared>>
        tpu.wait_indirect_dma semaphore(%run_scoped3A_114 : memref<!tpu.dma_semaphore, #tpu.memory_space<semaphore_mem>>) src(%arg9 : memref<80x128xf32, #tpu.memory_space<vmem>>) dst(%dma_wait3A_126 : memref<10240x128xf32, #tpu.memory_space<vmem_shared>>)
        tpu.yield
      }) : () -> ()
    }
    %scan3A_69 = arith.constant 62 : i32
    %dma_wait3A_70 = arith.constant 0 : i32
    %dma_wait3A_71 = tpu.memref_slice %arg6[%dma_wait3A_70] : memref<10000xi32, #tpu.memory_space<vmem>> -> memref<80xi32, #tpu.memory_space<vmem>>
    %dma_wait3A_72 = arith.constant 0 : i32
    %dma_wait3A_73 = arith.constant 0 : i32
    %dma_wait3A_74 = tpu.memref_slice %arg2[%dma_wait3A_72, %dma_wait3A_73] : memref<10000x128xf32, #tpu.memory_space<hbm>> -> memref<10000x128xf32, #tpu.memory_space<hbm>>
    tpu.wait_indirect_dma semaphore(%arg11 : memref<!tpu.dma_semaphore, #tpu.memory_space<semaphore_mem>>) src(%dma_wait3A_74 : memref<10000x128xf32, #tpu.memory_space<hbm>>) dst(%arg8 : memref<80x128xf32, #tpu.memory_space<vmem>>)
    %run_scoped3A = arith.constant 124 : i32
    "tpu.region"() ({
      %run_scoped3A_83 = tpu.sem_alloc : memref<!tpu.dma_semaphore, #tpu.memory_space<semaphore_mem>>
      %dma_start3A_84 = arith.constant 0 : i32
      %dma_start3A_85 = tpu.memref_slice %arg7[%run_scoped3A, %dma_start3A_84] : memref<125x80xi32, #tpu.memory_space<vmem>> -> memref<1x80xi32, #tpu.memory_space<vmem>>
      %dma_start3A_86 = tpu.memref_squeeze %dma_start3A_85 : memref<1x80xi32, #tpu.memory_space<vmem>> -> memref<80xi32, #tpu.memory_space<vmem>>
      %dma_start3A_87 = arith.constant 0 : i32
      %dma_start3A_88 = arith.constant 0 : i32
      %dma_start3A_89 = tpu.memref_slice %arg10[%dma_start3A_87, %dma_start3A_88] : memref<10240x128xf32, #tpu.memory_space<vmem_shared>> -> memref<10240x128xf32, #tpu.memory_space<vmem_shared>>
      tpu.enqueue_indirect_dma source(%arg8 : memref<80x128xf32, #tpu.memory_space<vmem>>) target(%dma_start3A_89 : memref<10240x128xf32, #tpu.memory_space<vmem_shared>>) offsets(%dma_start3A_86 : memref<80xi32, #tpu.memory_space<vmem>>) semaphore(%run_scoped3A_83 : memref<!tpu.dma_semaphore, #tpu.memory_space<semaphore_mem>>) {add = true}
      %dma_wait3A_90 = arith.constant 0 : i32
      %dma_wait3A_91 = tpu.memref_slice %arg7[%run_scoped3A, %dma_wait3A_90] : memref<125x80xi32, #tpu.memory_space<vmem>> -> memref<1x80xi32, #tpu.memory_space<vmem>>
      %dma_wait3A_92 = tpu.memref_squeeze %dma_wait3A_91 : memref<1x80xi32, #tpu.memory_space<vmem>> -> memref<80xi32, #tpu.memory_space<vmem>>
      %dma_wait3A_93 = arith.constant 0 : i32
      %dma_wait3A_94 = arith.constant 0 : i32
      %dma_wait3A_95 = tpu.memref_slice %arg10[%dma_wait3A_93, %dma_wait3A_94] : memref<10240x128xf32, #tpu.memory_space<vmem_shared>> -> memref<10240x128xf32, #tpu.memory_space<vmem_shared>>
      tpu.wait_indirect_dma semaphore(%run_scoped3A_83 : memref<!tpu.dma_semaphore, #tpu.memory_space<semaphore_mem>>) src(%arg8 : memref<80x128xf32, #tpu.memory_space<vmem>>) dst(%dma_wait3A_95 : memref<10240x128xf32, #tpu.memory_space<vmem_shared>>)
      tpu.yield
    }) : () -> ()
    %barrier3A_75 = arith.constant 0 : index
    tpu.barrier barrier_id(%barrier3A_75)
    %mul3A_76 = arith.constant 640 : i32
    %mul3A_77 = arith.muli %arg1, %mul3A_76 : i32
    %mul3A_78 = arith.constant 10240 : i32
    %mul3A_79 = arith.muli %arg0, %mul3A_78 : i32
    %mul3A_80 = arith.constant 640 : i32
    %mul3A_81 = arith.muli %arg1, %mul3A_80 : i32
    %add3A_82 = arith.addi %mul3A_79, %mul3A_81 : i32
    "tpu.region"() ({
      %run_scoped3A_83 = tpu.sem_alloc : memref<!tpu.dma_semaphore, #tpu.memory_space<semaphore_mem>>
      %dma_start3A_84 = arith.constant 0 : i32
      %dma_start3A_85 = tpu.memref_slice %arg5[%add3A_82, %dma_start3A_84] : memref<20480x128xf32, #tpu.memory_space<hbm>> -> memref<640x128xf32, #tpu.memory_space<hbm>>
      %dma_start3A_86 = arith.constant 0 : i32
      %dma_start3A_87 = tpu.memref_slice %arg10[%mul3A_77, %dma_start3A_86] : memref<10240x128xf32, #tpu.memory_space<vmem_shared>> -> memref<640x128xf32, #tpu.memory_space<vmem_shared>>
      tpu.enqueue_dma source(%dma_start3A_87 : memref<640x128xf32, #tpu.memory_space<vmem_shared>>) target(%dma_start3A_85 : memref<640x128xf32, #tpu.memory_space<hbm>>) target_semaphore(%run_scoped3A_83 : memref<!tpu.dma_semaphore, #tpu.memory_space<semaphore_mem>>)
      %dma_wait3A_88 = arith.constant 0 : i32
      %dma_wait3A_89 = tpu.memref_slice %arg5[%add3A_82, %dma_wait3A_88] : memref<20480x128xf32, #tpu.memory_space<hbm>> -> memref<640x128xf32, #tpu.memory_space<hbm>>
      %dma_wait3A_90 = arith.constant 0 : i32
      %dma_wait3A_91 = tpu.memref_slice %arg10[%mul3A_77, %dma_wait3A_90] : memref<10240x128xf32, #tpu.memory_space<vmem_shared>> -> memref<640x128xf32, #tpu.memory_space<vmem_shared>>
      tpu.wait_dma2 semaphore(%run_scoped3A_83 : memref<!tpu.dma_semaphore, #tpu.memory_space<semaphore_mem>>) src(%dma_wait3A_91 : memref<640x128xf32, #tpu.memory_space<vmem_shared>>) dst(%dma_wait3A_89 : memref<640x128xf32, #tpu.memory_space<hbm>>)
      tpu.yield
    }) : () -> ()
    return
  }
}

module attributes {stable_mosaic.version = 14 : i64} {
  func.func @_tck_mid(%arg0: memref<2x10240x128xf32, #tpu.memory_space<vmem>>, %arg1: memref<10000x128xf32, #tpu.memory_space<vmem>>, %arg2: memref<2x10240x1xf32, #tpu.memory_space<vmem>>, %arg3: memref<1x128xf32, #tpu.memory_space<vmem>>, %arg4: memref<1x128xf32, #tpu.memory_space<vmem>>, %arg5: memref<1x128xf32, #tpu.memory_space<vmem>>, %arg6: memref<128x128xf32, #tpu.memory_space<vmem>>, %arg7: memref<10000x128xf32, #tpu.memory_space<vmem>>) attributes {dimension_semantics = [], scalar_prefetch = 0 : i64, scratch_operands = 0 : i64, tpu.core_type = #tpu.core_type<tc>} {
    %get3A = arith.constant 0 : index
    %get3A_0 = arith.constant 0 : index
    %get3A_1 = arith.constant 0 : index
    %get3A_2 = vector.load %arg2[%get3A, %get3A_0, %get3A_1] : memref<2x10240x1xf32, #tpu.memory_space<vmem>>, vector<2x10240x1xf32>
    %slice3A = vector.extract_strided_slice %get3A_2 {offsets = [0, 0, 0], sizes = [1, 10000, 1], strides = [1, 1, 1]} : vector<2x10240x1xf32> to vector<1x10000x1xf32>
    %squeeze3A = vector.shape_cast %slice3A : vector<1x10000x1xf32> to vector<10000x1xf32>
    %slice3A_3 = vector.extract_strided_slice %get3A_2 {offsets = [1, 0, 0], sizes = [1, 10000, 1], strides = [1, 1, 1]} : vector<2x10240x1xf32> to vector<1x10000x1xf32>
    %squeeze3A_4 = vector.shape_cast %slice3A_3 : vector<1x10000x1xf32> to vector<10000x1xf32>
    %add3A = arith.addf %squeeze3A, %squeeze3A_4 : vector<10000x1xf32>
    %add3A_5 = arith.constant 1.000000e+00 : f32
    %add3A_6 = vector.broadcast %add3A_5 : f32 to vector<10000x1xf32>
    %add3A_7 = arith.addf %add3A, %add3A_6 : vector<10000x1xf32>
    %rsqrt3A = math.rsqrt %add3A_7 : vector<10000x1xf32>
    %get3A_8 = arith.constant 0 : index
    %get3A_9 = arith.constant 0 : index
    %get3A_10 = arith.constant 0 : index
    %get3A_11 = vector.load %arg0[%get3A_8, %get3A_9, %get3A_10] : memref<2x10240x128xf32, #tpu.memory_space<vmem>>, vector<1x10000x128xf32>
    %get3A_12 = vector.shape_cast %get3A_11 : vector<1x10000x128xf32> to vector<10000x128xf32>
    %get3A_13 = arith.constant 1 : index
    %get3A_14 = arith.constant 0 : index
    %get3A_15 = arith.constant 0 : index
    %get3A_16 = vector.load %arg0[%get3A_13, %get3A_14, %get3A_15] : memref<2x10240x128xf32, #tpu.memory_space<vmem>>, vector<1x10000x128xf32>
    %get3A_17 = vector.shape_cast %get3A_16 : vector<1x10000x128xf32> to vector<10000x128xf32>
    %add3A_18 = arith.addf %get3A_12, %get3A_17 : vector<10000x128xf32>
    %get3A_19 = arith.constant 0 : index
    %get3A_20 = arith.constant 0 : index
    %get3A_21 = vector.load %arg1[%get3A_19, %get3A_20] : memref<10000x128xf32, #tpu.memory_space<vmem>>, vector<10000x128xf32>
    %add3A_22 = arith.addf %add3A_18, %get3A_21 : vector<10000x128xf32>
    %mul3A = vector.broadcast %rsqrt3A : vector<10000x1xf32> to vector<10000x128xf32>
    %mul3A_23 = arith.mulf %mul3A, %add3A_22 : vector<10000x128xf32>
    %get3A_24 = arith.constant 0 : index
    %get3A_25 = arith.constant 0 : index
    %get3A_26 = vector.load %arg3[%get3A_24, %get3A_25] : memref<1x128xf32, #tpu.memory_space<vmem>>, vector<1x128xf32>
    %add3A_27 = vector.broadcast %get3A_26 : vector<1x128xf32> to vector<10000x128xf32>
    %add3A_28 = arith.addf %mul3A_23, %add3A_27 : vector<10000x128xf32>
    %max3A = arith.constant 0.000000e+00 : f32
    %max3A_29 = vector.broadcast %max3A : f32 to vector<10000x128xf32>
    %max3A_30 = arith.maximumf %add3A_28, %max3A_29 : vector<10000x128xf32>
    %get3A_31 = arith.constant 0 : index
    %get3A_32 = arith.constant 0 : index
    %get3A_33 = vector.load %arg4[%get3A_31, %get3A_32] : memref<1x128xf32, #tpu.memory_space<vmem>>, vector<1x128xf32>
    %get3A_34 = arith.constant 0 : index
    %get3A_35 = arith.constant 0 : index
    %get3A_36 = vector.load %arg5[%get3A_34, %get3A_35] : memref<1x128xf32, #tpu.memory_space<vmem>>, vector<1x128xf32>
    %reduce_sum3A = arith.constant dense<0.000000e+00> : vector<128xf32>
    %reduce_sum3A_37 = vector.multi_reduction <add>, %max3A_30, %reduce_sum3A [0] : vector<10000x128xf32> to vector<128xf32>
    %div3A = arith.constant 1.000000e+04 : f32
    %div3A_38 = vector.broadcast %div3A : f32 to vector<128xf32>
    %div3A_39 = arith.divf %reduce_sum3A_37, %div3A_38 : vector<128xf32>
    %jit3A = arith.constant 0 : i32
    %reduce_sum3A_40 = arith.constant dense<0.000000e+00> : vector<128xf32>
    %reduce_sum3A_41 = vector.multi_reduction <add>, %max3A_30, %reduce_sum3A_40 [0] : vector<10000x128xf32> to vector<128xf32>
    %broadcast_in_dim3A = vector.shape_cast %reduce_sum3A_41 : vector<128xf32> to vector<1x128xf32>
    %div3A_42 = arith.constant 1.000000e+04 : f32
    %div3A_43 = vector.broadcast %div3A_42 : f32 to vector<1x128xf32>
    %div3A_44 = arith.divf %broadcast_in_dim3A, %div3A_43 : vector<1x128xf32>
    %sub3A = vector.broadcast %div3A_44 : vector<1x128xf32> to vector<10000x128xf32>
    %sub3A_45 = arith.subf %max3A_30, %sub3A : vector<10000x128xf32>
    %square3A = arith.mulf %sub3A_45, %sub3A_45 : vector<10000x128xf32>
    %convert_element_type3A = arith.sitofp %jit3A : i32 to f32
    %sub3A_46 = arith.constant 1.000000e+04 : f32
    %sub3A_47 = arith.subf %sub3A_46, %convert_element_type3A : f32
    %reduce_sum3A_48 = arith.constant dense<0.000000e+00> : vector<128xf32>
    %reduce_sum3A_49 = vector.multi_reduction <add>, %square3A, %reduce_sum3A_48 [0] : vector<10000x128xf32> to vector<128xf32>
    %div3A_50 = vector.broadcast %sub3A_47 : f32 to vector<128xf32>
    %div3A_51 = arith.divf %reduce_sum3A_49, %div3A_50 : vector<128xf32>
    %gt3A = arith.constant 0.000000e+00 : f32
    %gt3A_52 = arith.cmpf ogt, %sub3A_47, %gt3A : f32
    %jit3A_53 = arith.constant 0x7FC00000 : f32
    %broadcast_in_dim3A_54 = vector.broadcast %jit3A_53 : f32 to vector<128xf32>
    %select_n3A = arith.select %gt3A_52, %div3A_51, %broadcast_in_dim3A_54 : vector<128xf32>
    %broadcast_in_dim3A_55 = vector.shape_cast %div3A_39 : vector<128xf32> to vector<1x128xf32>
    %sub3A_56 = vector.broadcast %broadcast_in_dim3A_55 : vector<1x128xf32> to vector<10000x128xf32>
    %sub3A_57 = arith.subf %max3A_30, %sub3A_56 : vector<10000x128xf32>
    %add3A_58 = arith.constant 9.99999974E-6 : f32
    %add3A_59 = vector.broadcast %add3A_58 : f32 to vector<128xf32>
    %add3A_60 = arith.addf %select_n3A, %add3A_59 : vector<128xf32>
    %sqrt3A = math.sqrt %add3A_60 : vector<128xf32>
    %broadcast_in_dim3A_61 = vector.shape_cast %sqrt3A : vector<128xf32> to vector<1x128xf32>
    %div3A_62 = vector.broadcast %broadcast_in_dim3A_61 : vector<1x128xf32> to vector<10000x128xf32>
    %div3A_63 = arith.divf %sub3A_57, %div3A_62 : vector<10000x128xf32>
    %mul3A_64 = vector.broadcast %get3A_33 : vector<1x128xf32> to vector<10000x128xf32>
    %mul3A_65 = arith.mulf %div3A_63, %mul3A_64 : vector<10000x128xf32>
    %add3A_66 = vector.broadcast %get3A_36 : vector<1x128xf32> to vector<10000x128xf32>
    %add3A_67 = arith.addf %mul3A_65, %add3A_66 : vector<10000x128xf32>
    %get3A_68 = arith.constant 0 : index
    %get3A_69 = arith.constant 0 : index
    %get3A_70 = vector.load %arg6[%get3A_68, %get3A_69] : memref<128x128xf32, #tpu.memory_space<vmem>>, vector<128x128xf32>
    %dot_general3A = arith.constant dense<0.000000e+00> : vector<10000x128xf32>
    %dot_general3A_71 = tpu.matmul %add3A_67, %get3A_70, %dot_general3A {dimension_numbers = #tpu.dot_dimension_numbers<[1], [0], [0], [1], [0, 0, 1, 1], [], []>, transpose_lhs_hint = false} : vector<10000x128xf32>, vector<128x128xf32>, vector<10000x128xf32> -> vector<10000x128xf32>
    %mul3A_72 = vector.broadcast %rsqrt3A : vector<10000x1xf32> to vector<10000x128xf32>
    %mul3A_73 = arith.mulf %mul3A_72, %dot_general3A_71 : vector<10000x128xf32>
    %swap3A = arith.constant 0 : index
    %swap3A_74 = arith.constant 0 : index
    %swap3A_75 = vector.load %arg7[%swap3A, %swap3A_74] : memref<10000x128xf32, #tpu.memory_space<vmem>>, vector<10000x128xf32>
    tpu.vector_store %arg7[%swap3A, %swap3A_74], %mul3A_73 {strides = array<i32>} : memref<10000x128xf32, #tpu.memory_space<vmem>>, vector<10000x128xf32>,
    return
  }
}

module attributes {stable_mosaic.version = 14 : i64} {
  func.func @_tck_front(%arg0: memref<10000x128xf32, #tpu.memory_space<vmem>>, %arg1: memref<2x10240x1xf32, #tpu.memory_space<vmem>>, %arg2: memref<1x128xf32, #tpu.memory_space<vmem>>, %arg3: memref<1x128xf32, #tpu.memory_space<vmem>>, %arg4: memref<128x128xf32, #tpu.memory_space<vmem>>, %arg5: memref<1x128xf32, #tpu.memory_space<vmem>>, %arg6: memref<1x128xf32, #tpu.memory_space<vmem>>, %arg7: memref<1x128xf32, #tpu.memory_space<vmem>>, %arg8: memref<128x128xf32, #tpu.memory_space<vmem>>, %arg9: memref<10000x128xf32, #tpu.memory_space<vmem>>) attributes {dimension_semantics = [], scalar_prefetch = 0 : i64, scratch_operands = 0 : i64, tpu.core_type = #tpu.core_type<tc>} {
    %get3A = arith.constant 0 : index
    %get3A_0 = arith.constant 0 : index
    %get3A_1 = vector.load %arg0[%get3A, %get3A_0] : memref<10000x128xf32, #tpu.memory_space<vmem>>, vector<10000x128xf32>
    %get3A_2 = arith.constant 0 : index
    %get3A_3 = arith.constant 0 : index
    %get3A_4 = vector.load %arg2[%get3A_2, %get3A_3] : memref<1x128xf32, #tpu.memory_space<vmem>>, vector<1x128xf32>
    %get3A_5 = arith.constant 0 : index
    %get3A_6 = arith.constant 0 : index
    %get3A_7 = vector.load %arg3[%get3A_5, %get3A_6] : memref<1x128xf32, #tpu.memory_space<vmem>>, vector<1x128xf32>
    %reduce_sum3A = arith.constant dense<0.000000e+00> : vector<128xf32>
    %reduce_sum3A_8 = vector.multi_reduction <add>, %get3A_1, %reduce_sum3A [0] : vector<10000x128xf32> to vector<128xf32>
    %div3A = arith.constant 1.000000e+04 : f32
    %div3A_9 = vector.broadcast %div3A : f32 to vector<128xf32>
    %div3A_10 = arith.divf %reduce_sum3A_8, %div3A_9 : vector<128xf32>
    %jit3A = arith.constant 0 : i32
    %reduce_sum3A_11 = arith.constant dense<0.000000e+00> : vector<128xf32>
    %reduce_sum3A_12 = vector.multi_reduction <add>, %get3A_1, %reduce_sum3A_11 [0] : vector<10000x128xf32> to vector<128xf32>
    %broadcast_in_dim3A = vector.shape_cast %reduce_sum3A_12 : vector<128xf32> to vector<1x128xf32>
    %div3A_13 = arith.constant 1.000000e+04 : f32
    %div3A_14 = vector.broadcast %div3A_13 : f32 to vector<1x128xf32>
    %div3A_15 = arith.divf %broadcast_in_dim3A, %div3A_14 : vector<1x128xf32>
    %sub3A = vector.broadcast %div3A_15 : vector<1x128xf32> to vector<10000x128xf32>
    %sub3A_16 = arith.subf %get3A_1, %sub3A : vector<10000x128xf32>
    %square3A = arith.mulf %sub3A_16, %sub3A_16 : vector<10000x128xf32>
    %convert_element_type3A = arith.sitofp %jit3A : i32 to f32
    %sub3A_17 = arith.constant 1.000000e+04 : f32
    %sub3A_18 = arith.subf %sub3A_17, %convert_element_type3A : f32
    %reduce_sum3A_19 = arith.constant dense<0.000000e+00> : vector<128xf32>
    %reduce_sum3A_20 = vector.multi_reduction <add>, %square3A, %reduce_sum3A_19 [0] : vector<10000x128xf32> to vector<128xf32>
    %div3A_21 = vector.broadcast %sub3A_18 : f32 to vector<128xf32>
    %div3A_22 = arith.divf %reduce_sum3A_20, %div3A_21 : vector<128xf32>
    %gt3A = arith.constant 0.000000e+00 : f32
    %gt3A_23 = arith.cmpf ogt, %sub3A_18, %gt3A : f32
    %jit3A_24 = arith.constant 0x7FC00000 : f32
    %broadcast_in_dim3A_25 = vector.broadcast %jit3A_24 : f32 to vector<128xf32>
    %select_n3A = arith.select %gt3A_23, %div3A_22, %broadcast_in_dim3A_25 : vector<128xf32>
    %broadcast_in_dim3A_26 = vector.shape_cast %div3A_10 : vector<128xf32> to vector<1x128xf32>
    %sub3A_27 = vector.broadcast %broadcast_in_dim3A_26 : vector<1x128xf32> to vector<10000x128xf32>
    %sub3A_28 = arith.subf %get3A_1, %sub3A_27 : vector<10000x128xf32>
    %add3A = arith.constant 9.99999974E-6 : f32
    %add3A_29 = vector.broadcast %add3A : f32 to vector<128xf32>
    %add3A_30 = arith.addf %select_n3A, %add3A_29 : vector<128xf32>
    %sqrt3A = math.sqrt %add3A_30 : vector<128xf32>
    %broadcast_in_dim3A_31 = vector.shape_cast %sqrt3A : vector<128xf32> to vector<1x128xf32>
    %div3A_32 = vector.broadcast %broadcast_in_dim3A_31 : vector<1x128xf32> to vector<10000x128xf32>
    %div3A_33 = arith.divf %sub3A_28, %div3A_32 : vector<10000x128xf32>
    %mul3A = vector.broadcast %get3A_4 : vector<1x128xf32> to vector<10000x128xf32>
    %mul3A_34 = arith.mulf %div3A_33, %mul3A : vector<10000x128xf32>
    %add3A_35 = vector.broadcast %get3A_7 : vector<1x128xf32> to vector<10000x128xf32>
    %add3A_36 = arith.addf %mul3A_34, %add3A_35 : vector<10000x128xf32>
    %get3A_37 = arith.constant 0 : index
    %get3A_38 = arith.constant 0 : index
    %get3A_39 = vector.load %arg4[%get3A_37, %get3A_38] : memref<128x128xf32, #tpu.memory_space<vmem>>, vector<128x128xf32>
    %dot_general3A = arith.constant dense<0.000000e+00> : vector<10000x128xf32>
    %dot_general3A_40 = tpu.matmul %add3A_36, %get3A_39, %dot_general3A {dimension_numbers = #tpu.dot_dimension_numbers<[1], [0], [0], [1], [0, 0, 1, 1], [], []>, transpose_lhs_hint = false} : vector<10000x128xf32>, vector<128x128xf32>, vector<10000x128xf32> -> vector<10000x128xf32>
    %get3A_41 = arith.constant 0 : index
    %get3A_42 = arith.constant 0 : index
    %get3A_43 = vector.load %arg5[%get3A_41, %get3A_42] : memref<1x128xf32, #tpu.memory_space<vmem>>, vector<1x128xf32>
    %add3A_44 = vector.broadcast %get3A_43 : vector<1x128xf32> to vector<10000x128xf32>
    %add3A_45 = arith.addf %dot_general3A_40, %add3A_44 : vector<10000x128xf32>
    %max3A = arith.constant 0.000000e+00 : f32
    %max3A_46 = vector.broadcast %max3A : f32 to vector<10000x128xf32>
    %max3A_47 = arith.maximumf %add3A_45, %max3A_46 : vector<10000x128xf32>
    %get3A_48 = arith.constant 0 : index
    %get3A_49 = arith.constant 0 : index
    %get3A_50 = arith.constant 0 : index
    %get3A_51 = vector.load %arg1[%get3A_48, %get3A_49, %get3A_50] : memref<2x10240x1xf32, #tpu.memory_space<vmem>>, vector<2x10240x1xf32>
    %slice3A = vector.extract_strided_slice %get3A_51 {offsets = [0, 0, 0], sizes = [1, 10000, 1], strides = [1, 1, 1]} : vector<2x10240x1xf32> to vector<1x10000x1xf32>
    %squeeze3A = vector.shape_cast %slice3A : vector<1x10000x1xf32> to vector<10000x1xf32>
    %slice3A_52 = vector.extract_strided_slice %get3A_51 {offsets = [1, 0, 0], sizes = [1, 10000, 1], strides = [1, 1, 1]} : vector<2x10240x1xf32> to vector<1x10000x1xf32>
    %squeeze3A_53 = vector.shape_cast %slice3A_52 : vector<1x10000x1xf32> to vector<10000x1xf32>
    %add3A_54 = arith.addf %squeeze3A, %squeeze3A_53 : vector<10000x1xf32>
    %add3A_55 = arith.constant 1.000000e+00 : f32
    %add3A_56 = vector.broadcast %add3A_55 : f32 to vector<10000x1xf32>
    %add3A_57 = arith.addf %add3A_54, %add3A_56 : vector<10000x1xf32>
    %rsqrt3A = math.rsqrt %add3A_57 : vector<10000x1xf32>
    %get3A_58 = arith.constant 0 : index
    %get3A_59 = arith.constant 0 : index
    %get3A_60 = vector.load %arg6[%get3A_58, %get3A_59] : memref<1x128xf32, #tpu.memory_space<vmem>>, vector<1x128xf32>
    %get3A_61 = arith.constant 0 : index
    %get3A_62 = arith.constant 0 : index
    %get3A_63 = vector.load %arg7[%get3A_61, %get3A_62] : memref<1x128xf32, #tpu.memory_space<vmem>>, vector<1x128xf32>
    %reduce_sum3A_64 = arith.constant dense<0.000000e+00> : vector<128xf32>
    %reduce_sum3A_65 = vector.multi_reduction <add>, %max3A_47, %reduce_sum3A_64 [0] : vector<10000x128xf32> to vector<128xf32>
    %div3A_66 = arith.constant 1.000000e+04 : f32
    %div3A_67 = vector.broadcast %div3A_66 : f32 to vector<128xf32>
    %div3A_68 = arith.divf %reduce_sum3A_65, %div3A_67 : vector<128xf32>
    %jit3A_69 = arith.constant 0 : i32
    %reduce_sum3A_70 = arith.constant dense<0.000000e+00> : vector<128xf32>
    %reduce_sum3A_71 = vector.multi_reduction <add>, %max3A_47, %reduce_sum3A_70 [0] : vector<10000x128xf32> to vector<128xf32>
    %broadcast_in_dim3A_72 = vector.shape_cast %reduce_sum3A_71 : vector<128xf32> to vector<1x128xf32>
    %div3A_73 = arith.constant 1.000000e+04 : f32
    %div3A_74 = vector.broadcast %div3A_73 : f32 to vector<1x128xf32>
    %div3A_75 = arith.divf %broadcast_in_dim3A_72, %div3A_74 : vector<1x128xf32>
    %sub3A_76 = vector.broadcast %div3A_75 : vector<1x128xf32> to vector<10000x128xf32>
    %sub3A_77 = arith.subf %max3A_47, %sub3A_76 : vector<10000x128xf32>
    %square3A_78 = arith.mulf %sub3A_77, %sub3A_77 : vector<10000x128xf32>
    %convert_element_type3A_79 = arith.sitofp %jit3A_69 : i32 to f32
    %sub3A_80 = arith.constant 1.000000e+04 : f32
    %sub3A_81 = arith.subf %sub3A_80, %convert_element_type3A_79 : f32
    %reduce_sum3A_82 = arith.constant dense<0.000000e+00> : vector<128xf32>
    %reduce_sum3A_83 = vector.multi_reduction <add>, %square3A_78, %reduce_sum3A_82 [0] : vector<10000x128xf32> to vector<128xf32>
    %div3A_84 = vector.broadcast %sub3A_81 : f32 to vector<128xf32>
    %div3A_85 = arith.divf %reduce_sum3A_83, %div3A_84 : vector<128xf32>
    %gt3A_86 = arith.constant 0.000000e+00 : f32
    %gt3A_87 = arith.cmpf ogt, %sub3A_81, %gt3A_86 : f32
    %jit3A_88 = arith.constant 0x7FC00000 : f32
    %broadcast_in_dim3A_89 = vector.broadcast %jit3A_88 : f32 to vector<128xf32>
    %select_n3A_90 = arith.select %gt3A_87, %div3A_85, %broadcast_in_dim3A_89 : vector<128xf32>
    %broadcast_in_dim3A_91 = vector.shape_cast %div3A_68 : vector<128xf32> to vector<1x128xf32>
    %sub3A_92 = vector.broadcast %broadcast_in_dim3A_91 : vector<1x128xf32> to vector<10000x128xf32>
    %sub3A_93 = arith.subf %max3A_47, %sub3A_92 : vector<10000x128xf32>
    %add3A_94 = arith.constant 9.99999974E-6 : f32
    %add3A_95 = vector.broadcast %add3A_94 : f32 to vector<128xf32>
    %add3A_96 = arith.addf %select_n3A_90, %add3A_95 : vector<128xf32>
    %sqrt3A_97 = math.sqrt %add3A_96 : vector<128xf32>
    %broadcast_in_dim3A_98 = vector.shape_cast %sqrt3A_97 : vector<128xf32> to vector<1x128xf32>
    %div3A_99 = vector.broadcast %broadcast_in_dim3A_98 : vector<1x128xf32> to vector<10000x128xf32>
    %div3A_100 = arith.divf %sub3A_93, %div3A_99 : vector<10000x128xf32>
    %mul3A_101 = vector.broadcast %get3A_60 : vector<1x128xf32> to vector<10000x128xf32>
    %mul3A_102 = arith.mulf %div3A_100, %mul3A_101 : vector<10000x128xf32>
    %add3A_103 = vector.broadcast %get3A_63 : vector<1x128xf32> to vector<10000x128xf32>
    %add3A_104 = arith.addf %mul3A_102, %add3A_103 : vector<10000x128xf32>
    %get3A_105 = arith.constant 0 : index
    %get3A_106 = arith.constant 0 : index
    %get3A_107 = vector.load %arg8[%get3A_105, %get3A_106] : memref<128x128xf32, #tpu.memory_space<vmem>>, vector<128x128xf32>
    %dot_general3A_108 = arith.constant dense<0.000000e+00> : vector<10000x128xf32>
    %dot_general3A_109 = tpu.matmul %add3A_104, %get3A_107, %dot_general3A_108 {dimension_numbers = #tpu.dot_dimension_numbers<[1], [0], [0], [1], [0, 0, 1, 1], [], []>, transpose_lhs_hint = false} : vector<10000x128xf32>, vector<128x128xf32>, vector<10000x128xf32> -> vector<10000x128xf32>
    %mul3A_110 = vector.broadcast %rsqrt3A : vector<10000x1xf32> to vector<10000x128xf32>
    %mul3A_111 = arith.mulf %mul3A_110, %dot_general3A_109 : vector<10000x128xf32>
    %swap3A = arith.constant 0 : index
    %swap3A_112 = arith.constant 0 : index
    %swap3A_113 = vector.load %arg9[%swap3A, %swap3A_112] : memref<10000x128xf32, #tpu.memory_space<vmem>>, vector<10000x128xf32>
    tpu.vector_store %arg9[%swap3A, %swap3A_112], %mul3A_111 {strides = array<i32>} : memref<10000x128xf32, #tpu.memory_space<vmem>>, vector<10000x128xf32>,
    return
  }
}

module attributes {stable_mosaic.version = 14 : i64} {
  func.func @_tck_head(%arg0: memref<2x10240x128xf32, #tpu.memory_space<vmem>>, %arg1: memref<10000x128xf32, #tpu.memory_space<vmem>>, %arg2: memref<2x10240x1xf32, #tpu.memory_space<vmem>>, %arg3: memref<1x128xf32, #tpu.memory_space<vmem>>, %arg4: memref<8x10000xi32, #tpu.memory_space<vmem>>, %arg5: memref<1x128xf32, #tpu.memory_space<vmem>>, %arg6: memref<1x128xf32, #tpu.memory_space<vmem>>, %arg7: memref<128x128xf32, #tpu.memory_space<vmem>>, %arg8: memref<1x128xf32, #tpu.memory_space<vmem>>, %arg9: memref<1x128xf32, #tpu.memory_space<vmem>>, %arg10: memref<1x128xf32, #tpu.memory_space<vmem>>, %arg11: memref<128x10xf32, #tpu.memory_space<vmem>>, %arg12: memref<1x10xf32, #tpu.memory_space<vmem>>, %arg13: memref<64x10xf32, #tpu.memory_space<vmem>>) attributes {dimension_semantics = [], scalar_prefetch = 0 : i64, scratch_operands = 0 : i64, tpu.core_type = #tpu.core_type<tc>} {
    %get3A = arith.constant 0 : index
    %get3A_0 = arith.constant 0 : index
    %get3A_1 = arith.constant 0 : index
    %get3A_2 = vector.load %arg2[%get3A, %get3A_0, %get3A_1] : memref<2x10240x1xf32, #tpu.memory_space<vmem>>, vector<2x10240x1xf32>
    %slice3A = vector.extract_strided_slice %get3A_2 {offsets = [0, 0, 0], sizes = [1, 10000, 1], strides = [1, 1, 1]} : vector<2x10240x1xf32> to vector<1x10000x1xf32>
    %squeeze3A = vector.shape_cast %slice3A : vector<1x10000x1xf32> to vector<10000x1xf32>
    %slice3A_3 = vector.extract_strided_slice %get3A_2 {offsets = [1, 0, 0], sizes = [1, 10000, 1], strides = [1, 1, 1]} : vector<2x10240x1xf32> to vector<1x10000x1xf32>
    %squeeze3A_4 = vector.shape_cast %slice3A_3 : vector<1x10000x1xf32> to vector<10000x1xf32>
    %add3A = arith.addf %squeeze3A, %squeeze3A_4 : vector<10000x1xf32>
    %add3A_5 = arith.constant 1.000000e+00 : f32
    %add3A_6 = vector.broadcast %add3A_5 : f32 to vector<10000x1xf32>
    %add3A_7 = arith.addf %add3A, %add3A_6 : vector<10000x1xf32>
    %rsqrt3A = math.rsqrt %add3A_7 : vector<10000x1xf32>
    %get3A_8 = arith.constant 0 : index
    %get3A_9 = arith.constant 0 : index
    %get3A_10 = arith.constant 0 : index
    %get3A_11 = vector.load %arg0[%get3A_8, %get3A_9, %get3A_10] : memref<2x10240x128xf32, #tpu.memory_space<vmem>>, vector<1x10000x128xf32>
    %get3A_12 = vector.shape_cast %get3A_11 : vector<1x10000x128xf32> to vector<10000x128xf32>
    %get3A_13 = arith.constant 1 : index
    %get3A_14 = arith.constant 0 : index
    %get3A_15 = arith.constant 0 : index
    %get3A_16 = vector.load %arg0[%get3A_13, %get3A_14, %get3A_15] : memref<2x10240x128xf32, #tpu.memory_space<vmem>>, vector<1x10000x128xf32>
    %get3A_17 = vector.shape_cast %get3A_16 : vector<1x10000x128xf32> to vector<10000x128xf32>
    %add3A_18 = arith.addf %get3A_12, %get3A_17 : vector<10000x128xf32>
    %get3A_19 = arith.constant 0 : index
    %get3A_20 = arith.constant 0 : index
    %get3A_21 = vector.load %arg1[%get3A_19, %get3A_20] : memref<10000x128xf32, #tpu.memory_space<vmem>>, vector<10000x128xf32>
    %add3A_22 = arith.addf %add3A_18, %get3A_21 : vector<10000x128xf32>
    %mul3A = vector.broadcast %rsqrt3A : vector<10000x1xf32> to vector<10000x128xf32>
    %mul3A_23 = arith.mulf %mul3A, %add3A_22 : vector<10000x128xf32>
    %get3A_24 = arith.constant 0 : index
    %get3A_25 = arith.constant 0 : index
    %get3A_26 = vector.load %arg3[%get3A_24, %get3A_25] : memref<1x128xf32, #tpu.memory_space<vmem>>, vector<1x128xf32>
    %add3A_27 = vector.broadcast %get3A_26 : vector<1x128xf32> to vector<10000x128xf32>
    %add3A_28 = arith.addf %mul3A_23, %add3A_27 : vector<10000x128xf32>
    %max3A = arith.constant 0.000000e+00 : f32
    %max3A_29 = vector.broadcast %max3A : f32 to vector<10000x128xf32>
    %max3A_30 = arith.maximumf %add3A_28, %max3A_29 : vector<10000x128xf32>
    %get3A_31 = arith.constant 0 : index
    %get3A_32 = arith.constant 0 : index
    %get3A_33 = vector.load %arg4[%get3A_31, %get3A_32] : memref<8x10000xi32, #tpu.memory_space<vmem>>, vector<1x10000xi32>
    %iota3A = tpu.iota {dimensions = array<i32: 0>} : vector<64x1xi32>
    %eq3A = vector.broadcast %get3A_33 : vector<1x10000xi32> to vector<64x10000xi32>
    %eq3A_34 = vector.broadcast %iota3A : vector<64x1xi32> to vector<64x10000xi32>
    %eq3A_35 = arith.cmpi eq, %eq3A, %eq3A_34 : vector<64x10000xi32>
    %convert_element_type3A = arith.extui %eq3A_35 : vector<64x10000xi1> to vector<64x10000xi32>
    %convert_element_type3A_36 = arith.sitofp %convert_element_type3A : vector<64x10000xi32> to vector<64x10000xf32>
    %dot_general3A = arith.constant dense<0.000000e+00> : vector<64x128xf32>
    %dot_general3A_37 = tpu.matmul %convert_element_type3A_36, %max3A_30, %dot_general3A {dimension_numbers = #tpu.dot_dimension_numbers<[1], [0], [0], [1], [0, 0, 1, 1], [], []>, transpose_lhs_hint = false} : vector<64x10000xf32>, vector<10000x128xf32>, vector<64x128xf32> -> vector<64x128xf32>
    %get3A_38 = arith.constant 0 : index
    %get3A_39 = arith.constant 0 : index
    %get3A_40 = vector.load %arg5[%get3A_38, %get3A_39] : memref<1x128xf32, #tpu.memory_space<vmem>>, vector<1x128xf32>
    %get3A_41 = arith.constant 0 : index
    %get3A_42 = arith.constant 0 : index
    %get3A_43 = vector.load %arg6[%get3A_41, %get3A_42] : memref<1x128xf32, #tpu.memory_space<vmem>>, vector<1x128xf32>
    %reduce_sum3A = arith.constant dense<0.000000e+00> : vector<128xf32>
    %reduce_sum3A_44 = vector.multi_reduction <add>, %dot_general3A_37, %reduce_sum3A [0] : vector<64x128xf32> to vector<128xf32>
    %div3A = arith.constant 6.400000e+01 : f32
    %div3A_45 = vector.broadcast %div3A : f32 to vector<128xf32>
    %div3A_46 = arith.divf %reduce_sum3A_44, %div3A_45 : vector<128xf32>
    %jit3A = arith.constant 0 : i32
    %reduce_sum3A_47 = arith.constant dense<0.000000e+00> : vector<128xf32>
    %reduce_sum3A_48 = vector.multi_reduction <add>, %dot_general3A_37, %reduce_sum3A_47 [0] : vector<64x128xf32> to vector<128xf32>
    %broadcast_in_dim3A = vector.shape_cast %reduce_sum3A_48 : vector<128xf32> to vector<1x128xf32>
    %div3A_49 = arith.constant 6.400000e+01 : f32
    %div3A_50 = vector.broadcast %div3A_49 : f32 to vector<1x128xf32>
    %div3A_51 = arith.divf %broadcast_in_dim3A, %div3A_50 : vector<1x128xf32>
    %sub3A = vector.broadcast %div3A_51 : vector<1x128xf32> to vector<64x128xf32>
    %sub3A_52 = arith.subf %dot_general3A_37, %sub3A : vector<64x128xf32>
    %square3A = arith.mulf %sub3A_52, %sub3A_52 : vector<64x128xf32>
    %convert_element_type3A_53 = arith.sitofp %jit3A : i32 to f32
    %sub3A_54 = arith.constant 6.400000e+01 : f32
    %sub3A_55 = arith.subf %sub3A_54, %convert_element_type3A_53 : f32
    %reduce_sum3A_56 = arith.constant dense<0.000000e+00> : vector<128xf32>
    %reduce_sum3A_57 = vector.multi_reduction <add>, %square3A, %reduce_sum3A_56 [0] : vector<64x128xf32> to vector<128xf32>
    %div3A_58 = vector.broadcast %sub3A_55 : f32 to vector<128xf32>
    %div3A_59 = arith.divf %reduce_sum3A_57, %div3A_58 : vector<128xf32>
    %gt3A = arith.constant 0.000000e+00 : f32
    %gt3A_60 = arith.cmpf ogt, %sub3A_55, %gt3A : f32
    %jit3A_61 = arith.constant 0x7FC00000 : f32
    %broadcast_in_dim3A_62 = vector.broadcast %jit3A_61 : f32 to vector<128xf32>
    %select_n3A = arith.select %gt3A_60, %div3A_59, %broadcast_in_dim3A_62 : vector<128xf32>
    %broadcast_in_dim3A_63 = vector.shape_cast %div3A_46 : vector<128xf32> to vector<1x128xf32>
    %sub3A_64 = vector.broadcast %broadcast_in_dim3A_63 : vector<1x128xf32> to vector<64x128xf32>
    %sub3A_65 = arith.subf %dot_general3A_37, %sub3A_64 : vector<64x128xf32>
    %add3A_66 = arith.constant 9.99999974E-6 : f32
    %add3A_67 = vector.broadcast %add3A_66 : f32 to vector<128xf32>
    %add3A_68 = arith.addf %select_n3A, %add3A_67 : vector<128xf32>
    %sqrt3A = math.sqrt %add3A_68 : vector<128xf32>
    %broadcast_in_dim3A_69 = vector.shape_cast %sqrt3A : vector<128xf32> to vector<1x128xf32>
    %div3A_70 = vector.broadcast %broadcast_in_dim3A_69 : vector<1x128xf32> to vector<64x128xf32>
    %div3A_71 = arith.divf %sub3A_65, %div3A_70 : vector<64x128xf32>
    %mul3A_72 = vector.broadcast %get3A_40 : vector<1x128xf32> to vector<64x128xf32>
    %mul3A_73 = arith.mulf %div3A_71, %mul3A_72 : vector<64x128xf32>
    %add3A_74 = vector.broadcast %get3A_43 : vector<1x128xf32> to vector<64x128xf32>
    %add3A_75 = arith.addf %mul3A_73, %add3A_74 : vector<64x128xf32>
    %get3A_76 = arith.constant 0 : index
    %get3A_77 = arith.constant 0 : index
    %get3A_78 = vector.load %arg7[%get3A_76, %get3A_77] : memref<128x128xf32, #tpu.memory_space<vmem>>, vector<128x128xf32>
    %dot_general3A_79 = arith.constant dense<0.000000e+00> : vector<64x128xf32>
    %dot_general3A_80 = tpu.matmul %add3A_75, %get3A_78, %dot_general3A_79 {dimension_numbers = #tpu.dot_dimension_numbers<[1], [0], [0], [1], [0, 0, 1, 1], [], []>, transpose_lhs_hint = false} : vector<64x128xf32>, vector<128x128xf32>, vector<64x128xf32> -> vector<64x128xf32>
    %get3A_81 = arith.constant 0 : index
    %get3A_82 = arith.constant 0 : index
    %get3A_83 = vector.load %arg8[%get3A_81, %get3A_82] : memref<1x128xf32, #tpu.memory_space<vmem>>, vector<1x128xf32>
    %add3A_84 = vector.broadcast %get3A_83 : vector<1x128xf32> to vector<64x128xf32>
    %add3A_85 = arith.addf %dot_general3A_80, %add3A_84 : vector<64x128xf32>
    %max3A_86 = arith.constant 0.000000e+00 : f32
    %max3A_87 = vector.broadcast %max3A_86 : f32 to vector<64x128xf32>
    %max3A_88 = arith.maximumf %add3A_85, %max3A_87 : vector<64x128xf32>
    %get3A_89 = arith.constant 0 : index
    %get3A_90 = arith.constant 0 : index
    %get3A_91 = vector.load %arg9[%get3A_89, %get3A_90] : memref<1x128xf32, #tpu.memory_space<vmem>>, vector<1x128xf32>
    %get3A_92 = arith.constant 0 : index
    %get3A_93 = arith.constant 0 : index
    %get3A_94 = vector.load %arg10[%get3A_92, %get3A_93] : memref<1x128xf32, #tpu.memory_space<vmem>>, vector<1x128xf32>
    %reduce_sum3A_95 = arith.constant dense<0.000000e+00> : vector<128xf32>
    %reduce_sum3A_96 = vector.multi_reduction <add>, %max3A_88, %reduce_sum3A_95 [0] : vector<64x128xf32> to vector<128xf32>
    %div3A_97 = arith.constant 6.400000e+01 : f32
    %div3A_98 = vector.broadcast %div3A_97 : f32 to vector<128xf32>
    %div3A_99 = arith.divf %reduce_sum3A_96, %div3A_98 : vector<128xf32>
    %jit3A_100 = arith.constant 0 : i32
    %reduce_sum3A_101 = arith.constant dense<0.000000e+00> : vector<128xf32>
    %reduce_sum3A_102 = vector.multi_reduction <add>, %max3A_88, %reduce_sum3A_101 [0] : vector<64x128xf32> to vector<128xf32>
    %broadcast_in_dim3A_103 = vector.shape_cast %reduce_sum3A_102 : vector<128xf32> to vector<1x128xf32>
    %div3A_104 = arith.constant 6.400000e+01 : f32
    %div3A_105 = vector.broadcast %div3A_104 : f32 to vector<1x128xf32>
    %div3A_106 = arith.divf %broadcast_in_dim3A_103, %div3A_105 : vector<1x128xf32>
    %sub3A_107 = vector.broadcast %div3A_106 : vector<1x128xf32> to vector<64x128xf32>
    %sub3A_108 = arith.subf %max3A_88, %sub3A_107 : vector<64x128xf32>
    %square3A_109 = arith.mulf %sub3A_108, %sub3A_108 : vector<64x128xf32>
    %convert_element_type3A_110 = arith.sitofp %jit3A_100 : i32 to f32
    %sub3A_111 = arith.constant 6.400000e+01 : f32
    %sub3A_112 = arith.subf %sub3A_111, %convert_element_type3A_110 : f32
    %reduce_sum3A_113 = arith.constant dense<0.000000e+00> : vector<128xf32>
    %reduce_sum3A_114 = vector.multi_reduction <add>, %square3A_109, %reduce_sum3A_113 [0] : vector<64x128xf32> to vector<128xf32>
    %div3A_115 = vector.broadcast %sub3A_112 : f32 to vector<128xf32>
    %div3A_116 = arith.divf %reduce_sum3A_114, %div3A_115 : vector<128xf32>
    %gt3A_117 = arith.constant 0.000000e+00 : f32
    %gt3A_118 = arith.cmpf ogt, %sub3A_112, %gt3A_117 : f32
    %jit3A_119 = arith.constant 0x7FC00000 : f32
    %broadcast_in_dim3A_120 = vector.broadcast %jit3A_119 : f32 to vector<128xf32>
    %select_n3A_121 = arith.select %gt3A_118, %div3A_116, %broadcast_in_dim3A_120 : vector<128xf32>
    %broadcast_in_dim3A_122 = vector.shape_cast %div3A_99 : vector<128xf32> to vector<1x128xf32>
    %sub3A_123 = vector.broadcast %broadcast_in_dim3A_122 : vector<1x128xf32> to vector<64x128xf32>
    %sub3A_124 = arith.subf %max3A_88, %sub3A_123 : vector<64x128xf32>
    %add3A_125 = arith.constant 9.99999974E-6 : f32
    %add3A_126 = vector.broadcast %add3A_125 : f32 to vector<128xf32>
    %add3A_127 = arith.addf %select_n3A_121, %add3A_126 : vector<128xf32>
    %sqrt3A_128 = math.sqrt %add3A_127 : vector<128xf32>
    %broadcast_in_dim3A_129 = vector.shape_cast %sqrt3A_128 : vector<128xf32> to vector<1x128xf32>
    %div3A_130 = vector.broadcast %broadcast_in_dim3A_129 : vector<1x128xf32> to vector<64x128xf32>
    %div3A_131 = arith.divf %sub3A_124, %div3A_130 : vector<64x128xf32>
    %mul3A_132 = vector.broadcast %get3A_91 : vector<1x128xf32> to vector<64x128xf32>
    %mul3A_133 = arith.mulf %div3A_131, %mul3A_132 : vector<64x128xf32>
    %add3A_134 = vector.broadcast %get3A_94 : vector<1x128xf32> to vector<64x128xf32>
    %add3A_135 = arith.addf %mul3A_133, %add3A_134 : vector<64x128xf32>
    %get3A_136 = arith.constant 0 : index
    %get3A_137 = arith.constant 0 : index
    %get3A_138 = vector.load %arg11[%get3A_136, %get3A_137] : memref<128x10xf32, #tpu.memory_space<vmem>>, vector<128x10xf32>
    %dot_general3A_139 = arith.constant dense<0.000000e+00> : vector<64x10xf32>
    %dot_general3A_140 = tpu.matmul %add3A_135, %get3A_138, %dot_general3A_139 {dimension_numbers = #tpu.dot_dimension_numbers<[1], [0], [0], [1], [0, 0, 1, 1], [], []>, transpose_lhs_hint = false} : vector<64x128xf32>, vector<128x10xf32>, vector<64x10xf32> -> vector<64x10xf32>
    %get3A_141 = arith.constant 0 : index
    %get3A_142 = arith.constant 0 : index
    %get3A_143 = vector.load %arg12[%get3A_141, %get3A_142] : memref<1x10xf32, #tpu.memory_space<vmem>>, vector<1x10xf32>
    %add3A_144 = vector.broadcast %get3A_143 : vector<1x10xf32> to vector<64x10xf32>
    %add3A_145 = arith.addf %dot_general3A_140, %add3A_144 : vector<64x10xf32>
    %reduce_max3A = arith.constant dense<0xFF800000> : vector<64xf32>
    %reduce_max3A_146 = vector.multi_reduction <maximumf>, %add3A_145, %reduce_max3A [1] : vector<64x10xf32> to vector<64xf32>
    %broadcast_in_dim3A_147 = vector.shape_cast %reduce_max3A_146 : vector<64xf32> to vector<64x1xf32>
    %sub3A_148 = vector.broadcast %broadcast_in_dim3A_147 : vector<64x1xf32> to vector<64x10xf32>
    %sub3A_149 = arith.subf %add3A_145, %sub3A_148 : vector<64x10xf32>
    %exp3A = math.exp %sub3A_149 : vector<64x10xf32>
    %reduce_sum3A_150 = arith.constant dense<0.000000e+00> : vector<64xf32>
    %reduce_sum3A_151 = vector.multi_reduction <add>, %exp3A, %reduce_sum3A_150 [1] : vector<64x10xf32> to vector<64xf32>
    %broadcast_in_dim3A_152 = vector.shape_cast %reduce_sum3A_151 : vector<64xf32> to vector<64x1xf32>
    %log3A = math.log %broadcast_in_dim3A_152 : vector<64x1xf32>
    %sub3A_153 = vector.broadcast %log3A : vector<64x1xf32> to vector<64x10xf32>
    %sub3A_154 = arith.subf %sub3A_149, %sub3A_153 : vector<64x10xf32>
    %swap3A = arith.constant 0 : index
    %swap3A_155 = arith.constant 0 : index
    %swap3A_156 = vector.load %arg13[%swap3A, %swap3A_155] : memref<64x10xf32, #tpu.memory_space<vmem>>, vector<64x10xf32>
    tpu.vector_store %arg13[%swap3A, %swap3A_155], %sub3A_154 {strides = array<i32>} : memref<64x10xf32, #tpu.memory_space<vmem>>, vector<64x10xf32>,
    return
  }
}

</mosaic_0001>

<sc_bundles>
// kernel: kernel.10.cloned.1.call-start
scs
__scs_entry_jumppad:
0x0: {  	(pc) =	sbr.rel $0x88, $3  }
0x1: {  	(tag) =	ssettag $0x0;
	lr =	simm.s32 $0x1  }
0x2: {  	[smem:$0x3F86] =	sst lr;
	_ =	strace $0xD0000000  }
0x3: {  	_ = 	snop  }
0x4: {  	_ = 	snop  }
0x5: {  	_ = 	snop  }
0x6: {  	_ = 	snop  }
0x7: {  	_ = 	snop  }
__scs_overlays_trampoline_lowered:
0x8: {  	[smem:$0x3F95] =	sst s0  }
0x9: {  	[smem:$0x3F96] =	sst s1  }
0xa: {  	[smem:$0x3F97] =	sst s2  }
0xb: {  	[smem:$0x3F98] =	sst s3  }
0xc: {  	[smem:$0x3F99] =	sst s4  }
0xd: {  	[smem:$0x3F9A] =	sst s5  }
0xe: {  	[smem:$0x3F9B] =	sst s6  }
0xf: {  	[smem:$0x3F9C] =	sst s7  }
0x10: {  	[smem:$0x3F9D] =	sst s8  }
0x11: {  	[smem:$0x3F9E] =	sst s9;
	s0 =	simm.s32 @!p0 $0x0  }
0x12: {  	s1 =	sld [smem:$0x3F84];
	s0 =	simm.s32 @p0 $0x1  }
0x13: {  	[smem:$0x3F9F] =	sst s0;
	s0 =	simm.s32 @!p1 $0x0  }
0x14: {  	s2 =	sld [smem:$0x3F83];
	s0 =	simm.s32 @p1 $0x1  }
0x15: {  	[smem:$0x3FA0] =	sst s0;
	s0 =	simm.s32 @!p2 $0x0  }
0x16: {  	s3 =	sld [smem:$0x3FDB];
	s0 =	simm.s32 @p2 $0x1  }
0x17: {  	s4 =	simm.s32 $0x1BF5;
	[smem:$0x3FA2] =	sst s0  }
0x18: {  	s0 =	sld [smem:$0x3F85];
	_ =	swait.ge [sflag:s4], $0x0  }
0x19: {  	s7 =	sld [smem:$0x3F86]  }
0x1a: {  	s8 =	sadd.s32 $0xFFFFE003, lr  }
0x1b: {  	s9 =	sadd.s32 $0xFFFFFEF7, lr;
	s5 =	simm.s32 $0xFFFFFFFF;
	p2 =	slt.u32 s8, $0xFFFFF086  }
0x1c: {  	p1 =	slt.u32 s9, $0xF7A;
	s5 =	simm.s32 @!p2 $0x0  }
0x1d: {  	s5 =	simm.s32 @p1 $0x1;
	p0 =	seq.s32 s7, s2  }
0x1e: {  	s7 =	smul.u32 @!p0 $0xF7A, s2;
	p2 =	seq.s32 @!p0 s5, $0x0  }
0x1f: {  	s9 =	smul.u32 $0xF7A, s1;
	s8 =	simm.s32 @!p0 $0x1BF5;
	p2 =	por !p2, p0  }
0x20: {  	[sflag:s8] =	ssyncset.s32 @!p0 $0xFFFFF086;
	s6 =	sadd.s32 @!p0 s3, s7;
	s7 =	simm.s32 @!p0 $0x108  }
0x21: {  	s3 =	sadd.s32 s3, s9;
	s6 =	sadd.s32 @!p0 $0x88, s6;
	s7 =	simm.s32 @p2 $0x1082  }
0x22: {  	[simem:s7], [sflag:s8] =	dma.local @!p0 [hbm:s6], $0xF7A  }
0x23: {  	s9 =	sor.u32 $0xD0000000, s2;
	s6 =	simm.s32 $0x108;
	_ =	swait.ge @!p0 [sflag:s8], $0x0  }
0x24: {  	s3 =	sadd.s32 $0x88, s3;
	s6 =	simm.s32 @!p1 $0x1082;
	[sflag:s4] =	ssyncset.s32 $0xFFFFF086  }
0x25: {  	[simem:s6], [sflag:s4] =	dma.local [hbm:s3], $0xF7A  }
0x26: {  	[smem:$0x3F86] =	sst s1;
	(tag) =	ssettag s2;
	_ =	strace s9  }
0x27: {  	s1 =	sld [smem:$0x3F96]  }
0x28: {  	s2 =	sld [smem:$0x3F97]  }
0x29: {  	s4 =	sld [smem:$0x3F99]  }
0x2a: {  	p0 =	seq.s32 s5, $0x0;
	s5 =	sld [smem:$0x3F9A]  }
0x2b: {  	s6 =	sld [smem:$0x3F9B]  }
0x2c: {  	s7 =	sld [smem:$0x3F9C]  }
0x2d: {  	s3 =	simm.s32 $0x108;
	s8 =	sld [smem:$0x3F9D]  }
0x2e: {  	s3 =	simm.s32 @!p0 $0x1082;
	s9 =	sld [smem:$0x3F9E]  }
0x2f: {  	lr =	sadd.s32 s0, s3;
	s0 =	sld [smem:$0x3F95]  }
0x30: {  	s3 =	sld [smem:$0x3F98]  }
0x31: {  	[smem:$0x3FA1] =	sst s10  }
0x32: {  	s10 =	sld [smem:$0x3F9F];
	_ =	sdelay $0x3  }
0x33: {  	p0 =	seq.s32 s10, $0x1;
	s10 =	sld [smem:$0x3FA1];
	_ =	sdelay $0x3  }
0x34: {  	[smem:$0x3FA1] =	sst s10  }
0x35: {  	s10 =	sld [smem:$0x3FA0];
	_ =	sdelay $0x3  }
0x36: {  	p1 =	seq.s32 s10, $0x1;
	s10 =	sld [smem:$0x3FA1];
	_ =	sdelay $0x3  }
0x37: {  	[smem:$0x3FA1] =	sst s10  }
0x38: {  	s10 =	sld [smem:$0x3FA2]  }
0x39: {  	_ = 	snop;
	(pc) =	sbr.ind lr, $3  }
0x3a: {  	_ = 	snop  }
0x3b: {  	_ = 	snop  }
0x3c: {  	p2 =	seq.s32 s10, $0x1;
	s10 =	sld [smem:$0x3FA1]  }
0x3d: {  	_ =	shalt  }
0x3e: {  	_ =	shalt  }
0x3f: {  	_ =	shalt  }
0x40: {  	_ =	shalt  }
0x41: {  	_ =	shalt  }
0x42: {  	_ =	shalt  }
0x43: {  	_ =	shalt  }
0x44: {  	_ =	shalt  }
0x45: {  	_ =	shalt  }
0x46: {  	_ =	shalt  }
0x47: {  	_ =	shalt  }
0x48: {  	_ =	shalt  }
0x49: {  	_ =	shalt  }
0x4a: {  	_ =	shalt  }
0x4b: {  	_ =	shalt  }
0x4c: {  	_ =	shalt  }
0x4d: {  	_ =	shalt  }
0x4e: {  	_ =	shalt  }
0x4f: {  	_ =	shalt  }
0x50: {  	_ =	shalt  }
0x51: {  	_ =	shalt  }
0x52: {  	_ =	shalt  }
0x53: {  	_ =	shalt  }
0x54: {  	_ =	shalt  }
0x55: {  	_ =	shalt  }
0x56: {  	_ =	shalt  }
0x57: {  	_ =	shalt  }
0x58: {  	_ =	shalt  }
0x59: {  	_ =	shalt  }
0x5a: {  	_ =	shalt  }
0x5b: {  	_ =	shalt  }
0x5c: {  	_ =	shalt  }
0x5d: {  	_ =	shalt  }
0x5e: {  	_ =	shalt  }
0x5f: {  	_ =	shalt  }
0x60: {  	_ =	shalt  }
0x61: {  	_ =	shalt  }
0x62: {  	_ =	shalt  }
0x63: {  	_ =	shalt  }
0x64: {  	_ =	shalt  }
0x65: {  	_ =	shalt  }
0x66: {  	_ =	shalt  }
0x67: {  	_ =	shalt  }
0x68: {  	_ =	shalt  }
0x69: {  	_ =	shalt  }
0x6a: {  	_ =	shalt  }
0x6b: {  	_ =	shalt  }
0x6c: {  	_ =	shalt  }
0x6d: {  	_ =	shalt  }
0x6e: {  	_ =	shalt  }
0x6f: {  	_ =	shalt  }
0x70: {  	_ =	shalt  }
0x71: {  	_ =	shalt  }
0x72: {  	_ =	shalt  }
0x73: {  	_ =	shalt  }
0x74: {  	_ =	shalt  }
0x75: {  	_ =	shalt  }
0x76: {  	_ =	shalt  }
0x77: {  	_ =	shalt  }
0x78: {  	_ =	shalt  }
0x79: {  	_ =	shalt  }
0x7a: {  	_ =	shalt  }
0x7b: {  	_ =	shalt  }
0x7c: {  	_ =	shalt  }
0x7d: {  	_ =	shalt  }
0x7e: {  	_ =	shalt  }
0x7f: {  	_ =	shalt  }
0x80: {  	_ =	shalt  }
0x81: {  	_ =	shalt  }
0x82: {  	_ =	shalt  }
0x83: {  	_ =	shalt  }
0x84: {  	_ =	shalt  }
0x85: {  	_ =	shalt  }
0x86: {  	_ =	shalt  }
0x87: {  	_ =	shalt  }
.Lfunc_end0:
.L_simem_size_0:
called_computation_lowered:
.L_overlay_start_0:
0x88: {  	s2 =	sld [smem:$0x3FD9]  }
0x89: {  	s3 =	sld [smem:$0x3FFE];
	_ =	sdelay $0x1  }
0x8a: {  	s1 =	srdreg.scid  }
0x8b: {  	s0 =	sand.u32 $0x1, s1  }
0x8c: {  	s16 =	sshll.u32 s0, $0xA;
	s2 =	sadd.s32 s3, s2  }
0x8d: {  	s2 =	sadd.s32 s2, s16  }
0x8e: {  	[smem:$0x3FAD] =	sst s2  }
0x8f: {  	_ = 	snop  }
0x90: {  	(tm) =	ssettm $0x1  }
0x91: {  	s17 =	sld [smem:$0x3FFB];
	_ =	sdelay $0x3  }
0x92: {  	_ =	strace s17  }
0x93: {  	s2 =	sld [smem:$0x3FFC];
	_ =	sdelay $0x3  }
0x94: {  	_ =	strace s2  }
0x95: {  	s2 =	sld [smem:$0x3FFD];
	_ =	sdelay $0x3  }
0x96: {  	_ =	strace s2  }
0x97: {  	_ =	strace $0x8FFFFFFF  }
0x98: {  	s18 =	sld [smem:$0x3FDB];
	_ =	sdelay $0x1  }
0x99: {  	s19 =	simm.s32 $_scs_section_size  }
0x9a: {  	s4 =	simm.s32 $_size__tile_overlayer_lowered;
	s5 =	simm.s32 $_tile_overlayer_lowered  }
0x9b: {  	s22 =	simm.s32 $0x1BFF;
	s21 =	sshll.u32 s5, $0x1;
	s2 =	sadd.s32 s19, s18  }
0x9c: {  	s6 =	simm.s32 $0x0;
	s20 =	sshll.u32 s4, $0x1;
	s4 =	sadd.s32 s21, s2  }
0x9d: {  	[timem:s6], [sflag:s22] =	dma.local [hbm:s4], s20  }
0x9e: {  	_ =	swait.ge [sflag:s22], s20  }
0x9f: {  	s3 =	ssub.s32 $0x0, s20;
	[sflag:s22] =	ssyncset.done $0x0  }
0xa0: {  	[sflag:s22] =	ssyncadd.s32 s3;
	_ =	sdelay $0x1  }
0xa1: {  	s23 =	simm.s32 $0x1B8B  }
0xa2: {  	_ =	swait.ge [sflag:s23], $0x1  }
0xa3: {  	[sflag:s23] =	ssyncset.done $0x0  }
0xa4: {  	s25 =	simm.s32 $0x1B8E;
	s24 =	sld [smem:$0x3FFE];
	[sflag:s23] =	ssyncadd.s32 $0xFFFFFFFF  }
0xa5: {  	s26 =	simm.s32 $execute0_lowered;
	[smem:$0x3FD2] =	sst s25  }
0xa6: {  	s4 =	sshll.u32 s26, $0x1;
	_ =	strace $0x80000046;
	[dreg:$0x1] =	wrdreg $0xFFFFFFFF  }
0xa7: {  	s28 =	simm.s32 $_size_execute0_lowered;
	s2 =	sadd.s32 s2, s4;
	[dreg:$0x0] =	wrdreg $0x0  }
0xa8: {  	s4 =	sshll.u32 s28, $0x1;
	[dreg:$0x2] =	wrdreg s2  }
0xa9: {  	[dreg:$0x3] =	wrdreg s4  }
0xaa: {  	[dreg:$0x4] =	wrdreg $0xC0  }
0xab: {  	_ =	task [dreg:s6], $0x5FFFF  }
0xac: {  	[dreg:$0x1] =	wrdreg $0xFFFFFFFF  }
0xad: {  	[dreg:$0x0] =	wrdreg $0x60  }
0xae: {  	[dreg:$0x2] =	wrdreg s24  }
0xaf: {  	[dreg:$0x3] =	wrdreg $0x96800  }
0xb0: {  	[dreg:$0x4] =	wrdreg $0x9  }
0xb1: {  	_ =	task.clear_ibuf [dreg:s6], $0x5FFFF;
	_ =	strace $0x90000046  }
0xb2: {  	s29 =	simm.s32 $0x9;
	_ =	strace $0x80000048  }
0xb3: {  	_ =	swait.ge [sflag:s29], $0x1  }
0xb4: {  	[sflag:s29] =	ssyncadd.s32 $0xFFFFFFFF  }
0xb5: {  	_ =	strace $0x90000048  }
0xb6: {  	_ =	sfence  }
0xb7: {  	s30 =	sld [smem:$0x0];
	_ =	sdelay $0x2  }
0xb8: {  	s31 =	sshll.u32 s1, $0xD;
	s1 =	sshrl.u32 s1, $0x2  }
0xb9: {  	s3 =	sand.u32 $0x4000, s31;
	s1 =	sadd.s32 s1, s30  }
0xba: {  	s0 =	sor.u32 s3, s0;
	s1 =	sshll.u32 s1, $0x11  }
0xbb: {  	s0 =	sor.u32 s1, s0  }
0xbc: {  	s0 =	sadd.s32 $0x8F2B, s0  }
0xbd: {  	[sflag:s0] =	ssyncadd.remote.s32 $0x1  }
0xbe: {  	_ =	sfence.sel $0xFFFF  }
0xbf: {  	[dreg:$0x0] =	wrdreg $0xFFFFFFFF;
	(pc) =	sbr.abs _section_cstart, $3  }
0xc0: {  	[dreg:$0x1] =	wrdreg $0xFFFFFFFF  }
0xc1: {  	_ =	task.clear_ibuf [dreg:s6], $0x2FFFF;
	_ =	strace $0x9FFFFFFF  }
0xc2: {  	(tm) =	ssettm $0x7FFFFFFF  }
0xc3: {  	_ =	shalt  }
tec
execute0_lowered:
.L_overlay_start_1:
0x0: {  	(tag) =	ssettag $0x1  }
0x1: {  	s0 =	rddreg [dreg:$0x0]  }
0x2: {  	s1 =	rddreg [dreg:$0x1];
	s3 =	simm.s32 $0x0  }
0x3: {  	s2 =	stileid.u32;
	s5 =	srdreg.scid;
	s10 =	simm.s32 $0x80  }
0x4: {  	s11 =	simm.s32 $0x400;
	s12 =	simm.s32 $0x2;
	s13 =	simm.s32 $0x1400  }
0x5: {  	s14 =	simm.s32 $0x14000;
	s15 =	simm.s32 $0x6800;
	s16 =	simm.s32 $0x9280  }
0x6: {  	s17 =	simm.s32 $0x9000;
	s18 =	simm.s32 $0x9300;
	s19 =	simm.s32 $0x9080  }
0x7: {  	s20 =	simm.s32 $0x9380;
	s21 =	simm.s32 $0x9100;
	s22 =	simm.s32 $0x9400  }
0x8: {  	s23 =	simm.s32 $0x9180;
	s24 =	simm.s32 $0x9480;
	s25 =	simm.s32 $0x9200  }
0x9: {  	[smem:$0x7FF] =	sst s3;
	s26 =	sshll.u32 s2, $0xB;
	s3 =	sadd.s32 $0x1FA00, s0  }
0xa: {  	s28 =	sand.u32 $0x1, s5;
	s29 =	sshrl.u32 s2, $0x3;
	s30 =	smul.u32 $0x280, s2  }
0xb: {  	s31 =	smul.u32 $0x5000, s2;
	s9 =	sshll.u32 s2, $0x7;
	_ =	strace $0x80000047  }
0xc: {  	s4 =	sadd.s32 s26, s0;
	s6 =	ssub.s32 $0x2, s28;
	s5 =	smul.u32 $0x50000, s29  }
0xd: {  	s7 =	sshll.u32 s28, $0xF;
	s0 =	smul.u32 $0x2800, s28;
	s9 =	sand.u32 $0x380, s9  }
0xe: {  	s26 =	simm.s32 $0x0;
	s8 =	sshrl.u32 s6, $0x1;
	s4 =	sadd.s32 s7, s4  }
0xf: {  	s8 =	ssub.s32 s6, s8;
	s4 =	sadd.s32 $0xFA00, s4;
	s5 =	sshrl.u32 s5, $0x2  }
0x10: {  	s6 =	sshrl.u32 s31, $0x2;
	s0 =	sadd.s32 s30, s0;
	s5 =	sadd.s32 s5, s1  }
0x11: {  	v3 =	vlaneseq.u32;
	v1 =	vimm.f32 $0.0e+00;
	s6 =	sadd.s32 s6, s1;
	s0 =	sshll.u32 s0, $0x7;
	s7 =	smax.u32 s8, $0x1  }
0x12: {  	v2 =	vimm.f32 $1.000000000e+00;
	v3 =	vmul.u32 $0x80, v3;
	s8 =	simm.s32 $0x1;
	s5 =	sadd.s32 s9, s5;
	s9 =	simm.s32 $0x4000;
	v0 =	vmov s0  }
.LBB2_1:
0x13: {  	s0 =	simm.s32 $0x0  }
0x14: {  	[tilespmem:s0], [sflag:$0x1] =	stream.linear.gather [hbm4b:s4+s0], $0x3E80, $0x38;
	[tilespmem:$0xBE80] =	vst v63  }
0x15: {  	s1 =	simm.s32 $0x0;
	s0 =	simm.s32 $0x40  }
.LBB2_2:
0x16: {  	p0 =	sne.s32 s0, $0x9FC0;
	[tilespmem:s1+$0x4000] =	vst v1;
	s1 =	smov.u32 s0;
	s0 =	sadd.s32 $0x40, s0  }
.Ltmp0:
0x17: {  	(pc) =	sbr.rel @p0 .LBB2_2-.Ltmp0, $2  }
0x18: {  	_ =	sdelay $0x2  }
0x19: {  	s1 =	sshra.s32 s1, $0x2  }
0x1a: {  	[tilespmem:s1+$0x4000] =	vst v1  }
0x1b: {  	_ =	swait.ge [sflag:s8], $0x3E80  }
0x1c: {  	[sflag:s8] =	ssyncset.done $0x0  }
0x1d: {  	s0 =	simm.s32 $0x0;
	[sflag:s8] =	ssyncadd.s32 $0xFFFFC180  }
.LBB2_4:
0x1e: {  	s1 =	sshra.s32 s0, $0x2  }
0x1f: {  	v4 =	vld [tilespmem:s1+$0x0];
	_ =	sdelay $0x7  }
0x20: {  	[tilespmem:v4+s9+$0x0] =	vst.idx.add.f32.msk $0xffff, v2  }
0x21: {  	v4 =	vld [tilespmem:s1+$0x10];
	_ =	sdelay $0x7  }
0x22: {  	[tilespmem:v4+s9+$0x0] =	vst.idx.add.f32.msk $0xffff, v2  }
0x23: {  	v4 =	vld [tilespmem:s1+$0x20];
	_ =	sdelay $0x7  }
0x24: {  	[tilespmem:v4+s9+$0x0] =	vst.idx.add.f32.msk $0xffff, v2  }
0x25: {  	v4 =	vld [tilespmem:s1+$0x30];
	_ =	sdelay $0x7  }
0x26: {  	[tilespmem:v4+s9+$0x0] =	vst.idx.add.f32.msk $0xffff, v2  }
0x27: {  	v4 =	vld [tilespmem:s1+$0x40];
	_ =	sdelay $0x2  }
0x28: {  	p0 =	sne.s32 s0, $0xF800  }
.Ltmp1:
0x29: {  	_ = 	snop;
	(pc) =	sbr.rel @p0 .LBB2_4-.Ltmp1, $2  }
0x2a: {  	_ =	sdelay $0x2  }
0x2b: {  	s0 =	sadd.s32 $0x200, s0;
	[tilespmem:v4+s9+$0x0] =	vst.idx.add.f32.msk $0xffff, v2  }
0x2c: {  	[spmem:s5] =	stream.strided.scatter [tilespmem:s9], [sflag:$0x2], $0x2800, s11, s10, $0x38;
	[tilespmem:$0xBE80] =	vst v63  }
0x2d: {  	_ =	swait.ge [sflag:s12], $0x2800  }
0x2e: {  	[sflag:s12] =	ssyncset.done $0x0  }
0x2f: {  	[sflag:s12] =	ssyncadd.s32 $0xFFFFD800  }
0x30: {  	[bflag:$0x0] =	sbarrier.arrive $0xFFFF  }
0x31: {  	[tilespmem:s15], [sflag:$0x2] =	stream.strided.gather [spmem:s6], $0x2800, s14, s13, $0x38;
	[tilespmem:$0xBE80] =	vst v63  }
0x32: {  	s28 =	simm.s32 $0x0;
	_ =	swait.ge [sflag:s12], $0x2800  }
0x33: {  	s29 =	sand.u32 $0x70, s28;
	s0 =	sand.u32 $0x1C00, s28;
	[sflag:s12] =	ssyncset.done $0x0  }
0x34: {  	s0 =	sor.u32 s29, s0;
	[sflag:s12] =	ssyncadd.s32 $0xFFFFD800  }
0x35: {  	v4 =	vld [tilespmem:s0+$0x6880]  }
0x36: {  	v5 =	vld [tilespmem:s0+$0x6800];
	_ =	sdelay $0x1  }
0x37: {  	v6 =	vld [tilespmem:s0+$0x6900];
	_ =	sdelay $0x1  }
0x38: {  	v7 =	vld [tilespmem:s0+$0x6980]  }
0x39: {  	v4 =	vadd.f32 v4, v5  }
0x3a: {  	v5 =	vld [tilespmem:s0+$0x6A00]  }
0x3b: {  	v4 =	vadd.f32 v6, v4  }
0x3c: {  	v56 =	vld [tilespmem:s0+$0x6A80]  }
0x3d: {  	v4 =	vadd.f32 v7, v4  }
0x3e: {  	v57 =	vld [tilespmem:s0+$0x6B00]  }
0x3f: {  	v4 =	vadd.f32 v5, v4  }
0x40: {  	v5 =	vld [tilespmem:s0+$0x6B80]  }
0x41: {  	v4 =	vadd.f32 v56, v4  }
0x42: {  	v58 =	vld [tilespmem:s0+$0x7C00]  }
0x43: {  	v4 =	vadd.f32 v57, v4  }
0x44: {  	v59 =	vld [tilespmem:s0+$0x7C80]  }
0x45: {  	v4 =	vadd.f32 v5, v4  }
0x46: {  	v5 =	vld [tilespmem:s0+$0x7D00]  }
0x47: {  	v4 =	vadd.f32 v58, v4  }
0x48: {  	v60 =	vld [tilespmem:s0+$0x7D80]  }
0x49: {  	v4 =	vadd.f32 v59, v4  }
0x4a: {  	v61 =	vld [tilespmem:s0+$0x7E00]  }
0x4b: {  	v4 =	vadd.f32 v5, v4  }
0x4c: {  	v5 =	vld [tilespmem:s0+$0x7E80]  }
0x4d: {  	v4 =	vadd.f32 v60, v4  }
0x4e: {  	v62 =	vld [tilespmem:s0+$0x7F00]  }
0x4f: {  	v4 =	vadd.f32 v61, v4  }
0x50: {  	v63 =	vld [tilespmem:s0+$0x7F80]  }
0x51: {  	v4 =	vadd.f32 v5, v4;
	_ =	sdelay $0x1  }
0x52: {  	v4 =	vadd.f32 v62, v4;
	_ =	sdelay $0x1  }
0x53: {  	s1 =	simm.s32 $0x10;
	s0 =	simm.s32 $0x80;
	v4 =	vadd.f32 v63, v4  }
0x54: {  	s30 =	simm.s32 $0x9000;
	s1 =	sand.u32 $0x70, s1;
	s31 =	sand.u32 $0x1C00, s0  }
0x55: {  	s31 =	sor.u32 s1, s31;
	s1 =	simm.s32 $0x20;
	[tilespmem:s30+$0x0] =	vst v4  }
.LBB2_6:
0x56: {  	p0 =	sne.s32 s1, $0x270;
	v4 =	vld [tilespmem:s31+$0x6880]  }
0x57: {  	v5 =	vld [tilespmem:s31+$0x6800];
	_ =	sdelay $0x1  }
0x58: {  	v6 =	vld [tilespmem:s31+$0x6900];
	_ =	sdelay $0x1  }
0x59: {  	v7 =	vld [tilespmem:s31+$0x6980]  }
0x5a: {  	v4 =	vadd.f32 v4, v5  }
0x5b: {  	v5 =	vld [tilespmem:s31+$0x6A00]  }
0x5c: {  	v4 =	vadd.f32 v6, v4  }
0x5d: {  	v6 =	vld [tilespmem:s31+$0x6A80]  }
0x5e: {  	v4 =	vadd.f32 v7, v4  }
0x5f: {  	v7 =	vld [tilespmem:s31+$0x6B00]  }
0x60: {  	v4 =	vadd.f32 v5, v4  }
0x61: {  	v5 =	vld [tilespmem:s31+$0x6B80]  }
0x62: {  	v4 =	vadd.f32 v6, v4  }
0x63: {  	v6 =	vld [tilespmem:s31+$0x7C00]  }
0x64: {  	v4 =	vadd.f32 v7, v4  }
0x65: {  	v7 =	vld [tilespmem:s31+$0x7C80]  }
0x66: {  	v4 =	vadd.f32 v5, v4  }
0x67: {  	v5 =	vld [tilespmem:s31+$0x7D00]  }
0x68: {  	v4 =	vadd.f32 v6, v4  }
0x69: {  	v6 =	vld [tilespmem:s31+$0x7D80]  }
0x6a: {  	v4 =	vadd.f32 v7, v4  }
0x6b: {  	v7 =	vld [tilespmem:s31+$0x7E00]  }
0x6c: {  	v4 =	vadd.f32 v5, v4  }
0x6d: {  	v5 =	vld [tilespmem:s31+$0x7E80]  }
0x6e: {  	v4 =	vadd.f32 v6, v4  }
0x6f: {  	v6 =	vld [tilespmem:s31+$0x7F00]  }
0x70: {  	v4 =	vadd.f32 v7, v4  }
0x71: {  	v7 =	vld [tilespmem:s31+$0x7F80]  }
0x72: {  	v4 =	vadd.f32 v5, v4;
	_ =	sdelay $0x1  }
.Ltmp2:
0x73: {  	v4 =	vadd.f32 v6, v4;
	(pc) =	sbr.rel @p0 .LBB2_6-.Ltmp2, $4  }
0x74: {  	_ = 	snop  }
0x75: {  	s0 =	sadd.s32 $0x80, s0;
	v4 =	vadd.f32 v7, v4  }
0x76: {  	s30 =	sadd.s32 $0x10, s30;
	s2 =	sand.u32 $0x1C00, s0;
	s31 =	sand.u32 $0x70, s1  }
0x77: {  	s1 =	sadd.s32 $0x10, s1;
	s31 =	sor.u32 s31, s2;
	[tilespmem:s30+$0x0] =	vst v4  }
0x78: {  	v4 =	vld [tilespmem:s31+$0x6880]  }
0x79: {  	v5 =	vld [tilespmem:s31+$0x6800];
	_ =	sdelay $0x1  }
0x7a: {  	v6 =	vld [tilespmem:s31+$0x6900];
	_ =	sdelay $0x1  }
0x7b: {  	v7 =	vld [tilespmem:s31+$0x6980]  }
0x7c: {  	v4 =	vadd.f32 v4, v5  }
0x7d: {  	v5 =	vld [tilespmem:s31+$0x6A00]  }
0x7e: {  	v4 =	vadd.f32 v6, v4  }
0x7f: {  	v6 =	vld [tilespmem:s31+$0x6A80]  }
0x80: {  	v4 =	vadd.f32 v7, v4  }
0x81: {  	v7 =	vld [tilespmem:s31+$0x6B00]  }
0x82: {  	v4 =	vadd.f32 v5, v4  }
0x83: {  	v5 =	vld [tilespmem:s31+$0x6B80]  }
0x84: {  	v4 =	vadd.f32 v6, v4  }
0x85: {  	v6 =	vld [tilespmem:s31+$0x7C00]  }
0x86: {  	v4 =	vadd.f32 v7, v4  }
0x87: {  	v7 =	vld [tilespmem:s31+$0x7C80]  }
0x88: {  	v4 =	vadd.f32 v5, v4  }
0x89: {  	v5 =	vld [tilespmem:s31+$0x7D00]  }
0x8a: {  	v4 =	vadd.f32 v6, v4  }
0x8b: {  	v6 =	vld [tilespmem:s31+$0x7D80]  }
0x8c: {  	v4 =	vadd.f32 v7, v4  }
0x8d: {  	v7 =	vld [tilespmem:s31+$0x7E00]  }
0x8e: {  	v4 =	vadd.f32 v5, v4  }
0x8f: {  	v5 =	vld [tilespmem:s31+$0x7E80]  }
0x90: {  	v4 =	vadd.f32 v6, v4  }
0x91: {  	v6 =	vld [tilespmem:s31+$0x7F00]  }
0x92: {  	v4 =	vadd.f32 v7, v4  }
0x93: {  	v7 =	vld [tilespmem:s31+$0x7F80]  }
0x94: {  	v4 =	vadd.f32 v5, v4;
	_ =	sdelay $0x1  }
0x95: {  	v4 =	vadd.f32 v6, v4  }
0x96: {  	v5 =	vmov s28  }
0x97: {  	s0 =	sand.u32 $0xE00, s28;
	v5 =	vshll.u32 v5, $0x7;
	v4 =	vadd.f32 v7, v4  }
0x98: {  	s1 =	sadd.s32 $0x10, s30;
	s2 =	sshrl.u32 s0, $0x2;
	v5 =	vor.u32 v3, v5  }
0x99: {  	s0 =	simm.s32 $0x40;
	[tilespmem:s1+$0x0] =	vst v4;
	v4 =	vadd.s32 v0, v5;
	s1 =	sor.u32 s29, s2  }
.LBB2_8:
0x9a: {  	p0 =	sne.s32 s0, $0x9C0  }
0x9b: {  	[tilespmem:s1+$0x9280] =	vst v4;
	s28 =	sadd.s32 $0x10, s28;
	s1 =	smov.u32 s0;
	s0 =	sadd.s32 $0x40, s0  }
.Ltmp3:
0x9c: {  	(pc) =	sbr.rel @p0 .LBB2_8-.Ltmp3, $4  }
0x9d: {  	v4 =	vmov s28  }
0x9e: {  	s1 =	sand.u32 $0xE00, s1;
	v4 =	vshll.u32 v4, $0x7  }
0x9f: {  	s2 =	sand.u32 $0x70, s28;
	s1 =	sshrl.u32 s1, $0x2;
	v4 =	vor.u32 v3, v4  }
0xa0: {  	s1 =	sor.u32 s2, s1;
	v4 =	vadd.s32 v0, v4  }
0xa1: {  	[tilespmem:s1+$0x9280] =	vst v4  }
0xa2: {  	[hbm4b:s3+s10] =	stream.indirect.scatter [tilespmem:s17], [sflag:$0x1], $0x1, s16, s10, $0xb8;
	[tilespmem:$0xBE80] =	vst v63  }
0xa3: {  	_ = 	snop  }
0xa4: {  	[hbm4b:s3+s10] =	stream.indirect.scatter [tilespmem:s19], [sflag:$0x1], $0x1, s18, s10, $0xb8;
	[tilespmem:$0xBE80] =	vst v63  }
0xa5: {  	_ = 	snop  }
0xa6: {  	[hbm4b:s3+s10] =	stream.indirect.scatter [tilespmem:s21], [sflag:$0x1], $0x1, s20, s10, $0xb8;
	[tilespmem:$0xBE80] =	vst v63  }
0xa7: {  	_ = 	snop  }
0xa8: {  	[hbm4b:s3+s10] =	stream.indirect.scatter [tilespmem:s23], [sflag:$0x1], $0x1, s22, s10, $0xb8;
	[tilespmem:$0xBE80] =	vst v63  }
0xa9: {  	_ = 	snop  }
0xaa: {  	[hbm4b:s3+s10] =	stream.indirect.scatter [tilespmem:s25], [sflag:$0x1], $0x1, s24, s10, $0xb8;
	[tilespmem:$0xBE80] =	vst v63  }
0xab: {  	_ =	swait.ge [sflag:s8], $0x80  }
0xac: {  	[sflag:s8] =	ssyncset.done $0x0  }
0xad: {  	[sflag:s8] =	ssyncadd.s32 $0xFFFFFF80  }
0xae: {  	_ =	swait.ge [sflag:s8], $0x80  }
0xaf: {  	[sflag:s8] =	ssyncset.done $0x0  }
0xb0: {  	[sflag:s8] =	ssyncadd.s32 $0xFFFFFF80  }
0xb1: {  	_ =	swait.ge [sflag:s8], $0x80  }
0xb2: {  	[sflag:s8] =	ssyncset.done $0x0  }
0xb3: {  	s26 =	sadd.s32 $0x1, s26;
	[sflag:s8] =	ssyncadd.s32 $0xFFFFFF80  }
0xb4: {  	p0 =	sne.s32 s26, s7;
	_ =	swait.ge [sflag:s8], $0x80  }
.Ltmp4:
0xb5: {  	[sflag:s8] =	ssyncset.done $0x0;
	(pc) =	sbr.rel @p0 .LBB2_1-.Ltmp4, $4  }
0xb6: {  	[sflag:s8] =	ssyncadd.s32 $0xFFFFFF80  }
0xb7: {  	_ =	swait.ge [sflag:s8], $0x80  }
0xb8: {  	[sflag:s8] =	ssyncset.done $0x0  }
0xb9: {  	[sflag:s8] =	ssyncadd.s32 $0xFFFFFF80  }
0xba: {  	_ =	sfence.sel $0x180000  }
0xbb: {  	[bflag:$0x0] =	sbarrier.arrive $0xFFFF  }
0xbc: {  	_ =	strace $0x90000047  }
0xbd: {  	s0 =	stileid.u32;
	[bflag:$0x2] =	sbarrier.arrive $0xFFFF  }
0xbe: {  	p0 =	sne.s32 s0, $0x0;
	s0 =	rddreg [dreg:$0x2]  }
0xbf: {  	s0 =	sadd.s32 @!p0 $0x100000, s0  }
0xc0: {  	[sflag:s0] =	ssyncadd.tile.s32 @!p0 $0x1;
	_ =	shalt  }
.Lfunc_end2:
_tile_overlayer_lowered:
.L_overlay_start_2:
0xc1: {  	(tag) =	ssettag $0x2  }
0xc2: {  	s0 =	rddreg [dreg:$0x0];
	s2 =	stileid.u32  }
0xc3: {  	s1 =	rddreg [dreg:$0x1];
	p0 =	sne.s32 s2, $0x0  }
0xc4: {  	s3 =	rddreg [dreg:$0x2];
	[bflag:$0x3] =	sbarrier.arrive $0xFFFF;
	s2 =	simm.s32 @!p0 $0x1C02  }
0xc5: {  	[timem:s3], [sflag:s2] =	dma.local @!p0 [hbm:s0], s1  }
0xc6: {  	s0 =	simm.s32 @!p0 $0x2  }
0xc7: {  	_ =	swait.ge @!p0 [sflag:s0], s1  }
0xc8: {  	s1 =	ssub.s32 @!p0 $0x0, s1;
	[sflag:s0] =	ssyncset.done @!p0 $0x0  }
0xc9: {  	[sflag:s0] =	ssyncadd.s32 @!p0 s1  }
0xca: {  	[bflag:$0x3] =	sbarrier.arrive $0xFFFF  }
0xcb: {  	_ =	shalt  }

// kernel: kernel.13.cloned.1.call-start
scs
__scs_entry_jumppad:
0x0: {  	(pc) =	sbr.rel $0x88, $3  }
0x1: {  	(tag) =	ssettag $0x0;
	lr =	simm.s32 $0x1  }
0x2: {  	[smem:$0x3F86] =	sst lr;
	_ =	strace $0xD0000000  }
0x3: {  	_ = 	snop  }
0x4: {  	_ = 	snop  }
0x5: {  	_ = 	snop  }
0x6: {  	_ = 	snop  }
0x7: {  	_ = 	snop  }
__scs_overlays_trampoline_lowered:
0x8: {  	[smem:$0x3F95] =	sst s0  }
0x9: {  	[smem:$0x3F96] =	sst s1  }
0xa: {  	[smem:$0x3F97] =	sst s2  }
0xb: {  	[smem:$0x3F98] =	sst s3  }
0xc: {  	[smem:$0x3F99] =	sst s4  }
0xd: {  	[smem:$0x3F9A] =	sst s5  }
0xe: {  	[smem:$0x3F9B] =	sst s6  }
0xf: {  	[smem:$0x3F9C] =	sst s7  }
0x10: {  	[smem:$0x3F9D] =	sst s8  }
0x11: {  	[smem:$0x3F9E] =	sst s9;
	s0 =	simm.s32 @!p0 $0x0  }
0x12: {  	s1 =	sld [smem:$0x3F84];
	s0 =	simm.s32 @p0 $0x1  }
0x13: {  	[smem:$0x3F9F] =	sst s0;
	s0 =	simm.s32 @!p1 $0x0  }
0x14: {  	s2 =	sld [smem:$0x3F83];
	s0 =	simm.s32 @p1 $0x1  }
0x15: {  	[smem:$0x3FA0] =	sst s0;
	s0 =	simm.s32 @!p2 $0x0  }
0x16: {  	s3 =	sld [smem:$0x3FDB];
	s0 =	simm.s32 @p2 $0x1  }
0x17: {  	s4 =	simm.s32 $0x1BF5;
	[smem:$0x3FA2] =	sst s0  }
0x18: {  	s0 =	sld [smem:$0x3F85];
	_ =	swait.ge [sflag:s4], $0x0  }
0x19: {  	s7 =	sld [smem:$0x3F86]  }
0x1a: {  	s8 =	sadd.s32 $0xFFFFE003, lr  }
0x1b: {  	s9 =	sadd.s32 $0xFFFFFEF7, lr;
	s5 =	simm.s32 $0xFFFFFFFF;
	p2 =	slt.u32 s8, $0xFFFFF086  }
0x1c: {  	p1 =	slt.u32 s9, $0xF7A;
	s5 =	simm.s32 @!p2 $0x0  }
0x1d: {  	s5 =	simm.s32 @p1 $0x1;
	p0 =	seq.s32 s7, s2  }
0x1e: {  	s7 =	smul.u32 @!p0 $0xF7A, s2;
	p2 =	seq.s32 @!p0 s5, $0x0  }
0x1f: {  	s9 =	smul.u32 $0xF7A, s1;
	s8 =	simm.s32 @!p0 $0x1BF5;
	p2 =	por !p2, p0  }
0x20: {  	[sflag:s8] =	ssyncset.s32 @!p0 $0xFFFFF086;
	s6 =	sadd.s32 @!p0 s3, s7;
	s7 =	simm.s32 @!p0 $0x108  }
0x21: {  	s3 =	sadd.s32 s3, s9;
	s6 =	sadd.s32 @!p0 $0x88, s6;
	s7 =	simm.s32 @p2 $0x1082  }
0x22: {  	[simem:s7], [sflag:s8] =	dma.local @!p0 [hbm:s6], $0xF7A  }
0x23: {  	s9 =	sor.u32 $0xD0000000, s2;
	s6 =	simm.s32 $0x108;
	_ =	swait.ge @!p0 [sflag:s8], $0x0  }
0x24: {  	s3 =	sadd.s32 $0x88, s3;
	s6 =	simm.s32 @!p1 $0x1082;
	[sflag:s4] =	ssyncset.s32 $0xFFFFF086  }
0x25: {  	[simem:s6], [sflag:s4] =	dma.local [hbm:s3], $0xF7A  }
0x26: {  	[smem:$0x3F86] =	sst s1;
	(tag) =	ssettag s2;
	_ =	strace s9  }
0x27: {  	s1 =	sld [smem:$0x3F96]  }
0x28: {  	s2 =	sld [smem:$0x3F97]  }
0x29: {  	s4 =	sld [smem:$0x3F99]  }
0x2a: {  	p0 =	seq.s32 s5, $0x0;
	s5 =	sld [smem:$0x3F9A]  }
0x2b: {  	s6 =	sld [smem:$0x3F9B]  }
0x2c: {  	s7 =	sld [smem:$0x3F9C]  }
0x2d: {  	s3 =	simm.s32 $0x108;
	s8 =	sld [smem:$0x3F9D]  }
0x2e: {  	s3 =	simm.s32 @!p0 $0x1082;
	s9 =	sld [smem:$0x3F9E]  }
0x2f: {  	lr =	sadd.s32 s0, s3;
	s0 =	sld [smem:$0x3F95]  }
0x30: {  	s3 =	sld [smem:$0x3F98]  }
0x31: {  	[smem:$0x3FA1] =	sst s10  }
0x32: {  	s10 =	sld [smem:$0x3F9F];
	_ =	sdelay $0x3  }
0x33: {  	p0 =	seq.s32 s10, $0x1;
	s10 =	sld [smem:$0x3FA1];
	_ =	sdelay $0x3  }
0x34: {  	[smem:$0x3FA1] =	sst s10  }
0x35: {  	s10 =	sld [smem:$0x3FA0];
	_ =	sdelay $0x3  }
0x36: {  	p1 =	seq.s32 s10, $0x1;
	s10 =	sld [smem:$0x3FA1];
	_ =	sdelay $0x3  }
0x37: {  	[smem:$0x3FA1] =	sst s10  }
0x38: {  	s10 =	sld [smem:$0x3FA2]  }
0x39: {  	_ = 	snop;
	(pc) =	sbr.ind lr, $3  }
0x3a: {  	_ = 	snop  }
0x3b: {  	_ = 	snop  }
0x3c: {  	p2 =	seq.s32 s10, $0x1;
	s10 =	sld [smem:$0x3FA1]  }
0x3d: {  	_ =	shalt  }
0x3e: {  	_ =	shalt  }
0x3f: {  	_ =	shalt  }
0x40: {  	_ =	shalt  }
0x41: {  	_ =	shalt  }
0x42: {  	_ =	shalt  }
0x43: {  	_ =	shalt  }
0x44: {  	_ =	shalt  }
0x45: {  	_ =	shalt  }
0x46: {  	_ =	shalt  }
0x47: {  	_ =	shalt  }
0x48: {  	_ =	shalt  }
0x49: {  	_ =	shalt  }
0x4a: {  	_ =	shalt  }
0x4b: {  	_ =	shalt  }
0x4c: {  	_ =	shalt  }
0x4d: {  	_ =	shalt  }
0x4e: {  	_ =	shalt  }
0x4f: {  	_ =	shalt  }
0x50: {  	_ =	shalt  }
0x51: {  	_ =	shalt  }
0x52: {  	_ =	shalt  }
0x53: {  	_ =	shalt  }
0x54: {  	_ =	shalt  }
0x55: {  	_ =	shalt  }
0x56: {  	_ =	shalt  }
0x57: {  	_ =	shalt  }
0x58: {  	_ =	shalt  }
0x59: {  	_ =	shalt  }
0x5a: {  	_ =	shalt  }
0x5b: {  	_ =	shalt  }
0x5c: {  	_ =	shalt  }
0x5d: {  	_ =	shalt  }
0x5e: {  	_ =	shalt  }
0x5f: {  	_ =	shalt  }
0x60: {  	_ =	shalt  }
0x61: {  	_ =	shalt  }
0x62: {  	_ =	shalt  }
0x63: {  	_ =	shalt  }
0x64: {  	_ =	shalt  }
0x65: {  	_ =	shalt  }
0x66: {  	_ =	shalt  }
0x67: {  	_ =	shalt  }
0x68: {  	_ =	shalt  }
0x69: {  	_ =	shalt  }
0x6a: {  	_ =	shalt  }
0x6b: {  	_ =	shalt  }
0x6c: {  	_ =	shalt  }
0x6d: {  	_ =	shalt  }
0x6e: {  	_ =	shalt  }
0x6f: {  	_ =	shalt  }
0x70: {  	_ =	shalt  }
0x71: {  	_ =	shalt  }
0x72: {  	_ =	shalt  }
0x73: {  	_ =	shalt  }
0x74: {  	_ =	shalt  }
0x75: {  	_ =	shalt  }
0x76: {  	_ =	shalt  }
0x77: {  	_ =	shalt  }
0x78: {  	_ =	shalt  }
0x79: {  	_ =	shalt  }
0x7a: {  	_ =	shalt  }
0x7b: {  	_ =	shalt  }
0x7c: {  	_ =	shalt  }
0x7d: {  	_ =	shalt  }
0x7e: {  	_ =	shalt  }
0x7f: {  	_ =	shalt  }
0x80: {  	_ =	shalt  }
0x81: {  	_ =	shalt  }
0x82: {  	_ =	shalt  }
0x83: {  	_ =	shalt  }
0x84: {  	_ =	shalt  }
0x85: {  	_ =	shalt  }
0x86: {  	_ =	shalt  }
0x87: {  	_ =	shalt  }
.Lfunc_end0:
.L_simem_size_0:
called_computation.1_lowered:
.L_overlay_start_0:
0x88: {  	s2 =	sld [smem:$0x3FD9]  }
0x89: {  	s3 =	sld [smem:$0x3FFE];
	_ =	sdelay $0x1  }
0x8a: {  	s1 =	srdreg.scid  }
0x8b: {  	s0 =	sand.u32 $0x1, s1  }
0x8c: {  	s16 =	sshll.u32 s0, $0xA;
	s2 =	sadd.s32 s3, s2  }
0x8d: {  	s2 =	sadd.s32 s2, s16  }
0x8e: {  	[smem:$0x3FAD] =	sst s2  }
0x8f: {  	_ = 	snop  }
0x90: {  	(tm) =	ssettm $0x1  }
0x91: {  	s17 =	sld [smem:$0x3FFB];
	_ =	sdelay $0x3  }
0x92: {  	_ =	strace s17  }
0x93: {  	s2 =	sld [smem:$0x3FFC];
	_ =	sdelay $0x3  }
0x94: {  	_ =	strace s2  }
0x95: {  	s2 =	sld [smem:$0x3FFD];
	_ =	sdelay $0x3  }
0x96: {  	_ =	strace s2  }
0x97: {  	_ =	strace $0x8FFFFFFF  }
0x98: {  	s18 =	sld [smem:$0x3FDB];
	_ =	sdelay $0x1  }
0x99: {  	s19 =	simm.s32 $_scs_section_size  }
0x9a: {  	s4 =	simm.s32 $_size__tile_overlayer_lowered;
	s5 =	simm.s32 $_tile_overlayer_lowered  }
0x9b: {  	s22 =	simm.s32 $0x1BFF;
	s21 =	sshll.u32 s5, $0x1;
	s2 =	sadd.s32 s19, s18  }
0x9c: {  	s6 =	simm.s32 $0x0;
	s20 =	sshll.u32 s4, $0x1;
	s4 =	sadd.s32 s21, s2  }
0x9d: {  	[timem:s6], [sflag:s22] =	dma.local [hbm:s4], s20  }
0x9e: {  	_ =	swait.ge [sflag:s22], s20  }
0x9f: {  	s3 =	ssub.s32 $0x0, s20;
	[sflag:s22] =	ssyncset.done $0x0  }
0xa0: {  	[sflag:s22] =	ssyncadd.s32 s3;
	_ =	sdelay $0x1  }
0xa1: {  	s23 =	simm.s32 $0x1B8B  }
0xa2: {  	_ =	swait.ge [sflag:s23], $0x1  }
0xa3: {  	[sflag:s23] =	ssyncset.done $0x0  }
0xa4: {  	s25 =	simm.s32 $0x1B8E;
	s24 =	sld [smem:$0x3FFE];
	[sflag:s23] =	ssyncadd.s32 $0xFFFFFFFF  }
0xa5: {  	s26 =	simm.s32 $execute0_lowered;
	[smem:$0x3FD2] =	sst s25  }
0xa6: {  	s4 =	sshll.u32 s26, $0x1;
	_ =	strace $0x80000049;
	[dreg:$0x1] =	wrdreg $0xFFFFFFFF  }
0xa7: {  	s28 =	simm.s32 $_size_execute0_lowered;
	s2 =	sadd.s32 s2, s4;
	[dreg:$0x0] =	wrdreg $0x0  }
0xa8: {  	s4 =	sshll.u32 s28, $0x1;
	[dreg:$0x2] =	wrdreg s2  }
0xa9: {  	[dreg:$0x3] =	wrdreg s4  }
0xaa: {  	[dreg:$0x4] =	wrdreg $0xC0  }
0xab: {  	_ =	task [dreg:s6], $0x5FFFF  }
0xac: {  	[dreg:$0x1] =	wrdreg $0xFFFFFFFF  }
0xad: {  	[dreg:$0x0] =	wrdreg $0x60  }
0xae: {  	[dreg:$0x2] =	wrdreg s24  }
0xaf: {  	[dreg:$0x3] =	wrdreg $0xB7800  }
0xb0: {  	[dreg:$0x4] =	wrdreg $0x9  }
0xb1: {  	_ =	task.clear_ibuf [dreg:s6], $0x5FFFF;
	_ =	strace $0x90000049  }
0xb2: {  	s29 =	simm.s32 $0x9;
	_ =	strace $0x8000004B  }
0xb3: {  	_ =	swait.ge [sflag:s29], $0x1  }
0xb4: {  	[sflag:s29] =	ssyncadd.s32 $0xFFFFFFFF  }
0xb5: {  	_ =	strace $0x9000004B  }
0xb6: {  	_ =	sfence  }
0xb7: {  	s30 =	sld [smem:$0x0];
	_ =	sdelay $0x2  }
0xb8: {  	s31 =	sshll.u32 s1, $0xD;
	s1 =	sshrl.u32 s1, $0x2  }
0xb9: {  	s3 =	sand.u32 $0x4000, s31;
	s1 =	sadd.s32 s1, s30  }
0xba: {  	s0 =	sor.u32 s3, s0;
	s1 =	sshll.u32 s1, $0x11  }
0xbb: {  	s0 =	sor.u32 s1, s0  }
0xbc: {  	s0 =	sadd.s32 $0x8F2B, s0  }
0xbd: {  	[sflag:s0] =	ssyncadd.remote.s32 $0x1  }
0xbe: {  	_ =	sfence.sel $0xFFFF  }
0xbf: {  	[dreg:$0x0] =	wrdreg $0xFFFFFFFF;
	(pc) =	sbr.abs _section_cstart, $3  }
0xc0: {  	[dreg:$0x1] =	wrdreg $0xFFFFFFFF  }
0xc1: {  	_ =	task.clear_ibuf [dreg:s6], $0x2FFFF;
	_ =	strace $0x9FFFFFFF  }
0xc2: {  	(tm) =	ssettm $0x7FFFFFFF  }
0xc3: {  	_ =	shalt  }
tec
execute0_lowered:
.L_overlay_start_1:
0x0: {  	(tag) =	ssettag $0x1  }
0x1: {  	s0 =	srdreg.scid;
	s5 =	rddreg [dreg:$0x0]  }
0x2: {  	s2 =	rddreg [dreg:$0x1];
	s1 =	stileid.u32  }
0x3: {  	s3 =	simm.s32 $0x0;
	s17 =	simm.s32 $0x2780;
	s18 =	simm.s32 $0x6780  }
0x4: {  	s19 =	simm.s32 $0x3;
	s20 =	simm.s32 $0x1;
	s21 =	simm.s32 $0x2  }
0x5: {  	s22 =	simm.s32 $0x50;
	s23 =	simm.s32 $0x8F80;
	s24 =	simm.s32 $0x6580  }
0x6: {  	s6 =	sand.u32 $0x1, s0;
	s0 =	rddreg [dreg:$0x2];
	s9 =	smul.u32 $0x2800, s1  }
0x7: {  	s25 =	simm.s32 $0x0;
	[smem:$0x7FF] =	sst s3;
	s11 =	smul.u32 $0x50000, s1  }
0x8: {  	s4 =	sshll.u32 s6, $0x4;
	_ =	strace $0x8000004A;
	s10 =	smul.u32 $0x28000, s6  }
0x9: {  	s6 =	ssub.s32 $0x2, s6;
	s7 =	sor.u32 s1, s4;
	s4 =	sadd.s32 $0x6FA00, s5  }
0xa: {  	s30 =	sshrl.u32 s6, $0x1;
	s31 =	sshrl.u32 s11, $0x2;
	s8 =	smul.u32 $0x4E2, s7  }
0xb: {  	s7 =	sshll.u32 s7, $0xB;
	s9 =	sadd.s32 s9, s10;
	s16 =	ssub.s32 s6, s30  }
0xc: {  	s7 =	sadd.s32 s7, s5;
	s15 =	sadd.s32 s9, s5;
	s16 =	smax.u32 s16, $0x1  }
0xd: {  	s8 =	sadd.s32 s8, s5;
	s6 =	sadd.s32 $0xFA00, s7;
	s7 =	sadd.s32 s31, s2  }
0xe: {  	s15 =	sadd.s32 $0x96C00, s15;
	s5 =	sadd.s32 $0x5C00, s8;
	s8 =	sadd.s32 $0x2800, s7  }
0xf: {  	s9 =	sadd.s32 $0x5000, s7;
	s10 =	sadd.s32 $0x7800, s7;
	s11 =	sadd.s32 $0xA000, s7  }
0x10: {  	v0 =	vimm.f32 $0.0e+00;
	s12 =	sadd.s32 $0xC800, s7;
	s13 =	sadd.s32 $0xF000, s7;
	s14 =	sadd.s32 $0x11800, s7  }
.LBB2_1:
0x11: {  	[tilespmem:s3], [sflag:$0x1] =	stream.linear.gather [hbm4b:s5+s3], $0x2710, $0x38;
	[tilespmem:$0x1F780] =	vst v63  }
0x12: {  	s26 =	simm.s32 $0x0;
	s28 =	simm.s32 $0x200  }
0x13: {  	[tilespmem:s17], [sflag:$0x2] =	stream.linear.gather [hbm4b:s6+s3], $0x3E80, $0x38;
	[tilespmem:$0x1F780] =	vst v63  }
.LBB2_2:
0x14: {  	p0 =	sne.s32 s28, $0x9E00;
	[tilespmem:s26+$0x67F0] =	vst v0  }
0x15: {  	[tilespmem:s26+$0x6780] =	vst v0  }
0x16: {  	[tilespmem:s26+$0x6790] =	vst v0  }
.Ltmp0:
0x17: {  	[tilespmem:s26+$0x67A0] =	vst v0;
	(pc) =	sbr.rel @p0 .LBB2_2-.Ltmp0, $4  }
0x18: {  	[tilespmem:s26+$0x67B0] =	vst v0  }
0x19: {  	[tilespmem:s26+$0x67C0] =	vst v0  }
0x1a: {  	[tilespmem:s26+$0x67D0] =	vst v0  }
0x1b: {  	[tilespmem:s26+$0x67E0] =	vst v0;
	s26 =	sshra.s32 s28, $0x2;
	s28 =	sadd.s32 $0x200, s28  }
0x1c: {  	[tilespmem:s26+$0x67F0] =	vst v0  }
0x1d: {  	[tilespmem:s26+$0x6780] =	vst v0  }
0x1e: {  	[tilespmem:s26+$0x6790] =	vst v0  }
0x1f: {  	[tilespmem:s26+$0x67A0] =	vst v0  }
0x20: {  	[tilespmem:s26+$0x67B0] =	vst v0  }
0x21: {  	[tilespmem:s26+$0x67C0] =	vst v0  }
0x22: {  	[tilespmem:s26+$0x67D0] =	vst v0  }
0x23: {  	[tilespmem:s26+$0x67E0] =	vst v0  }
0x24: {  	[spmem:s7] =	stream.linear.scatter [tilespmem:s18], [sflag:$0x3], $0x2800, $0x38;
	[tilespmem:$0x1F780] =	vst v63  }
0x25: {  	_ =	swait.ge [sflag:s19], $0x2800  }
0x26: {  	[sflag:s19] =	ssyncset.done $0x0  }
0x27: {  	[sflag:s19] =	ssyncadd.s32 $0xFFFFD800  }
0x28: {  	[spmem:s8] =	stream.linear.scatter [tilespmem:s18], [sflag:$0x3], $0x2800, $0x38;
	[tilespmem:$0x1F780] =	vst v63  }
0x29: {  	_ =	swait.ge [sflag:s19], $0x2800  }
0x2a: {  	[sflag:s19] =	ssyncset.done $0x0  }
0x2b: {  	[sflag:s19] =	ssyncadd.s32 $0xFFFFD800  }
0x2c: {  	[spmem:s9] =	stream.linear.scatter [tilespmem:s18], [sflag:$0x3], $0x2800, $0x38;
	[tilespmem:$0x1F780] =	vst v63  }
0x2d: {  	_ =	swait.ge [sflag:s19], $0x2800  }
0x2e: {  	[sflag:s19] =	ssyncset.done $0x0  }
0x2f: {  	[sflag:s19] =	ssyncadd.s32 $0xFFFFD800  }
0x30: {  	[spmem:s10] =	stream.linear.scatter [tilespmem:s18], [sflag:$0x3], $0x2800, $0x38;
	[tilespmem:$0x1F780] =	vst v63  }
0x31: {  	_ =	swait.ge [sflag:s19], $0x2800  }
0x32: {  	[sflag:s19] =	ssyncset.done $0x0  }
0x33: {  	[sflag:s19] =	ssyncadd.s32 $0xFFFFD800  }
0x34: {  	[spmem:s11] =	stream.linear.scatter [tilespmem:s18], [sflag:$0x3], $0x2800, $0x38;
	[tilespmem:$0x1F780] =	vst v63  }
0x35: {  	_ =	swait.ge [sflag:s19], $0x2800  }
0x36: {  	[sflag:s19] =	ssyncset.done $0x0  }
0x37: {  	[sflag:s19] =	ssyncadd.s32 $0xFFFFD800  }
0x38: {  	[spmem:s12] =	stream.linear.scatter [tilespmem:s18], [sflag:$0x3], $0x2800, $0x38;
	[tilespmem:$0x1F780] =	vst v63  }
0x39: {  	_ =	swait.ge [sflag:s19], $0x2800  }
0x3a: {  	[sflag:s19] =	ssyncset.done $0x0  }
0x3b: {  	[sflag:s19] =	ssyncadd.s32 $0xFFFFD800  }
0x3c: {  	[spmem:s13] =	stream.linear.scatter [tilespmem:s18], [sflag:$0x3], $0x2800, $0x38;
	[tilespmem:$0x1F780] =	vst v63  }
0x3d: {  	_ =	swait.ge [sflag:s19], $0x2800  }
0x3e: {  	[sflag:s19] =	ssyncset.done $0x0  }
0x3f: {  	[sflag:s19] =	ssyncadd.s32 $0xFFFFD800  }
0x40: {  	[spmem:s14] =	stream.linear.scatter [tilespmem:s18], [sflag:$0x3], $0x2800, $0x38;
	[tilespmem:$0x1F780] =	vst v63  }
0x41: {  	_ =	swait.ge [sflag:s19], $0x2800  }
0x42: {  	[sflag:s19] =	ssyncset.done $0x0  }
0x43: {  	[sflag:s19] =	ssyncadd.s32 $0xFFFFD800  }
0x44: {  	_ =	swait.ge [sflag:s20], $0x2710  }
0x45: {  	[sflag:s20] =	ssyncset.done $0x0  }
0x46: {  	[sflag:s20] =	ssyncadd.s32 $0xFFFFD8F0  }
0x47: {  	_ =	swait.ge [sflag:s21], $0x3E80  }
0x48: {  	[sflag:s21] =	ssyncset.done $0x0  }
0x49: {  	[sflag:s21] =	ssyncadd.s32 $0xFFFFC180  }
0x4a: {  	s31 =	simm.s32 $0x0;
	[bflag:$0x0] =	sbarrier.arrive $0xFFFF  }
0x4b: {  	[tilespmem:s18], [sflag:$0x1] =	stream.indirect.gather [hbm4b:s4+s22], $0x80, s31, s22, $0xb8;
	[tilespmem:$0x1F780] =	vst v63  }
0x4c: {  	s30 =	simm.s32 $0x50  }
0x4d: {  	[tilespmem:s23], [sflag:$0x2] =	stream.indirect.gather [hbm4b:s4+s22], $0x80, s30, s22, $0xb8;
	[tilespmem:$0x1F780] =	vst v63  }
0x4e: {  	_ =	swait.ge [sflag:s20], $0x2800  }
0x4f: {  	[sflag:s20] =	ssyncset.done $0x0  }
0x50: {  	s31 =	simm.s32 $0x2780;
	[sflag:s20] =	ssyncadd.s32 $0xFFFFD800  }
0x51: {  	[spmem:s2] =	stream.indirect.scatter.add.f32 [tilespmem:s18], [sflag:$0x3], $0x80, s31, s22, $0xb8;
	[tilespmem:$0x1F780] =	vst v63  }
0x52: {  	_ =	swait.ge [sflag:s19], $0x2800  }
0x53: {  	[sflag:s19] =	ssyncset.done $0x0  }
0x54: {  	s30 =	simm.s32 $0xA0;
	[sflag:s19] =	ssyncadd.s32 $0xFFFFD800  }
0x55: {  	[tilespmem:s18], [sflag:$0x1] =	stream.indirect.gather [hbm4b:s4+s22], $0x80, s30, s22, $0xb8;
	[tilespmem:$0x1F780] =	vst v63  }
0x56: {  	_ =	swait.ge [sflag:s21], $0x2800  }
0x57: {  	[sflag:s21] =	ssyncset.done $0x0  }
0x58: {  	s31 =	simm.s32 $0x2800;
	[sflag:s21] =	ssyncadd.s32 $0xFFFFD800  }
0x59: {  	[spmem:s2] =	stream.indirect.scatter.add.f32 [tilespmem:s23], [sflag:$0x3], $0x80, s31, s22, $0xb8;
	[tilespmem:$0x1F780] =	vst v63  }
0x5a: {  	s28 =	simm.s32 $0x400;
	_ =	swait.ge [sflag:s19], $0x2800  }
0x5b: {  	s29 =	simm.s32 $0x800;
	s26 =	simm.s32 $0x140;
	[sflag:s19] =	ssyncset.done $0x0  }
.LBB2_4:
0x5c: {  	p0 =	sne.s32 s29, $0xF400;
	s30 =	sadd.s32 $0xFFFFFFB0, s26;
	[sflag:s19] =	ssyncadd.s32 $0xFFFFD800  }
0x5d: {  	[tilespmem:s23], [sflag:$0x2] =	stream.indirect.gather [hbm4b:s4+s22], $0x80, s30, s22, $0xb8;
	[tilespmem:$0x1F780] =	vst v63  }
0x5e: {  	s30 =	smov.u32 s29;
	s29 =	sadd.s32 $0x400, s29;
	_ =	swait.ge [sflag:s20], $0x2800  }
0x5f: {  	s31 =	sshra.s32 s28, $0x2;
	s28 =	smov.u32 s30;
	[sflag:s20] =	ssyncset.done $0x0  }
0x60: {  	s30 =	sadd.s32 $0x2780, s31;
	[sflag:s20] =	ssyncadd.s32 $0xFFFFD800  }
0x61: {  	[spmem:s2] =	stream.indirect.scatter.add.f32 [tilespmem:s18], [sflag:$0x3], $0x80, s30, s22, $0xb8;
	[tilespmem:$0x1F780] =	vst v63  }
0x62: {  	_ =	swait.ge [sflag:s19], $0x2800  }
0x63: {  	[sflag:s19] =	ssyncset.done $0x0  }
0x64: {  	[sflag:s19] =	ssyncadd.s32 $0xFFFFD800  }
0x65: {  	[tilespmem:s18], [sflag:$0x1] =	stream.indirect.gather [hbm4b:s4+s22], $0x80, s26, s22, $0xb8;
	[tilespmem:$0x1F780] =	vst v63  }
0x66: {  	_ =	swait.ge [sflag:s21], $0x2800  }
.Ltmp1:
0x67: {  	[sflag:s21] =	ssyncset.done $0x0;
	(pc) =	sbr.rel @p0 .LBB2_4-.Ltmp1, $4  }
0x68: {  	s30 =	sadd.s32 $0x2800, s31;
	[sflag:s21] =	ssyncadd.s32 $0xFFFFD800  }
0x69: {  	[spmem:s2] =	stream.indirect.scatter.add.f32 [tilespmem:s23], [sflag:$0x3], $0x80, s30, s22, $0xb8;
	[tilespmem:$0x1F780] =	vst v63  }
0x6a: {  	_ =	swait.ge [sflag:s19], $0x2800  }
0x6b: {  	s26 =	sadd.s32 $0xA0, s26;
	[sflag:s19] =	ssyncset.done $0x0  }
0x6c: {  	s29 =	sadd.s32 $0xFFFFFFB0, s26;
	[sflag:s19] =	ssyncadd.s32 $0xFFFFD800  }
0x6d: {  	[tilespmem:s23], [sflag:$0x2] =	stream.indirect.gather [hbm4b:s4+s22], $0x80, s29, s22, $0xb8;
	[tilespmem:$0x1F780] =	vst v63  }
0x6e: {  	_ =	swait.ge [sflag:s20], $0x2800  }
0x6f: {  	s28 =	sshra.s32 s28, $0x2;
	[sflag:s20] =	ssyncset.done $0x0  }
0x70: {  	s31 =	sadd.s32 $0x2780, s28;
	[sflag:s20] =	ssyncadd.s32 $0xFFFFD800  }
0x71: {  	[spmem:s2] =	stream.indirect.scatter.add.f32 [tilespmem:s18], [sflag:$0x3], $0x80, s31, s22, $0xb8;
	[tilespmem:$0x1F780] =	vst v63  }
0x72: {  	_ =	swait.ge [sflag:s19], $0x2800  }
0x73: {  	[sflag:s19] =	ssyncset.done $0x0  }
0x74: {  	[sflag:s19] =	ssyncadd.s32 $0xFFFFD800  }
0x75: {  	[tilespmem:s18], [sflag:$0x1] =	stream.indirect.gather [hbm4b:s4+s22], $0x80, s26, s22, $0xb8;
	[tilespmem:$0x1F780] =	vst v63  }
0x76: {  	_ =	swait.ge [sflag:s21], $0x2800  }
0x77: {  	[sflag:s21] =	ssyncset.done $0x0  }
0x78: {  	s29 =	sadd.s32 $0x2800, s28;
	[sflag:s21] =	ssyncadd.s32 $0xFFFFD800  }
0x79: {  	[spmem:s2] =	stream.indirect.scatter.add.f32 [tilespmem:s23], [sflag:$0x3], $0x80, s29, s22, $0xb8;
	[tilespmem:$0x1F780] =	vst v63  }
0x7a: {  	_ =	swait.ge [sflag:s19], $0x2800  }
0x7b: {  	[sflag:s19] =	ssyncset.done $0x0  }
0x7c: {  	[sflag:s19] =	ssyncadd.s32 $0xFFFFD800  }
0x7d: {  	_ =	swait.ge [sflag:s20], $0x2800  }
0x7e: {  	[sflag:s20] =	ssyncset.done $0x0  }
0x7f: {  	[sflag:s20] =	ssyncadd.s32 $0xFFFFD800  }
0x80: {  	[spmem:s2] =	stream.indirect.scatter.add.f32 [tilespmem:s18], [sflag:$0x3], $0x80, s24, s22, $0xb8;
	[tilespmem:$0x1F780] =	vst v63  }
0x81: {  	_ =	swait.ge [sflag:s19], $0x2800  }
0x82: {  	s30 =	sshll.u32 s1, $0x6;
	s25 =	sadd.s32 $0x1, s25;
	[sflag:s19] =	ssyncset.done $0x0  }
0x83: {  	p0 =	sne.s32 s25, s16;
	s31 =	sshrl.u32 s7, $0x3;
	[sflag:s19] =	ssyncadd.s32 $0xFFFFD800  }
.Ltmp2:
0x84: {  	s26 =	sor.u32 $0x1C03, s30;
	[bflag:$0x0] =	sbarrier.arrive $0xFFFF;
	(pc) =	sbr.rel @p0 .LBB2_1-.Ltmp2, $4  }
0x85: {  	[hbm:s15], [sflag:s26] =	dma.local [spmem:s31], $0x2800  }
0x86: {  	_ =	swait.ge [sflag:s19], $0x2800  }
0x87: {  	[sflag:s19] =	ssyncset.done $0x0  }
0x88: {  	[sflag:s19] =	ssyncadd.s32 $0xFFFFD800  }
0x89: {  	_ =	sfence.sel $0x180000  }
0x8a: {  	[bflag:$0x0] =	sbarrier.arrive $0xFFFF  }
0x8b: {  	p0 =	sne.s32 s1, $0x0;
	_ =	strace $0x9000004A  }
0x8c: {  	s0 =	sadd.s32 @!p0 $0x100000, s0;
	[bflag:$0x2] =	sbarrier.arrive $0xFFFF  }
0x8d: {  	[sflag:s0] =	ssyncadd.tile.s32 @!p0 $0x1;
	_ =	shalt  }
.Lfunc_end2:
_tile_overlayer_lowered:
.L_overlay_start_2:
0x8e: {  	(tag) =	ssettag $0x2  }
0x8f: {  	s0 =	rddreg [dreg:$0x0];
	s2 =	stileid.u32  }
0x90: {  	s1 =	rddreg [dreg:$0x1];
	p0 =	sne.s32 s2, $0x0  }
0x91: {  	s3 =	rddreg [dreg:$0x2];
	[bflag:$0x3] =	sbarrier.arrive $0xFFFF;
	s2 =	simm.s32 @!p0 $0x1C03  }
0x92: {  	[timem:s3], [sflag:s2] =	dma.local @!p0 [hbm:s0], s1  }
0x93: {  	s0 =	simm.s32 @!p0 $0x3  }
0x94: {  	_ =	swait.ge @!p0 [sflag:s0], s1  }
0x95: {  	s1 =	ssub.s32 @!p0 $0x0, s1;
	[sflag:s0] =	ssyncset.done @!p0 $0x0  }
0x96: {  	[sflag:s0] =	ssyncadd.s32 @!p0 s1  }
0x97: {  	[bflag:$0x3] =	sbarrier.arrive $0xFFFF  }
0x98: {  	_ =	shalt  }

// kernel: kernel.16.cloned.1.call-start
scs
__scs_entry_jumppad:
0x0: {  	(pc) =	sbr.rel $0x88, $3  }
0x1: {  	(tag) =	ssettag $0x0;
	lr =	simm.s32 $0x1  }
0x2: {  	[smem:$0x3F86] =	sst lr;
	_ =	strace $0xD0000000  }
0x3: {  	_ = 	snop  }
0x4: {  	_ = 	snop  }
0x5: {  	_ = 	snop  }
0x6: {  	_ = 	snop  }
0x7: {  	_ = 	snop  }
__scs_overlays_trampoline_lowered:
0x8: {  	[smem:$0x3F95] =	sst s0  }
0x9: {  	[smem:$0x3F96] =	sst s1  }
0xa: {  	[smem:$0x3F97] =	sst s2  }
0xb: {  	[smem:$0x3F98] =	sst s3  }
0xc: {  	[smem:$0x3F99] =	sst s4  }
0xd: {  	[smem:$0x3F9A] =	sst s5  }
0xe: {  	[smem:$0x3F9B] =	sst s6  }
0xf: {  	[smem:$0x3F9C] =	sst s7  }
0x10: {  	[smem:$0x3F9D] =	sst s8  }
0x11: {  	[smem:$0x3F9E] =	sst s9;
	s0 =	simm.s32 @!p0 $0x0  }
0x12: {  	s1 =	sld [smem:$0x3F84];
	s0 =	simm.s32 @p0 $0x1  }
0x13: {  	[smem:$0x3F9F] =	sst s0;
	s0 =	simm.s32 @!p1 $0x0  }
0x14: {  	s2 =	sld [smem:$0x3F83];
	s0 =	simm.s32 @p1 $0x1  }
0x15: {  	[smem:$0x3FA0] =	sst s0;
	s0 =	simm.s32 @!p2 $0x0  }
0x16: {  	s3 =	sld [smem:$0x3FDB];
	s0 =	simm.s32 @p2 $0x1  }
0x17: {  	s4 =	simm.s32 $0x1BF5;
	[smem:$0x3FA2] =	sst s0  }
0x18: {  	s0 =	sld [smem:$0x3F85];
	_ =	swait.ge [sflag:s4], $0x0  }
0x19: {  	s7 =	sld [smem:$0x3F86]  }
0x1a: {  	s8 =	sadd.s32 $0xFFFFE003, lr  }
0x1b: {  	s9 =	sadd.s32 $0xFFFFFEF7, lr;
	s5 =	simm.s32 $0xFFFFFFFF;
	p2 =	slt.u32 s8, $0xFFFFF086  }
0x1c: {  	p1 =	slt.u32 s9, $0xF7A;
	s5 =	simm.s32 @!p2 $0x0  }
0x1d: {  	s5 =	simm.s32 @p1 $0x1;
	p0 =	seq.s32 s7, s2  }
0x1e: {  	s7 =	smul.u32 @!p0 $0xF7A, s2;
	p2 =	seq.s32 @!p0 s5, $0x0  }
0x1f: {  	s9 =	smul.u32 $0xF7A, s1;
	s8 =	simm.s32 @!p0 $0x1BF5;
	p2 =	por !p2, p0  }
0x20: {  	[sflag:s8] =	ssyncset.s32 @!p0 $0xFFFFF086;
	s6 =	sadd.s32 @!p0 s3, s7;
	s7 =	simm.s32 @!p0 $0x108  }
0x21: {  	s3 =	sadd.s32 s3, s9;
	s6 =	sadd.s32 @!p0 $0x88, s6;
	s7 =	simm.s32 @p2 $0x1082  }
0x22: {  	[simem:s7], [sflag:s8] =	dma.local @!p0 [hbm:s6], $0xF7A  }
0x23: {  	s9 =	sor.u32 $0xD0000000, s2;
	s6 =	simm.s32 $0x108;
	_ =	swait.ge @!p0 [sflag:s8], $0x0  }
0x24: {  	s3 =	sadd.s32 $0x88, s3;
	s6 =	simm.s32 @!p1 $0x1082;
	[sflag:s4] =	ssyncset.s32 $0xFFFFF086  }
0x25: {  	[simem:s6], [sflag:s4] =	dma.local [hbm:s3], $0xF7A  }
0x26: {  	[smem:$0x3F86] =	sst s1;
	(tag) =	ssettag s2;
	_ =	strace s9  }
0x27: {  	s1 =	sld [smem:$0x3F96]  }
0x28: {  	s2 =	sld [smem:$0x3F97]  }
0x29: {  	s4 =	sld [smem:$0x3F99]  }
0x2a: {  	p0 =	seq.s32 s5, $0x0;
	s5 =	sld [smem:$0x3F9A]  }
0x2b: {  	s6 =	sld [smem:$0x3F9B]  }
0x2c: {  	s7 =	sld [smem:$0x3F9C]  }
0x2d: {  	s3 =	simm.s32 $0x108;
	s8 =	sld [smem:$0x3F9D]  }
0x2e: {  	s3 =	simm.s32 @!p0 $0x1082;
	s9 =	sld [smem:$0x3F9E]  }
0x2f: {  	lr =	sadd.s32 s0, s3;
	s0 =	sld [smem:$0x3F95]  }
0x30: {  	s3 =	sld [smem:$0x3F98]  }
0x31: {  	[smem:$0x3FA1] =	sst s10  }
0x32: {  	s10 =	sld [smem:$0x3F9F];
	_ =	sdelay $0x3  }
0x33: {  	p0 =	seq.s32 s10, $0x1;
	s10 =	sld [smem:$0x3FA1];
	_ =	sdelay $0x3  }
0x34: {  	[smem:$0x3FA1] =	sst s10  }
0x35: {  	s10 =	sld [smem:$0x3FA0];
	_ =	sdelay $0x3  }
0x36: {  	p1 =	seq.s32 s10, $0x1;
	s10 =	sld [smem:$0x3FA1];
	_ =	sdelay $0x3  }
0x37: {  	[smem:$0x3FA1] =	sst s10  }
0x38: {  	s10 =	sld [smem:$0x3FA2]  }
0x39: {  	_ = 	snop;
	(pc) =	sbr.ind lr, $3  }
0x3a: {  	_ = 	snop  }
0x3b: {  	_ = 	snop  }
0x3c: {  	p2 =	seq.s32 s10, $0x1;
	s10 =	sld [smem:$0x3FA1]  }
0x3d: {  	_ =	shalt  }
0x3e: {  	_ =	shalt  }
0x3f: {  	_ =	shalt  }
0x40: {  	_ =	shalt  }
0x41: {  	_ =	shalt  }
0x42: {  	_ =	shalt  }
0x43: {  	_ =	shalt  }
0x44: {  	_ =	shalt  }
0x45: {  	_ =	shalt  }
0x46: {  	_ =	shalt  }
0x47: {  	_ =	shalt  }
0x48: {  	_ =	shalt  }
0x49: {  	_ =	shalt  }
0x4a: {  	_ =	shalt  }
0x4b: {  	_ =	shalt  }
0x4c: {  	_ =	shalt  }
0x4d: {  	_ =	shalt  }
0x4e: {  	_ =	shalt  }
0x4f: {  	_ =	shalt  }
0x50: {  	_ =	shalt  }
0x51: {  	_ =	shalt  }
0x52: {  	_ =	shalt  }
0x53: {  	_ =	shalt  }
0x54: {  	_ =	shalt  }
0x55: {  	_ =	shalt  }
0x56: {  	_ =	shalt  }
0x57: {  	_ =	shalt  }
0x58: {  	_ =	shalt  }
0x59: {  	_ =	shalt  }
0x5a: {  	_ =	shalt  }
0x5b: {  	_ =	shalt  }
0x5c: {  	_ =	shalt  }
0x5d: {  	_ =	shalt  }
0x5e: {  	_ =	shalt  }
0x5f: {  	_ =	shalt  }
0x60: {  	_ =	shalt  }
0x61: {  	_ =	shalt  }
0x62: {  	_ =	shalt  }
0x63: {  	_ =	shalt  }
0x64: {  	_ =	shalt  }
0x65: {  	_ =	shalt  }
0x66: {  	_ =	shalt  }
0x67: {  	_ =	shalt  }
0x68: {  	_ =	shalt  }
0x69: {  	_ =	shalt  }
0x6a: {  	_ =	shalt  }
0x6b: {  	_ =	shalt  }
0x6c: {  	_ =	shalt  }
0x6d: {  	_ =	shalt  }
0x6e: {  	_ =	shalt  }
0x6f: {  	_ =	shalt  }
0x70: {  	_ =	shalt  }
0x71: {  	_ =	shalt  }
0x72: {  	_ =	shalt  }
0x73: {  	_ =	shalt  }
0x74: {  	_ =	shalt  }
0x75: {  	_ =	shalt  }
0x76: {  	_ =	shalt  }
0x77: {  	_ =	shalt  }
0x78: {  	_ =	shalt  }
0x79: {  	_ =	shalt  }
0x7a: {  	_ =	shalt  }
0x7b: {  	_ =	shalt  }
0x7c: {  	_ =	shalt  }
0x7d: {  	_ =	shalt  }
0x7e: {  	_ =	shalt  }
0x7f: {  	_ =	shalt  }
0x80: {  	_ =	shalt  }
0x81: {  	_ =	shalt  }
0x82: {  	_ =	shalt  }
0x83: {  	_ =	shalt  }
0x84: {  	_ =	shalt  }
0x85: {  	_ =	shalt  }
0x86: {  	_ =	shalt  }
0x87: {  	_ =	shalt  }
.Lfunc_end0:
.L_simem_size_0:
called_computation.2_lowered:
.L_overlay_start_0:
0x88: {  	s2 =	sld [smem:$0x3FD9]  }
0x89: {  	s3 =	sld [smem:$0x3FFE];
	_ =	sdelay $0x1  }
0x8a: {  	s1 =	srdreg.scid  }
0x8b: {  	s0 =	sand.u32 $0x1, s1  }
0x8c: {  	s16 =	sshll.u32 s0, $0xA;
	s2 =	sadd.s32 s3, s2  }
0x8d: {  	s2 =	sadd.s32 s2, s16  }
0x8e: {  	[smem:$0x3FAD] =	sst s2  }
0x8f: {  	_ = 	snop  }
0x90: {  	(tm) =	ssettm $0x1  }
0x91: {  	s17 =	sld [smem:$0x3FFB];
	_ =	sdelay $0x3  }
0x92: {  	_ =	strace s17  }
0x93: {  	s2 =	sld [smem:$0x3FFC];
	_ =	sdelay $0x3  }
0x94: {  	_ =	strace s2  }
0x95: {  	s2 =	sld [smem:$0x3FFD];
	_ =	sdelay $0x3  }
0x96: {  	_ =	strace s2  }
0x97: {  	_ =	strace $0x8FFFFFFF  }
0x98: {  	s18 =	sld [smem:$0x3FDB];
	_ =	sdelay $0x1  }
0x99: {  	s19 =	simm.s32 $_scs_section_size  }
0x9a: {  	s4 =	simm.s32 $_size__tile_overlayer_lowered;
	s5 =	simm.s32 $_tile_overlayer_lowered  }
0x9b: {  	s22 =	simm.s32 $0x1BFF;
	s21 =	sshll.u32 s5, $0x1;
	s2 =	sadd.s32 s19, s18  }
0x9c: {  	s6 =	simm.s32 $0x0;
	s20 =	sshll.u32 s4, $0x1;
	s4 =	sadd.s32 s21, s2  }
0x9d: {  	[timem:s6], [sflag:s22] =	dma.local [hbm:s4], s20  }
0x9e: {  	_ =	swait.ge [sflag:s22], s20  }
0x9f: {  	s3 =	ssub.s32 $0x0, s20;
	[sflag:s22] =	ssyncset.done $0x0  }
0xa0: {  	[sflag:s22] =	ssyncadd.s32 s3;
	_ =	sdelay $0x1  }
0xa1: {  	s23 =	simm.s32 $0x1B8B  }
0xa2: {  	_ =	swait.ge [sflag:s23], $0x1  }
0xa3: {  	[sflag:s23] =	ssyncset.done $0x0  }
0xa4: {  	s25 =	simm.s32 $0x1B8E;
	s24 =	sld [smem:$0x3FFE];
	[sflag:s23] =	ssyncadd.s32 $0xFFFFFFFF  }
0xa5: {  	s26 =	simm.s32 $execute0_lowered;
	[smem:$0x3FD2] =	sst s25  }
0xa6: {  	s4 =	sshll.u32 s26, $0x1;
	_ =	strace $0x8000004C;
	[dreg:$0x1] =	wrdreg $0xFFFFFFFF  }
0xa7: {  	s28 =	simm.s32 $_size_execute0_lowered;
	s2 =	sadd.s32 s2, s4;
	[dreg:$0x0] =	wrdreg $0x0  }
0xa8: {  	s4 =	sshll.u32 s28, $0x1;
	[dreg:$0x2] =	wrdreg s2  }
0xa9: {  	[dreg:$0x3] =	wrdreg s4  }
0xaa: {  	[dreg:$0x4] =	wrdreg $0xC0  }
0xab: {  	_ =	task [dreg:s6], $0x5FFFF  }
0xac: {  	[dreg:$0x1] =	wrdreg $0xFFFFFFFF  }
0xad: {  	[dreg:$0x0] =	wrdreg $0x60  }
0xae: {  	[dreg:$0x2] =	wrdreg s24  }
0xaf: {  	[dreg:$0x3] =	wrdreg $0xB7800  }
0xb0: {  	[dreg:$0x4] =	wrdreg $0x9  }
0xb1: {  	_ =	task.clear_ibuf [dreg:s6], $0x5FFFF;
	_ =	strace $0x9000004C  }
0xb2: {  	s29 =	simm.s32 $0x9;
	_ =	strace $0x8000004E  }
0xb3: {  	_ =	swait.ge [sflag:s29], $0x1  }
0xb4: {  	[sflag:s29] =	ssyncadd.s32 $0xFFFFFFFF  }
0xb5: {  	_ =	strace $0x9000004E  }
0xb6: {  	_ =	sfence  }
0xb7: {  	s30 =	sld [smem:$0x0];
	_ =	sdelay $0x2  }
0xb8: {  	s31 =	sshll.u32 s1, $0xD;
	s1 =	sshrl.u32 s1, $0x2  }
0xb9: {  	s3 =	sand.u32 $0x4000, s31;
	s1 =	sadd.s32 s1, s30  }
0xba: {  	s0 =	sor.u32 s3, s0;
	s1 =	sshll.u32 s1, $0x11  }
0xbb: {  	s0 =	sor.u32 s1, s0  }
0xbc: {  	s0 =	sadd.s32 $0x8F2B, s0  }
0xbd: {  	[sflag:s0] =	ssyncadd.remote.s32 $0x1  }
0xbe: {  	_ =	sfence.sel $0xFFFF  }
0xbf: {  	[dreg:$0x0] =	wrdreg $0xFFFFFFFF;
	(pc) =	sbr.abs _section_cstart, $3  }
0xc0: {  	[dreg:$0x1] =	wrdreg $0xFFFFFFFF  }
0xc1: {  	_ =	task.clear_ibuf [dreg:s6], $0x2FFFF;
	_ =	strace $0x9FFFFFFF  }
0xc2: {  	(tm) =	ssettm $0x7FFFFFFF  }
0xc3: {  	_ =	shalt  }
tec
execute0_lowered:
.L_overlay_start_1:
0x0: {  	(tag) =	ssettag $0x1  }
0x1: {  	s0 =	srdreg.scid;
	s5 =	rddreg [dreg:$0x0]  }
0x2: {  	s2 =	rddreg [dreg:$0x1];
	s1 =	stileid.u32  }
0x3: {  	s3 =	simm.s32 $0x0;
	s17 =	simm.s32 $0x2780;
	s18 =	simm.s32 $0x6780  }
0x4: {  	s19 =	simm.s32 $0x3;
	s20 =	simm.s32 $0x1;
	s21 =	simm.s32 $0x2  }
0x5: {  	s22 =	simm.s32 $0x50;
	s23 =	simm.s32 $0x8F80;
	s24 =	simm.s32 $0x6580  }
0x6: {  	s6 =	sand.u32 $0x1, s0;
	s0 =	rddreg [dreg:$0x2];
	s9 =	smul.u32 $0x2800, s1  }
0x7: {  	s25 =	simm.s32 $0x0;
	[smem:$0x7FF] =	sst s3;
	s11 =	smul.u32 $0x50000, s1  }
0x8: {  	s4 =	sshll.u32 s6, $0x4;
	_ =	strace $0x8000004D;
	s10 =	smul.u32 $0x28000, s6  }
0x9: {  	s6 =	ssub.s32 $0x2, s6;
	s7 =	sor.u32 s1, s4;
	s4 =	sadd.s32 $0x6FA00, s5  }
0xa: {  	s30 =	sshrl.u32 s6, $0x1;
	s31 =	sshrl.u32 s11, $0x2;
	s8 =	smul.u32 $0x4E2, s7  }
0xb: {  	s7 =	sshll.u32 s7, $0xB;
	s9 =	sadd.s32 s9, s10;
	s16 =	ssub.s32 s6, s30  }
0xc: {  	s7 =	sadd.s32 s7, s5;
	s15 =	sadd.s32 s9, s5;
	s16 =	smax.u32 s16, $0x1  }
0xd: {  	s8 =	sadd.s32 s8, s5;
	s6 =	sadd.s32 $0xFA00, s7;
	s7 =	sadd.s32 s31, s2  }
0xe: {  	s15 =	sadd.s32 $0x96C00, s15;
	s5 =	sadd.s32 $0x5C00, s8;
	s8 =	sadd.s32 $0x2800, s7  }
0xf: {  	s9 =	sadd.s32 $0x5000, s7;
	s10 =	sadd.s32 $0x7800, s7;
	s11 =	sadd.s32 $0xA000, s7  }
0x10: {  	v0 =	vimm.f32 $0.0e+00;
	s12 =	sadd.s32 $0xC800, s7;
	s13 =	sadd.s32 $0xF000, s7;
	s14 =	sadd.s32 $0x11800, s7  }
.LBB2_1:
0x11: {  	[tilespmem:s3], [sflag:$0x1] =	stream.linear.gather [hbm4b:s5+s3], $0x2710, $0x38;
	[tilespmem:$0x1F780] =	vst v63  }
0x12: {  	s26 =	simm.s32 $0x0;
	s28 =	simm.s32 $0x200  }
0x13: {  	[tilespmem:s17], [sflag:$0x2] =	stream.linear.gather [hbm4b:s6+s3], $0x3E80, $0x38;
	[tilespmem:$0x1F780] =	vst v63  }
.LBB2_2:
0x14: {  	p0 =	sne.s32 s28, $0x9E00;
	[tilespmem:s26+$0x67F0] =	vst v0  }
0x15: {  	[tilespmem:s26+$0x6780] =	vst v0  }
0x16: {  	[tilespmem:s26+$0x6790] =	vst v0  }
.Ltmp0:
0x17: {  	[tilespmem:s26+$0x67A0] =	vst v0;
	(pc) =	sbr.rel @p0 .LBB2_2-.Ltmp0, $4  }
0x18: {  	[tilespmem:s26+$0x67B0] =	vst v0  }
0x19: {  	[tilespmem:s26+$0x67C0] =	vst v0  }
0x1a: {  	[tilespmem:s26+$0x67D0] =	vst v0  }
0x1b: {  	[tilespmem:s26+$0x67E0] =	vst v0;
	s26 =	sshra.s32 s28, $0x2;
	s28 =	sadd.s32 $0x200, s28  }
0x1c: {  	[tilespmem:s26+$0x67F0] =	vst v0  }
0x1d: {  	[tilespmem:s26+$0x6780] =	vst v0  }
0x1e: {  	[tilespmem:s26+$0x6790] =	vst v0  }
0x1f: {  	[tilespmem:s26+$0x67A0] =	vst v0  }
0x20: {  	[tilespmem:s26+$0x67B0] =	vst v0  }
0x21: {  	[tilespmem:s26+$0x67C0] =	vst v0  }
0x22: {  	[tilespmem:s26+$0x67D0] =	vst v0  }
0x23: {  	[tilespmem:s26+$0x67E0] =	vst v0  }
0x24: {  	[spmem:s7] =	stream.linear.scatter [tilespmem:s18], [sflag:$0x3], $0x2800, $0x38;
	[tilespmem:$0x1F780] =	vst v63  }
0x25: {  	_ =	swait.ge [sflag:s19], $0x2800  }
0x26: {  	[sflag:s19] =	ssyncset.done $0x0  }
0x27: {  	[sflag:s19] =	ssyncadd.s32 $0xFFFFD800  }
0x28: {  	[spmem:s8] =	stream.linear.scatter [tilespmem:s18], [sflag:$0x3], $0x2800, $0x38;
	[tilespmem:$0x1F780] =	vst v63  }
0x29: {  	_ =	swait.ge [sflag:s19], $0x2800  }
0x2a: {  	[sflag:s19] =	ssyncset.done $0x0  }
0x2b: {  	[sflag:s19] =	ssyncadd.s32 $0xFFFFD800  }
0x2c: {  	[spmem:s9] =	stream.linear.scatter [tilespmem:s18], [sflag:$0x3], $0x2800, $0x38;
	[tilespmem:$0x1F780] =	vst v63  }
0x2d: {  	_ =	swait.ge [sflag:s19], $0x2800  }
0x2e: {  	[sflag:s19] =	ssyncset.done $0x0  }
0x2f: {  	[sflag:s19] =	ssyncadd.s32 $0xFFFFD800  }
0x30: {  	[spmem:s10] =	stream.linear.scatter [tilespmem:s18], [sflag:$0x3], $0x2800, $0x38;
	[tilespmem:$0x1F780] =	vst v63  }
0x31: {  	_ =	swait.ge [sflag:s19], $0x2800  }
0x32: {  	[sflag:s19] =	ssyncset.done $0x0  }
0x33: {  	[sflag:s19] =	ssyncadd.s32 $0xFFFFD800  }
0x34: {  	[spmem:s11] =	stream.linear.scatter [tilespmem:s18], [sflag:$0x3], $0x2800, $0x38;
	[tilespmem:$0x1F780] =	vst v63  }
0x35: {  	_ =	swait.ge [sflag:s19], $0x2800  }
0x36: {  	[sflag:s19] =	ssyncset.done $0x0  }
0x37: {  	[sflag:s19] =	ssyncadd.s32 $0xFFFFD800  }
0x38: {  	[spmem:s12] =	stream.linear.scatter [tilespmem:s18], [sflag:$0x3], $0x2800, $0x38;
	[tilespmem:$0x1F780] =	vst v63  }
0x39: {  	_ =	swait.ge [sflag:s19], $0x2800  }
0x3a: {  	[sflag:s19] =	ssyncset.done $0x0  }
0x3b: {  	[sflag:s19] =	ssyncadd.s32 $0xFFFFD800  }
0x3c: {  	[spmem:s13] =	stream.linear.scatter [tilespmem:s18], [sflag:$0x3], $0x2800, $0x38;
	[tilespmem:$0x1F780] =	vst v63  }
0x3d: {  	_ =	swait.ge [sflag:s19], $0x2800  }
0x3e: {  	[sflag:s19] =	ssyncset.done $0x0  }
0x3f: {  	[sflag:s19] =	ssyncadd.s32 $0xFFFFD800  }
0x40: {  	[spmem:s14] =	stream.linear.scatter [tilespmem:s18], [sflag:$0x3], $0x2800, $0x38;
	[tilespmem:$0x1F780] =	vst v63  }
0x41: {  	_ =	swait.ge [sflag:s19], $0x2800  }
0x42: {  	[sflag:s19] =	ssyncset.done $0x0  }
0x43: {  	[sflag:s19] =	ssyncadd.s32 $0xFFFFD800  }
0x44: {  	_ =	swait.ge [sflag:s20], $0x2710  }
0x45: {  	[sflag:s20] =	ssyncset.done $0x0  }
0x46: {  	[sflag:s20] =	ssyncadd.s32 $0xFFFFD8F0  }
0x47: {  	_ =	swait.ge [sflag:s21], $0x3E80  }
0x48: {  	[sflag:s21] =	ssyncset.done $0x0  }
0x49: {  	[sflag:s21] =	ssyncadd.s32 $0xFFFFC180  }
0x4a: {  	s31 =	simm.s32 $0x0;
	[bflag:$0x0] =	sbarrier.arrive $0xFFFF  }
0x4b: {  	[tilespmem:s18], [sflag:$0x1] =	stream.indirect.gather [hbm4b:s4+s22], $0x80, s31, s22, $0xb8;
	[tilespmem:$0x1F780] =	vst v63  }
0x4c: {  	s30 =	simm.s32 $0x50  }
0x4d: {  	[tilespmem:s23], [sflag:$0x2] =	stream.indirect.gather [hbm4b:s4+s22], $0x80, s30, s22, $0xb8;
	[tilespmem:$0x1F780] =	vst v63  }
0x4e: {  	_ =	swait.ge [sflag:s20], $0x2800  }
0x4f: {  	[sflag:s20] =	ssyncset.done $0x0  }
0x50: {  	s31 =	simm.s32 $0x2780;
	[sflag:s20] =	ssyncadd.s32 $0xFFFFD800  }
0x51: {  	[spmem:s2] =	stream.indirect.scatter.add.f32 [tilespmem:s18], [sflag:$0x3], $0x80, s31, s22, $0xb8;
	[tilespmem:$0x1F780] =	vst v63  }
0x52: {  	_ =	swait.ge [sflag:s19], $0x2800  }
0x53: {  	[sflag:s19] =	ssyncset.done $0x0  }
0x54: {  	s30 =	simm.s32 $0xA0;
	[sflag:s19] =	ssyncadd.s32 $0xFFFFD800  }
0x55: {  	[tilespmem:s18], [sflag:$0x1] =	stream.indirect.gather [hbm4b:s4+s22], $0x80, s30, s22, $0xb8;
	[tilespmem:$0x1F780] =	vst v63  }
0x56: {  	_ =	swait.ge [sflag:s21], $0x2800  }
0x57: {  	[sflag:s21] =	ssyncset.done $0x0  }
0x58: {  	s31 =	simm.s32 $0x2800;
	[sflag:s21] =	ssyncadd.s32 $0xFFFFD800  }
0x59: {  	[spmem:s2] =	stream.indirect.scatter.add.f32 [tilespmem:s23], [sflag:$0x3], $0x80, s31, s22, $0xb8;
	[tilespmem:$0x1F780] =	vst v63  }
0x5a: {  	s28 =	simm.s32 $0x400;
	_ =	swait.ge [sflag:s19], $0x2800  }
0x5b: {  	s29 =	simm.s32 $0x800;
	s26 =	simm.s32 $0x140;
	[sflag:s19] =	ssyncset.done $0x0  }
.LBB2_4:
0x5c: {  	p0 =	sne.s32 s29, $0xF400;
	s30 =	sadd.s32 $0xFFFFFFB0, s26;
	[sflag:s19] =	ssyncadd.s32 $0xFFFFD800  }
0x5d: {  	[tilespmem:s23], [sflag:$0x2] =	stream.indirect.gather [hbm4b:s4+s22], $0x80, s30, s22, $0xb8;
	[tilespmem:$0x1F780] =	vst v63  }
0x5e: {  	s30 =	smov.u32 s29;
	s29 =	sadd.s32 $0x400, s29;
	_ =	swait.ge [sflag:s20], $0x2800  }
0x5f: {  	s31 =	sshra.s32 s28, $0x2;
	s28 =	smov.u32 s30;
	[sflag:s20] =	ssyncset.done $0x0  }
0x60: {  	s30 =	sadd.s32 $0x2780, s31;
	[sflag:s20] =	ssyncadd.s32 $0xFFFFD800  }
0x61: {  	[spmem:s2] =	stream.indirect.scatter.add.f32 [tilespmem:s18], [sflag:$0x3], $0x80, s30, s22, $0xb8;
	[tilespmem:$0x1F780] =	vst v63  }
0x62: {  	_ =	swait.ge [sflag:s19], $0x2800  }
0x63: {  	[sflag:s19] =	ssyncset.done $0x0  }
0x64: {  	[sflag:s19] =	ssyncadd.s32 $0xFFFFD800  }
0x65: {  	[tilespmem:s18], [sflag:$0x1] =	stream.indirect.gather [hbm4b:s4+s22], $0x80, s26, s22, $0xb8;
	[tilespmem:$0x1F780] =	vst v63  }
0x66: {  	_ =	swait.ge [sflag:s21], $0x2800  }
.Ltmp1:
0x67: {  	[sflag:s21] =	ssyncset.done $0x0;
	(pc) =	sbr.rel @p0 .LBB2_4-.Ltmp1, $4  }
0x68: {  	s30 =	sadd.s32 $0x2800, s31;
	[sflag:s21] =	ssyncadd.s32 $0xFFFFD800  }
0x69: {  	[spmem:s2] =	stream.indirect.scatter.add.f32 [tilespmem:s23], [sflag:$0x3], $0x80, s30, s22, $0xb8;
	[tilespmem:$0x1F780] =	vst v63  }
0x6a: {  	_ =	swait.ge [sflag:s19], $0x2800  }
0x6b: {  	s26 =	sadd.s32 $0xA0, s26;
	[sflag:s19] =	ssyncset.done $0x0  }
0x6c: {  	s29 =	sadd.s32 $0xFFFFFFB0, s26;
	[sflag:s19] =	ssyncadd.s32 $0xFFFFD800  }
0x6d: {  	[tilespmem:s23], [sflag:$0x2] =	stream.indirect.gather [hbm4b:s4+s22], $0x80, s29, s22, $0xb8;
	[tilespmem:$0x1F780] =	vst v63  }
0x6e: {  	_ =	swait.ge [sflag:s20], $0x2800  }
0x6f: {  	s28 =	sshra.s32 s28, $0x2;
	[sflag:s20] =	ssyncset.done $0x0  }
0x70: {  	s31 =	sadd.s32 $0x2780, s28;
	[sflag:s20] =	ssyncadd.s32 $0xFFFFD800  }
0x71: {  	[spmem:s2] =	stream.indirect.scatter.add.f32 [tilespmem:s18], [sflag:$0x3], $0x80, s31, s22, $0xb8;
	[tilespmem:$0x1F780] =	vst v63  }
0x72: {  	_ =	swait.ge [sflag:s19], $0x2800  }
0x73: {  	[sflag:s19] =	ssyncset.done $0x0  }
0x74: {  	[sflag:s19] =	ssyncadd.s32 $0xFFFFD800  }
0x75: {  	[tilespmem:s18], [sflag:$0x1] =	stream.indirect.gather [hbm4b:s4+s22], $0x80, s26, s22, $0xb8;
	[tilespmem:$0x1F780] =	vst v63  }
0x76: {  	_ =	swait.ge [sflag:s21], $0x2800  }
0x77: {  	[sflag:s21] =	ssyncset.done $0x0  }
0x78: {  	s29 =	sadd.s32 $0x2800, s28;
	[sflag:s21] =	ssyncadd.s32 $0xFFFFD800  }
0x79: {  	[spmem:s2] =	stream.indirect.scatter.add.f32 [tilespmem:s23], [sflag:$0x3], $0x80, s29, s22, $0xb8;
	[tilespmem:$0x1F780] =	vst v63  }
0x7a: {  	_ =	swait.ge [sflag:s19], $0x2800  }
0x7b: {  	[sflag:s19] =	ssyncset.done $0x0  }
0x7c: {  	[sflag:s19] =	ssyncadd.s32 $0xFFFFD800  }
0x7d: {  	_ =	swait.ge [sflag:s20], $0x2800  }
0x7e: {  	[sflag:s20] =	ssyncset.done $0x0  }
0x7f: {  	[sflag:s20] =	ssyncadd.s32 $0xFFFFD800  }
0x80: {  	[spmem:s2] =	stream.indirect.scatter.add.f32 [tilespmem:s18], [sflag:$0x3], $0x80, s24, s22, $0xb8;
	[tilespmem:$0x1F780] =	vst v63  }
0x81: {  	_ =	swait.ge [sflag:s19], $0x2800  }
0x82: {  	s30 =	sshll.u32 s1, $0x6;
	s25 =	sadd.s32 $0x1, s25;
	[sflag:s19] =	ssyncset.done $0x0  }
0x83: {  	p0 =	sne.s32 s25, s16;
	s31 =	sshrl.u32 s7, $0x3;
	[sflag:s19] =	ssyncadd.s32 $0xFFFFD800  }
.Ltmp2:
0x84: {  	s26 =	sor.u32 $0x1C03, s30;
	[bflag:$0x0] =	sbarrier.arrive $0xFFFF;
	(pc) =	sbr.rel @p0 .LBB2_1-.Ltmp2, $4  }
0x85: {  	[hbm:s15], [sflag:s26] =	dma.local [spmem:s31], $0x2800  }
0x86: {  	_ =	swait.ge [sflag:s19], $0x2800  }
0x87: {  	[sflag:s19] =	ssyncset.done $0x0  }
0x88: {  	[sflag:s19] =	ssyncadd.s32 $0xFFFFD800  }
0x89: {  	_ =	sfence.sel $0x180000  }
0x8a: {  	[bflag:$0x0] =	sbarrier.arrive $0xFFFF  }
0x8b: {  	p0 =	sne.s32 s1, $0x0;
	_ =	strace $0x9000004D  }
0x8c: {  	s0 =	sadd.s32 @!p0 $0x100000, s0;
	[bflag:$0x2] =	sbarrier.arrive $0xFFFF  }
0x8d: {  	[sflag:s0] =	ssyncadd.tile.s32 @!p0 $0x1;
	_ =	shalt  }
.Lfunc_end2:
_tile_overlayer_lowered:
.L_overlay_start_2:
0x8e: {  	(tag) =	ssettag $0x2  }
0x8f: {  	s0 =	rddreg [dreg:$0x0];
	s2 =	stileid.u32  }
0x90: {  	s1 =	rddreg [dreg:$0x1];
	p0 =	sne.s32 s2, $0x0  }
0x91: {  	s3 =	rddreg [dreg:$0x2];
	[bflag:$0x3] =	sbarrier.arrive $0xFFFF;
	s2 =	simm.s32 @!p0 $0x1C03  }
0x92: {  	[timem:s3], [sflag:s2] =	dma.local @!p0 [hbm:s0], s1  }
0x93: {  	s0 =	simm.s32 @!p0 $0x3  }
0x94: {  	_ =	swait.ge @!p0 [sflag:s0], s1  }
0x95: {  	s1 =	ssub.s32 @!p0 $0x0, s1;
	[sflag:s0] =	ssyncset.done @!p0 $0x0  }
0x96: {  	[sflag:s0] =	ssyncadd.s32 @!p0 s1  }
0x97: {  	[bflag:$0x3] =	sbarrier.arrive $0xFFFF  }
0x98: {  	_ =	shalt  }

// kernel: kernel.19.cloned.1.call-start
scs
__scs_entry_jumppad:
0x0: {  	(pc) =	sbr.rel $0x88, $3  }
0x1: {  	(tag) =	ssettag $0x0;
	lr =	simm.s32 $0x1  }
0x2: {  	[smem:$0x3F86] =	sst lr;
	_ =	strace $0xD0000000  }
0x3: {  	_ = 	snop  }
0x4: {  	_ = 	snop  }
0x5: {  	_ = 	snop  }
0x6: {  	_ = 	snop  }
0x7: {  	_ = 	snop  }
__scs_overlays_trampoline_lowered:
0x8: {  	[smem:$0x3F95] =	sst s0  }
0x9: {  	[smem:$0x3F96] =	sst s1  }
0xa: {  	[smem:$0x3F97] =	sst s2  }
0xb: {  	[smem:$0x3F98] =	sst s3  }
0xc: {  	[smem:$0x3F99] =	sst s4  }
0xd: {  	[smem:$0x3F9A] =	sst s5  }
0xe: {  	[smem:$0x3F9B] =	sst s6  }
0xf: {  	[smem:$0x3F9C] =	sst s7  }
0x10: {  	[smem:$0x3F9D] =	sst s8  }
0x11: {  	[smem:$0x3F9E] =	sst s9;
	s0 =	simm.s32 @!p0 $0x0  }
0x12: {  	s1 =	sld [smem:$0x3F84];
	s0 =	simm.s32 @p0 $0x1  }
0x13: {  	[smem:$0x3F9F] =	sst s0;
	s0 =	simm.s32 @!p1 $0x0  }
0x14: {  	s2 =	sld [smem:$0x3F83];
	s0 =	simm.s32 @p1 $0x1  }
0x15: {  	[smem:$0x3FA0] =	sst s0;
	s0 =	simm.s32 @!p2 $0x0  }
0x16: {  	s3 =	sld [smem:$0x3FDB];
	s0 =	simm.s32 @p2 $0x1  }
0x17: {  	s4 =	simm.s32 $0x1BF5;
	[smem:$0x3FA2] =	sst s0  }
0x18: {  	s0 =	sld [smem:$0x3F85];
	_ =	swait.ge [sflag:s4], $0x0  }
0x19: {  	s7 =	sld [smem:$0x3F86]  }
0x1a: {  	s8 =	sadd.s32 $0xFFFFE003, lr  }
0x1b: {  	s9 =	sadd.s32 $0xFFFFFEF7, lr;
	s5 =	simm.s32 $0xFFFFFFFF;
	p2 =	slt.u32 s8, $0xFFFFF086  }
0x1c: {  	p1 =	slt.u32 s9, $0xF7A;
	s5 =	simm.s32 @!p2 $0x0  }
0x1d: {  	s5 =	simm.s32 @p1 $0x1;
	p0 =	seq.s32 s7, s2  }
0x1e: {  	s7 =	smul.u32 @!p0 $0xF7A, s2;
	p2 =	seq.s32 @!p0 s5, $0x0  }
0x1f: {  	s9 =	smul.u32 $0xF7A, s1;
	s8 =	simm.s32 @!p0 $0x1BF5;
	p2 =	por !p2, p0  }
0x20: {  	[sflag:s8] =	ssyncset.s32 @!p0 $0xFFFFF086;
	s6 =	sadd.s32 @!p0 s3, s7;
	s7 =	simm.s32 @!p0 $0x108  }
0x21: {  	s3 =	sadd.s32 s3, s9;
	s6 =	sadd.s32 @!p0 $0x88, s6;
	s7 =	simm.s32 @p2 $0x1082  }
0x22: {  	[simem:s7], [sflag:s8] =	dma.local @!p0 [hbm:s6], $0xF7A  }
0x23: {  	s9 =	sor.u32 $0xD0000000, s2;
	s6 =	simm.s32 $0x108;
	_ =	swait.ge @!p0 [sflag:s8], $0x0  }
0x24: {  	s3 =	sadd.s32 $0x88, s3;
	s6 =	simm.s32 @!p1 $0x1082;
	[sflag:s4] =	ssyncset.s32 $0xFFFFF086  }
0x25: {  	[simem:s6], [sflag:s4] =	dma.local [hbm:s3], $0xF7A  }
0x26: {  	[smem:$0x3F86] =	sst s1;
	(tag) =	ssettag s2;
	_ =	strace s9  }
0x27: {  	s1 =	sld [smem:$0x3F96]  }
0x28: {  	s2 =	sld [smem:$0x3F97]  }
0x29: {  	s4 =	sld [smem:$0x3F99]  }
0x2a: {  	p0 =	seq.s32 s5, $0x0;
	s5 =	sld [smem:$0x3F9A]  }
0x2b: {  	s6 =	sld [smem:$0x3F9B]  }
0x2c: {  	s7 =	sld [smem:$0x3F9C]  }
0x2d: {  	s3 =	simm.s32 $0x108;
	s8 =	sld [smem:$0x3F9D]  }
0x2e: {  	s3 =	simm.s32 @!p0 $0x1082;
	s9 =	sld [smem:$0x3F9E]  }
0x2f: {  	lr =	sadd.s32 s0, s3;
	s0 =	sld [smem:$0x3F95]  }
0x30: {  	s3 =	sld [smem:$0x3F98]  }
0x31: {  	[smem:$0x3FA1] =	sst s10  }
0x32: {  	s10 =	sld [smem:$0x3F9F];
	_ =	sdelay $0x3  }
0x33: {  	p0 =	seq.s32 s10, $0x1;
	s10 =	sld [smem:$0x3FA1];
	_ =	sdelay $0x3  }
0x34: {  	[smem:$0x3FA1] =	sst s10  }
0x35: {  	s10 =	sld [smem:$0x3FA0];
	_ =	sdelay $0x3  }
0x36: {  	p1 =	seq.s32 s10, $0x1;
	s10 =	sld [smem:$0x3FA1];
	_ =	sdelay $0x3  }
0x37: {  	[smem:$0x3FA1] =	sst s10  }
0x38: {  	s10 =	sld [smem:$0x3FA2]  }
0x39: {  	_ = 	snop;
	(pc) =	sbr.ind lr, $3  }
0x3a: {  	_ = 	snop  }
0x3b: {  	_ = 	snop  }
0x3c: {  	p2 =	seq.s32 s10, $0x1;
	s10 =	sld [smem:$0x3FA1]  }
0x3d: {  	_ =	shalt  }
0x3e: {  	_ =	shalt  }
0x3f: {  	_ =	shalt  }
0x40: {  	_ =	shalt  }
0x41: {  	_ =	shalt  }
0x42: {  	_ =	shalt  }
0x43: {  	_ =	shalt  }
0x44: {  	_ =	shalt  }
0x45: {  	_ =	shalt  }
0x46: {  	_ =	shalt  }
0x47: {  	_ =	shalt  }
0x48: {  	_ =	shalt  }
0x49: {  	_ =	shalt  }
0x4a: {  	_ =	shalt  }
0x4b: {  	_ =	shalt  }
0x4c: {  	_ =	shalt  }
0x4d: {  	_ =	shalt  }
0x4e: {  	_ =	shalt  }
0x4f: {  	_ =	shalt  }
0x50: {  	_ =	shalt  }
0x51: {  	_ =	shalt  }
0x52: {  	_ =	shalt  }
0x53: {  	_ =	shalt  }
0x54: {  	_ =	shalt  }
0x55: {  	_ =	shalt  }
0x56: {  	_ =	shalt  }
0x57: {  	_ =	shalt  }
0x58: {  	_ =	shalt  }
0x59: {  	_ =	shalt  }
0x5a: {  	_ =	shalt  }
0x5b: {  	_ =	shalt  }
0x5c: {  	_ =	shalt  }
0x5d: {  	_ =	shalt  }
0x5e: {  	_ =	shalt  }
0x5f: {  	_ =	shalt  }
0x60: {  	_ =	shalt  }
0x61: {  	_ =	shalt  }
0x62: {  	_ =	shalt  }
0x63: {  	_ =	shalt  }
0x64: {  	_ =	shalt  }
0x65: {  	_ =	shalt  }
0x66: {  	_ =	shalt  }
0x67: {  	_ =	shalt  }
0x68: {  	_ =	shalt  }
0x69: {  	_ =	shalt  }
0x6a: {  	_ =	shalt  }
0x6b: {  	_ =	shalt  }
0x6c: {  	_ =	shalt  }
0x6d: {  	_ =	shalt  }
0x6e: {  	_ =	shalt  }
0x6f: {  	_ =	shalt  }
0x70: {  	_ =	shalt  }
0x71: {  	_ =	shalt  }
0x72: {  	_ =	shalt  }
0x73: {  	_ =	shalt  }
0x74: {  	_ =	shalt  }
0x75: {  	_ =	shalt  }
0x76: {  	_ =	shalt  }
0x77: {  	_ =	shalt  }
0x78: {  	_ =	shalt  }
0x79: {  	_ =	shalt  }
0x7a: {  	_ =	shalt  }
0x7b: {  	_ =	shalt  }
0x7c: {  	_ =	shalt  }
0x7d: {  	_ =	shalt  }
0x7e: {  	_ =	shalt  }
0x7f: {  	_ =	shalt  }
0x80: {  	_ =	shalt  }
0x81: {  	_ =	shalt  }
0x82: {  	_ =	shalt  }
0x83: {  	_ =	shalt  }
0x84: {  	_ =	shalt  }
0x85: {  	_ =	shalt  }
0x86: {  	_ =	shalt  }
0x87: {  	_ =	shalt  }
.Lfunc_end0:
.L_simem_size_0:
called_computation.3_lowered:
.L_overlay_start_0:
0x88: {  	s2 =	sld [smem:$0x3FD9]  }
0x89: {  	s3 =	sld [smem:$0x3FFE];
	_ =	sdelay $0x1  }
0x8a: {  	s1 =	srdreg.scid  }
0x8b: {  	s0 =	sand.u32 $0x1, s1  }
0x8c: {  	s16 =	sshll.u32 s0, $0xA;
	s2 =	sadd.s32 s3, s2  }
0x8d: {  	s2 =	sadd.s32 s2, s16  }
0x8e: {  	[smem:$0x3FAD] =	sst s2  }
0x8f: {  	_ = 	snop  }
0x90: {  	(tm) =	ssettm $0x1  }
0x91: {  	s17 =	sld [smem:$0x3FFB];
	_ =	sdelay $0x3  }
0x92: {  	_ =	strace s17  }
0x93: {  	s2 =	sld [smem:$0x3FFC];
	_ =	sdelay $0x3  }
0x94: {  	_ =	strace s2  }
0x95: {  	s2 =	sld [smem:$0x3FFD];
	_ =	sdelay $0x3  }
0x96: {  	_ =	strace s2  }
0x97: {  	_ =	strace $0x8FFFFFFF  }
0x98: {  	s18 =	sld [smem:$0x3FDB];
	_ =	sdelay $0x1  }
0x99: {  	s19 =	simm.s32 $_scs_section_size  }
0x9a: {  	s4 =	simm.s32 $_size__tile_overlayer_lowered;
	s5 =	simm.s32 $_tile_overlayer_lowered  }
0x9b: {  	s22 =	simm.s32 $0x1BFF;
	s21 =	sshll.u32 s5, $0x1;
	s2 =	sadd.s32 s19, s18  }
0x9c: {  	s6 =	simm.s32 $0x0;
	s20 =	sshll.u32 s4, $0x1;
	s4 =	sadd.s32 s21, s2  }
0x9d: {  	[timem:s6], [sflag:s22] =	dma.local [hbm:s4], s20  }
0x9e: {  	_ =	swait.ge [sflag:s22], s20  }
0x9f: {  	s3 =	ssub.s32 $0x0, s20;
	[sflag:s22] =	ssyncset.done $0x0  }
0xa0: {  	[sflag:s22] =	ssyncadd.s32 s3;
	_ =	sdelay $0x1  }
0xa1: {  	s23 =	simm.s32 $0x1B8B  }
0xa2: {  	_ =	swait.ge [sflag:s23], $0x1  }
0xa3: {  	[sflag:s23] =	ssyncset.done $0x0  }
0xa4: {  	s25 =	simm.s32 $0x1B8E;
	s24 =	sld [smem:$0x3FFE];
	[sflag:s23] =	ssyncadd.s32 $0xFFFFFFFF  }
0xa5: {  	s26 =	simm.s32 $execute0_lowered;
	[smem:$0x3FD2] =	sst s25  }
0xa6: {  	s4 =	sshll.u32 s26, $0x1;
	_ =	strace $0x8000004F;
	[dreg:$0x1] =	wrdreg $0xFFFFFFFF  }
0xa7: {  	s28 =	simm.s32 $_size_execute0_lowered;
	s2 =	sadd.s32 s2, s4;
	[dreg:$0x0] =	wrdreg $0x0  }
0xa8: {  	s4 =	sshll.u32 s28, $0x1;
	[dreg:$0x2] =	wrdreg s2  }
0xa9: {  	[dreg:$0x3] =	wrdreg s4  }
0xaa: {  	[dreg:$0x4] =	wrdreg $0xC0  }
0xab: {  	_ =	task [dreg:s6], $0x5FFFF  }
0xac: {  	[dreg:$0x1] =	wrdreg $0xFFFFFFFF  }
0xad: {  	[dreg:$0x0] =	wrdreg $0x60  }
0xae: {  	[dreg:$0x2] =	wrdreg s24  }
0xaf: {  	[dreg:$0x3] =	wrdreg $0xB7800  }
0xb0: {  	[dreg:$0x4] =	wrdreg $0x9  }
0xb1: {  	_ =	task.clear_ibuf [dreg:s6], $0x5FFFF;
	_ =	strace $0x9000004F  }
0xb2: {  	s29 =	simm.s32 $0x9;
	_ =	strace $0x80000051  }
0xb3: {  	_ =	swait.ge [sflag:s29], $0x1  }
0xb4: {  	[sflag:s29] =	ssyncadd.s32 $0xFFFFFFFF  }
0xb5: {  	_ =	strace $0x90000051  }
0xb6: {  	_ =	sfence  }
0xb7: {  	s30 =	sld [smem:$0x0];
	_ =	sdelay $0x2  }
0xb8: {  	s31 =	sshll.u32 s1, $0xD;
	s1 =	sshrl.u32 s1, $0x2  }
0xb9: {  	s3 =	sand.u32 $0x4000, s31;
	s1 =	sadd.s32 s1, s30  }
0xba: {  	s0 =	sor.u32 s3, s0;
	s1 =	sshll.u32 s1, $0x11  }
0xbb: {  	s0 =	sor.u32 s1, s0  }
0xbc: {  	s0 =	sadd.s32 $0x8F2B, s0  }
0xbd: {  	[sflag:s0] =	ssyncadd.remote.s32 $0x1  }
0xbe: {  	_ =	sfence.sel $0xFFFF  }
0xbf: {  	[dreg:$0x0] =	wrdreg $0xFFFFFFFF;
	(pc) =	sbr.abs _section_cstart, $3  }
0xc0: {  	[dreg:$0x1] =	wrdreg $0xFFFFFFFF  }
0xc1: {  	_ =	task.clear_ibuf [dreg:s6], $0x2FFFF;
	_ =	strace $0x9FFFFFFF  }
0xc2: {  	(tm) =	ssettm $0x7FFFFFFF  }
0xc3: {  	_ =	shalt  }
tec
execute0_lowered:
.L_overlay_start_1:
0x0: {  	(tag) =	ssettag $0x1  }
0x1: {  	s0 =	srdreg.scid;
	s5 =	rddreg [dreg:$0x0]  }
0x2: {  	s2 =	rddreg [dreg:$0x1];
	s1 =	stileid.u32  }
0x3: {  	s3 =	simm.s32 $0x0;
	s17 =	simm.s32 $0x2780;
	s18 =	simm.s32 $0x6780  }
0x4: {  	s19 =	simm.s32 $0x3;
	s20 =	simm.s32 $0x1;
	s21 =	simm.s32 $0x2  }
0x5: {  	s22 =	simm.s32 $0x50;
	s23 =	simm.s32 $0x8F80;
	s24 =	simm.s32 $0x6580  }
0x6: {  	s6 =	sand.u32 $0x1, s0;
	s0 =	rddreg [dreg:$0x2];
	s9 =	smul.u32 $0x2800, s1  }
0x7: {  	s25 =	simm.s32 $0x0;
	[smem:$0x7FF] =	sst s3;
	s11 =	smul.u32 $0x50000, s1  }
0x8: {  	s4 =	sshll.u32 s6, $0x4;
	_ =	strace $0x80000050;
	s10 =	smul.u32 $0x28000, s6  }
0x9: {  	s6 =	ssub.s32 $0x2, s6;
	s7 =	sor.u32 s1, s4;
	s4 =	sadd.s32 $0x6FA00, s5  }
0xa: {  	s30 =	sshrl.u32 s6, $0x1;
	s31 =	sshrl.u32 s11, $0x2;
	s8 =	smul.u32 $0x4E2, s7  }
0xb: {  	s7 =	sshll.u32 s7, $0xB;
	s9 =	sadd.s32 s9, s10;
	s16 =	ssub.s32 s6, s30  }
0xc: {  	s7 =	sadd.s32 s7, s5;
	s15 =	sadd.s32 s9, s5;
	s16 =	smax.u32 s16, $0x1  }
0xd: {  	s8 =	sadd.s32 s8, s5;
	s6 =	sadd.s32 $0xFA00, s7;
	s7 =	sadd.s32 s31, s2  }
0xe: {  	s15 =	sadd.s32 $0x96C00, s15;
	s5 =	sadd.s32 $0x5C00, s8;
	s8 =	sadd.s32 $0x2800, s7  }
0xf: {  	s9 =	sadd.s32 $0x5000, s7;
	s10 =	sadd.s32 $0x7800, s7;
	s11 =	sadd.s32 $0xA000, s7  }
0x10: {  	v0 =	vimm.f32 $0.0e+00;
	s12 =	sadd.s32 $0xC800, s7;
	s13 =	sadd.s32 $0xF000, s7;
	s14 =	sadd.s32 $0x11800, s7  }
.LBB2_1:
0x11: {  	[tilespmem:s3], [sflag:$0x1] =	stream.linear.gather [hbm4b:s5+s3], $0x2710, $0x38;
	[tilespmem:$0x1F780] =	vst v63  }
0x12: {  	s26 =	simm.s32 $0x0;
	s28 =	simm.s32 $0x200  }
0x13: {  	[tilespmem:s17], [sflag:$0x2] =	stream.linear.gather [hbm4b:s6+s3], $0x3E80, $0x38;
	[tilespmem:$0x1F780] =	vst v63  }
.LBB2_2:
0x14: {  	p0 =	sne.s32 s28, $0x9E00;
	[tilespmem:s26+$0x67F0] =	vst v0  }
0x15: {  	[tilespmem:s26+$0x6780] =	vst v0  }
0x16: {  	[tilespmem:s26+$0x6790] =	vst v0  }
.Ltmp0:
0x17: {  	[tilespmem:s26+$0x67A0] =	vst v0;
	(pc) =	sbr.rel @p0 .LBB2_2-.Ltmp0, $4  }
0x18: {  	[tilespmem:s26+$0x67B0] =	vst v0  }
0x19: {  	[tilespmem:s26+$0x67C0] =	vst v0  }
0x1a: {  	[tilespmem:s26+$0x67D0] =	vst v0  }
0x1b: {  	[tilespmem:s26+$0x67E0] =	vst v0;
	s26 =	sshra.s32 s28, $0x2;
	s28 =	sadd.s32 $0x200, s28  }
0x1c: {  	[tilespmem:s26+$0x67F0] =	vst v0  }
0x1d: {  	[tilespmem:s26+$0x6780] =	vst v0  }
0x1e: {  	[tilespmem:s26+$0x6790] =	vst v0  }
0x1f: {  	[tilespmem:s26+$0x67A0] =	vst v0  }
0x20: {  	[tilespmem:s26+$0x67B0] =	vst v0  }
0x21: {  	[tilespmem:s26+$0x67C0] =	vst v0  }
0x22: {  	[tilespmem:s26+$0x67D0] =	vst v0  }
0x23: {  	[tilespmem:s26+$0x67E0] =	vst v0  }
0x24: {  	[spmem:s7] =	stream.linear.scatter [tilespmem:s18], [sflag:$0x3], $0x2800, $0x38;
	[tilespmem:$0x1F780] =	vst v63  }
0x25: {  	_ =	swait.ge [sflag:s19], $0x2800  }
0x26: {  	[sflag:s19] =	ssyncset.done $0x0  }
0x27: {  	[sflag:s19] =	ssyncadd.s32 $0xFFFFD800  }
0x28: {  	[spmem:s8] =	stream.linear.scatter [tilespmem:s18], [sflag:$0x3], $0x2800, $0x38;
	[tilespmem:$0x1F780] =	vst v63  }
0x29: {  	_ =	swait.ge [sflag:s19], $0x2800  }
0x2a: {  	[sflag:s19] =	ssyncset.done $0x0  }
0x2b: {  	[sflag:s19] =	ssyncadd.s32 $0xFFFFD800  }
0x2c: {  	[spmem:s9] =	stream.linear.scatter [tilespmem:s18], [sflag:$0x3], $0x2800, $0x38;
	[tilespmem:$0x1F780] =	vst v63  }
0x2d: {  	_ =	swait.ge [sflag:s19], $0x2800  }
0x2e: {  	[sflag:s19] =	ssyncset.done $0x0  }
0x2f: {  	[sflag:s19] =	ssyncadd.s32 $0xFFFFD800  }
0x30: {  	[spmem:s10] =	stream.linear.scatter [tilespmem:s18], [sflag:$0x3], $0x2800, $0x38;
	[tilespmem:$0x1F780] =	vst v63  }
0x31: {  	_ =	swait.ge [sflag:s19], $0x2800  }
0x32: {  	[sflag:s19] =	ssyncset.done $0x0  }
0x33: {  	[sflag:s19] =	ssyncadd.s32 $0xFFFFD800  }
0x34: {  	[spmem:s11] =	stream.linear.scatter [tilespmem:s18], [sflag:$0x3], $0x2800, $0x38;
	[tilespmem:$0x1F780] =	vst v63  }
0x35: {  	_ =	swait.ge [sflag:s19], $0x2800  }
0x36: {  	[sflag:s19] =	ssyncset.done $0x0  }
0x37: {  	[sflag:s19] =	ssyncadd.s32 $0xFFFFD800  }
0x38: {  	[spmem:s12] =	stream.linear.scatter [tilespmem:s18], [sflag:$0x3], $0x2800, $0x38;
	[tilespmem:$0x1F780] =	vst v63  }
0x39: {  	_ =	swait.ge [sflag:s19], $0x2800  }
0x3a: {  	[sflag:s19] =	ssyncset.done $0x0  }
0x3b: {  	[sflag:s19] =	ssyncadd.s32 $0xFFFFD800  }
0x3c: {  	[spmem:s13] =	stream.linear.scatter [tilespmem:s18], [sflag:$0x3], $0x2800, $0x38;
	[tilespmem:$0x1F780] =	vst v63  }
0x3d: {  	_ =	swait.ge [sflag:s19], $0x2800  }
0x3e: {  	[sflag:s19] =	ssyncset.done $0x0  }
0x3f: {  	[sflag:s19] =	ssyncadd.s32 $0xFFFFD800  }
0x40: {  	[spmem:s14] =	stream.linear.scatter [tilespmem:s18], [sflag:$0x3], $0x2800, $0x38;
	[tilespmem:$0x1F780] =	vst v63  }
0x41: {  	_ =	swait.ge [sflag:s19], $0x2800  }
0x42: {  	[sflag:s19] =	ssyncset.done $0x0  }
0x43: {  	[sflag:s19] =	ssyncadd.s32 $0xFFFFD800  }
0x44: {  	_ =	swait.ge [sflag:s20], $0x2710  }
0x45: {  	[sflag:s20] =	ssyncset.done $0x0  }
0x46: {  	[sflag:s20] =	ssyncadd.s32 $0xFFFFD8F0  }
0x47: {  	_ =	swait.ge [sflag:s21], $0x3E80  }
0x48: {  	[sflag:s21] =	ssyncset.done $0x0  }
0x49: {  	[sflag:s21] =	ssyncadd.s32 $0xFFFFC180  }
0x4a: {  	s31 =	simm.s32 $0x0;
	[bflag:$0x0] =	sbarrier.arrive $0xFFFF  }
0x4b: {  	[tilespmem:s18], [sflag:$0x1] =	stream.indirect.gather [hbm4b:s4+s22], $0x80, s31, s22, $0xb8;
	[tilespmem:$0x1F780] =	vst v63  }
0x4c: {  	s30 =	simm.s32 $0x50  }
0x4d: {  	[tilespmem:s23], [sflag:$0x2] =	stream.indirect.gather [hbm4b:s4+s22], $0x80, s30, s22, $0xb8;
	[tilespmem:$0x1F780] =	vst v63  }
0x4e: {  	_ =	swait.ge [sflag:s20], $0x2800  }
0x4f: {  	[sflag:s20] =	ssyncset.done $0x0  }
0x50: {  	s31 =	simm.s32 $0x2780;
	[sflag:s20] =	ssyncadd.s32 $0xFFFFD800  }
0x51: {  	[spmem:s2] =	stream.indirect.scatter.add.f32 [tilespmem:s18], [sflag:$0x3], $0x80, s31, s22, $0xb8;
	[tilespmem:$0x1F780] =	vst v63  }
0x52: {  	_ =	swait.ge [sflag:s19], $0x2800  }
0x53: {  	[sflag:s19] =	ssyncset.done $0x0  }
0x54: {  	s30 =	simm.s32 $0xA0;
	[sflag:s19] =	ssyncadd.s32 $0xFFFFD800  }
0x55: {  	[tilespmem:s18], [sflag:$0x1] =	stream.indirect.gather [hbm4b:s4+s22], $0x80, s30, s22, $0xb8;
	[tilespmem:$0x1F780] =	vst v63  }
0x56: {  	_ =	swait.ge [sflag:s21], $0x2800  }
0x57: {  	[sflag:s21] =	ssyncset.done $0x0  }
0x58: {  	s31 =	simm.s32 $0x2800;
	[sflag:s21] =	ssyncadd.s32 $0xFFFFD800  }
0x59: {  	[spmem:s2] =	stream.indirect.scatter.add.f32 [tilespmem:s23], [sflag:$0x3], $0x80, s31, s22, $0xb8;
	[tilespmem:$0x1F780] =	vst v63  }
0x5a: {  	s28 =	simm.s32 $0x400;
	_ =	swait.ge [sflag:s19], $0x2800  }
0x5b: {  	s29 =	simm.s32 $0x800;
	s26 =	simm.s32 $0x140;
	[sflag:s19] =	ssyncset.done $0x0  }
.LBB2_4:
0x5c: {  	p0 =	sne.s32 s29, $0xF400;
	s30 =	sadd.s32 $0xFFFFFFB0, s26;
	[sflag:s19] =	ssyncadd.s32 $0xFFFFD800  }
0x5d: {  	[tilespmem:s23], [sflag:$0x2] =	stream.indirect.gather [hbm4b:s4+s22], $0x80, s30, s22, $0xb8;
	[tilespmem:$0x1F780] =	vst v63  }
0x5e: {  	s30 =	smov.u32 s29;
	s29 =	sadd.s32 $0x400, s29;
	_ =	swait.ge [sflag:s20], $0x2800  }
0x5f: {  	s31 =	sshra.s32 s28, $0x2;
	s28 =	smov.u32 s30;
	[sflag:s20] =	ssyncset.done $0x0  }
0x60: {  	s30 =	sadd.s32 $0x2780, s31;
	[sflag:s20] =	ssyncadd.s32 $0xFFFFD800  }
0x61: {  	[spmem:s2] =	stream.indirect.scatter.add.f32 [tilespmem:s18], [sflag:$0x3], $0x80, s30, s22, $0xb8;
	[tilespmem:$0x1F780] =	vst v63  }
0x62: {  	_ =	swait.ge [sflag:s19], $0x2800  }
0x63: {  	[sflag:s19] =	ssyncset.done $0x0  }
0x64: {  	[sflag:s19] =	ssyncadd.s32 $0xFFFFD800  }
0x65: {  	[tilespmem:s18], [sflag:$0x1] =	stream.indirect.gather [hbm4b:s4+s22], $0x80, s26, s22, $0xb8;
	[tilespmem:$0x1F780] =	vst v63  }
0x66: {  	_ =	swait.ge [sflag:s21], $0x2800  }
.Ltmp1:
0x67: {  	[sflag:s21] =	ssyncset.done $0x0;
	(pc) =	sbr.rel @p0 .LBB2_4-.Ltmp1, $4  }
0x68: {  	s30 =	sadd.s32 $0x2800, s31;
	[sflag:s21] =	ssyncadd.s32 $0xFFFFD800  }
0x69: {  	[spmem:s2] =	stream.indirect.scatter.add.f32 [tilespmem:s23], [sflag:$0x3], $0x80, s30, s22, $0xb8;
	[tilespmem:$0x1F780] =	vst v63  }
0x6a: {  	_ =	swait.ge [sflag:s19], $0x2800  }
0x6b: {  	s26 =	sadd.s32 $0xA0, s26;
	[sflag:s19] =	ssyncset.done $0x0  }
0x6c: {  	s29 =	sadd.s32 $0xFFFFFFB0, s26;
	[sflag:s19] =	ssyncadd.s32 $0xFFFFD800  }
0x6d: {  	[tilespmem:s23], [sflag:$0x2] =	stream.indirect.gather [hbm4b:s4+s22], $0x80, s29, s22, $0xb8;
	[tilespmem:$0x1F780] =	vst v63  }
0x6e: {  	_ =	swait.ge [sflag:s20], $0x2800  }
0x6f: {  	s28 =	sshra.s32 s28, $0x2;
	[sflag:s20] =	ssyncset.done $0x0  }
0x70: {  	s31 =	sadd.s32 $0x2780, s28;
	[sflag:s20] =	ssyncadd.s32 $0xFFFFD800  }
0x71: {  	[spmem:s2] =	stream.indirect.scatter.add.f32 [tilespmem:s18], [sflag:$0x3], $0x80, s31, s22, $0xb8;
	[tilespmem:$0x1F780] =	vst v63  }
0x72: {  	_ =	swait.ge [sflag:s19], $0x2800  }
0x73: {  	[sflag:s19] =	ssyncset.done $0x0  }
0x74: {  	[sflag:s19] =	ssyncadd.s32 $0xFFFFD800  }
0x75: {  	[tilespmem:s18], [sflag:$0x1] =	stream.indirect.gather [hbm4b:s4+s22], $0x80, s26, s22, $0xb8;
	[tilespmem:$0x1F780] =	vst v63  }
0x76: {  	_ =	swait.ge [sflag:s21], $0x2800  }
0x77: {  	[sflag:s21] =	ssyncset.done $0x0  }
0x78: {  	s29 =	sadd.s32 $0x2800, s28;
	[sflag:s21] =	ssyncadd.s32 $0xFFFFD800  }
0x79: {  	[spmem:s2] =	stream.indirect.scatter.add.f32 [tilespmem:s23], [sflag:$0x3], $0x80, s29, s22, $0xb8;
	[tilespmem:$0x1F780] =	vst v63  }
0x7a: {  	_ =	swait.ge [sflag:s19], $0x2800  }
0x7b: {  	[sflag:s19] =	ssyncset.done $0x0  }
0x7c: {  	[sflag:s19] =	ssyncadd.s32 $0xFFFFD800  }
0x7d: {  	_ =	swait.ge [sflag:s20], $0x2800  }
0x7e: {  	[sflag:s20] =	ssyncset.done $0x0  }
0x7f: {  	[sflag:s20] =	ssyncadd.s32 $0xFFFFD800  }
0x80: {  	[spmem:s2] =	stream.indirect.scatter.add.f32 [tilespmem:s18], [sflag:$0x3], $0x80, s24, s22, $0xb8;
	[tilespmem:$0x1F780] =	vst v63  }
0x81: {  	_ =	swait.ge [sflag:s19], $0x2800  }
0x82: {  	s30 =	sshll.u32 s1, $0x6;
	s25 =	sadd.s32 $0x1, s25;
	[sflag:s19] =	ssyncset.done $0x0  }
0x83: {  	p0 =	sne.s32 s25, s16;
	s31 =	sshrl.u32 s7, $0x3;
	[sflag:s19] =	ssyncadd.s32 $0xFFFFD800  }
.Ltmp2:
0x84: {  	s26 =	sor.u32 $0x1C03, s30;
	[bflag:$0x0] =	sbarrier.arrive $0xFFFF;
	(pc) =	sbr.rel @p0 .LBB2_1-.Ltmp2, $4  }
0x85: {  	[hbm:s15], [sflag:s26] =	dma.local [spmem:s31], $0x2800  }
0x86: {  	_ =	swait.ge [sflag:s19], $0x2800  }
0x87: {  	[sflag:s19] =	ssyncset.done $0x0  }
0x88: {  	[sflag:s19] =	ssyncadd.s32 $0xFFFFD800  }
0x89: {  	_ =	sfence.sel $0x180000  }
0x8a: {  	[bflag:$0x0] =	sbarrier.arrive $0xFFFF  }
0x8b: {  	p0 =	sne.s32 s1, $0x0;
	_ =	strace $0x90000050  }
0x8c: {  	s0 =	sadd.s32 @!p0 $0x100000, s0;
	[bflag:$0x2] =	sbarrier.arrive $0xFFFF  }
0x8d: {  	[sflag:s0] =	ssyncadd.tile.s32 @!p0 $0x1;
	_ =	shalt  }
.Lfunc_end2:
_tile_overlayer_lowered:
.L_overlay_start_2:
0x8e: {  	(tag) =	ssettag $0x2  }
0x8f: {  	s0 =	rddreg [dreg:$0x0];
	s2 =	stileid.u32  }
0x90: {  	s1 =	rddreg [dreg:$0x1];
	p0 =	sne.s32 s2, $0x0  }
0x91: {  	s3 =	rddreg [dreg:$0x2];
	[bflag:$0x3] =	sbarrier.arrive $0xFFFF;
	s2 =	simm.s32 @!p0 $0x1C03  }
0x92: {  	[timem:s3], [sflag:s2] =	dma.local @!p0 [hbm:s0], s1  }
0x93: {  	s0 =	simm.s32 @!p0 $0x3  }
0x94: {  	_ =	swait.ge @!p0 [sflag:s0], s1  }
0x95: {  	s1 =	ssub.s32 @!p0 $0x0, s1;
	[sflag:s0] =	ssyncset.done @!p0 $0x0  }
0x96: {  	[sflag:s0] =	ssyncadd.s32 @!p0 s1  }
0x97: {  	[bflag:$0x3] =	sbarrier.arrive $0xFFFF  }
0x98: {  	_ =	shalt  }

</sc_bundles>
